<compile_context>
chip_gen: v7x
topology: tpu7x:2x2x1
jax: 0.10.2.dev20260603
libtpu: 0.0.44.dev20260713+nightly
codegen_flags: <defaults>
</compile_context>

<pallas_src>
import functools

import jax
import jax.numpy as jnp
from jax import lax
from jax.experimental import pallas as pl
from jax.experimental.pallas import tpu as pltpu
from jax.experimental.pallas import tpu_sc as plsc

_SEQ = 8192
_DIM = 1024
_BATCH = 4
_NC = 2
_NS = 16
_NW = _NC * _NS
_ROWS_PER_W = _SEQ // _NW
_CHUNK_ROWS = 16
_CHUNK = _CHUNK_ROWS * _DIM
_N_CHUNKS = _ROWS_PER_W // _CHUNK_ROWS
_UNROLL = 8

_mesh = plsc.VectorSubcoreMesh(core_axis_name="c", subcore_axis_name="s")


@functools.partial(
    pl.kernel,
    mesh=_mesh,
    out_type=jax.ShapeDtypeStruct((_BATCH * _SEQ * _DIM,), jnp.float32),
    scratch_types=(
        [pltpu.VMEM((_CHUNK,), jnp.float32)] * 5
        + [pltpu.SemaphoreType.DMA] * 8
    ),
)
def _sc_add(x_hbm, pos_hbm, out_hbm, pos_v, xb0, xb1, xb2, xb3,
            is0, is1, is2, is3, os0, os1, os2, os3):
    xb = [xb0, xb1, xb2, xb3]
    in_sem = [is0, is1, is2, is3]
    out_sem = [os0, os1, os2, os3]
    wid = lax.axis_index("s") * _NC + lax.axis_index("c")
    row0 = wid * _ROWS_PER_W

    def x_off(c, b):
        return b * (_SEQ * _DIM) + (row0 + c * _CHUNK_ROWS) * _DIM

    def start_in(c, b):
        pltpu.make_async_copy(
            x_hbm.at[pl.ds(x_off(c, b), _CHUNK)], xb[b], in_sem[b]
        ).start()

    def wait_in(b):
        pltpu.make_async_copy(
            x_hbm.at[pl.ds(0, _CHUNK)], xb[b], in_sem[b]
        ).wait()

    def start_out(c, b):
        pltpu.make_async_copy(
            xb[b], out_hbm.at[pl.ds(x_off(c, b), _CHUNK)], out_sem[b]
        ).start()

    def wait_out(b):
        pltpu.make_async_copy(
            xb[b], out_hbm.at[pl.ds(0, _CHUNK)], out_sem[b]
        ).wait()

    def compute(b):
        def body(i, carry):
            for u in range(_UNROLL):
                s = pl.ds((i * _UNROLL + u) * 16, 16)
                plsc.addupdate(xb[b].at[s], pos_v[s])
            return carry

        lax.fori_loop(0, _CHUNK // (16 * _UNROLL), body, 0)

    def load_pos(c):
        pltpu.sync_copy(
            pos_hbm.at[pl.ds((row0 + c * _CHUNK_ROWS) * _DIM, _CHUNK)], pos_v
        )

    def chunk_body(c, first, last):
        load_pos(c)
        for b in range(4):
            nb = (b + 2) % 4
            wait_in(b)
            if not (first and b < 2):
                wait_out(nb)
            if not (last and b >= 2):
                start_in(c + (1 if b >= 2 else 0), nb)
            compute(b)
            start_out(c, b)

    start_in(0, 0)
    start_in(0, 1)
    chunk_body(0, first=True, last=(_N_CHUNKS == 1))

    def fori_body(c, carry):
        chunk_body(c, first=False, last=False)
        return carry

    lax.fori_loop(1, _N_CHUNKS - 1, fori_body, 0)
    chunk_body(_N_CHUNKS - 1, first=False, last=True)
    wait_out(2)
    wait_out(3)


def kernel(x, pos_table):
    out = _sc_add(x.reshape(-1), pos_table.reshape(-1))
    return out.reshape(x.shape)

# --- scband reference (transcript-rebuilt; emitter-appended) ---
"""Pipeline reference for scband-positional-embeddings-17789754540411 (READ-ONLY COPY).

The authoritative reference and input builder live on the scoring server;
editing this copy changes nothing except your own understanding.
"""

import jax, jax.numpy as jnp
import numpy as np

SEQ_LEN = 8192
DIM = 1024
BATCH = 4

def setup_inputs(seed: int = 0) -> dict:
    key = jax.random.key(seed)
    k1, k2 = jax.random.split(key)
    x = jax.random.normal(k1, (BATCH, SEQ_LEN, DIM), dtype=jnp.float32)
    # learned positional embedding table (nn.Embedding weight), N(0,1) like torch default
    pos_table = jax.random.normal(k2, (SEQ_LEN, DIM), dtype=jnp.float32)
    return {"x": x, "pos_table": pos_table}

def reference(x, pos_table):
    # PositionalEmbeddings with NN_EMBEDDING -> NnPositionalEmbedding.forward
    # positions = arange(x.shape[1]).unsqueeze(0); return x + emb(positions)
    positions = jnp.arange(x.shape[1])
    pe = jnp.take(pos_table, positions, axis=0)  # [S, D] embedding gather
    return x + pe[None, :, :]

if __name__ == "__main__":
    import jax
    _d = setup_inputs()
    print(jax.jit(kernel)(*tuple(_d.values())))

</pallas_src>

<mosaic_0001>
#map = affine_map<(d0, d1) -> (0)>
module attributes {stable_mosaic.version = 14 : i64} {
  func.func @_sc_add(%arg0: i32, %arg1: i32, %arg2: memref<33554432xf32, #tpu.memory_space<hbm>>, %arg3: memref<8388608xf32, #tpu.memory_space<hbm>>, %arg4: memref<33554432xf32, #tpu.memory_space<hbm>>, %arg5: memref<16384xf32, #tpu.memory_space<vmem>>, %arg6: memref<16384xf32, #tpu.memory_space<vmem>>, %arg7: memref<16384xf32, #tpu.memory_space<vmem>>, %arg8: memref<16384xf32, #tpu.memory_space<vmem>>, %arg9: memref<16384xf32, #tpu.memory_space<vmem>>, %arg10: memref<!tpu.dma_semaphore, #tpu.memory_space<semaphore_mem>>, %arg11: memref<!tpu.dma_semaphore, #tpu.memory_space<semaphore_mem>>, %arg12: memref<!tpu.dma_semaphore, #tpu.memory_space<semaphore_mem>>, %arg13: memref<!tpu.dma_semaphore, #tpu.memory_space<semaphore_mem>>, %arg14: memref<!tpu.dma_semaphore, #tpu.memory_space<semaphore_mem>>, %arg15: memref<!tpu.dma_semaphore, #tpu.memory_space<semaphore_mem>>, %arg16: memref<!tpu.dma_semaphore, #tpu.memory_space<semaphore_mem>>, %arg17: memref<!tpu.dma_semaphore, #tpu.memory_space<semaphore_mem>>) attributes {dimension_semantics = [#tpu.dimension_semantics<core_parallel>, #tpu.dimension_semantics<subcore_parallel>], iteration_bounds = array<i64: 2, 16>, scalar_prefetch = 0 : i64, scratch_operands = 13 : i64, tpu.core_type = #tpu.core_type<sc_vector_subcore>, window_params = [{transform_indices = #map}, {transform_indices = #map}, {transform_indices = #map}]} {
    %mul3A = arith.constant 2 : i32
    %mul3A_0 = arith.muli %arg1, %mul3A : i32
    %add3A = arith.addi %mul3A_0, %arg0 : i32
    %mul3A_1 = arith.constant 256 : i32
    %mul3A_2 = arith.muli %add3A, %mul3A_1 : i32
    %add3A_3 = arith.constant 0 : i32
    %add3A_4 = arith.addi %mul3A_2, %add3A_3 : i32
    %mul3A_5 = arith.constant 1024 : i32
    %mul3A_6 = arith.muli %add3A_4, %mul3A_5 : i32
    %add3A_7 = arith.constant 0 : i32
    %add3A_8 = arith.addi %add3A_7, %mul3A_6 : i32
    %dma_start3A = tpu.memref_slice %arg2[%add3A_8] : memref<33554432xf32, #tpu.memory_space<hbm>> -> memref<16384xf32, #tpu.memory_space<hbm>>
    %dma_start3A_9 = tpu.memref_slice %arg2[%add3A_8] : memref<33554432xf32, #tpu.memory_space<hbm>> -> memref<16384xf32, #tpu.memory_space<hbm>>
    tpu.enqueue_dma source(%dma_start3A_9 : memref<16384xf32, #tpu.memory_space<hbm>>) target(%arg6 : memref<16384xf32, #tpu.memory_space<vmem>>) target_semaphore(%arg10 : memref<!tpu.dma_semaphore, #tpu.memory_space<semaphore_mem>>)
    %add3A_10 = arith.constant 0 : i32
    %add3A_11 = arith.addi %mul3A_2, %add3A_10 : i32
    %mul3A_12 = arith.constant 1024 : i32
    %mul3A_13 = arith.muli %add3A_11, %mul3A_12 : i32
    %add3A_14 = arith.constant 8388608 : i32
    %add3A_15 = arith.addi %add3A_14, %mul3A_13 : i32
    %dma_start3A_16 = tpu.memref_slice %arg2[%add3A_15] : memref<33554432xf32, #tpu.memory_space<hbm>> -> memref<16384xf32, #tpu.memory_space<hbm>>
    %dma_start3A_17 = tpu.memref_slice %arg2[%add3A_15] : memref<33554432xf32, #tpu.memory_space<hbm>> -> memref<16384xf32, #tpu.memory_space<hbm>>
    tpu.enqueue_dma source(%dma_start3A_17 : memref<16384xf32, #tpu.memory_space<hbm>>) target(%arg7 : memref<16384xf32, #tpu.memory_space<vmem>>) target_semaphore(%arg11 : memref<!tpu.dma_semaphore, #tpu.memory_space<semaphore_mem>>)
    %add3A_18 = arith.constant 0 : i32
    %add3A_19 = arith.addi %mul3A_2, %add3A_18 : i32
    %mul3A_20 = arith.constant 1024 : i32
    %mul3A_21 = arith.muli %add3A_19, %mul3A_20 : i32
    "tpu.region"() ({
      %run_scoped3A = tpu.sem_alloc : memref<!tpu.dma_semaphore, #tpu.memory_space<semaphore_mem>>
      %dma_start3A_254 = tpu.memref_slice %arg3[%mul3A_21] : memref<8388608xf32, #tpu.memory_space<hbm>> -> memref<16384xf32, #tpu.memory_space<hbm>>
      %dma_start3A_255 = tpu.memref_slice %arg3[%mul3A_21] : memref<8388608xf32, #tpu.memory_space<hbm>> -> memref<16384xf32, #tpu.memory_space<hbm>>
      tpu.enqueue_dma source(%dma_start3A_255 : memref<16384xf32, #tpu.memory_space<hbm>>) target(%arg5 : memref<16384xf32, #tpu.memory_space<vmem>>) target_semaphore(%run_scoped3A : memref<!tpu.dma_semaphore, #tpu.memory_space<semaphore_mem>>)
      %dma_wait3A_256 = tpu.memref_slice %arg3[%mul3A_21] : memref<8388608xf32, #tpu.memory_space<hbm>> -> memref<16384xf32, #tpu.memory_space<hbm>>
      %dma_wait3A_257 = tpu.memref_slice %arg3[%mul3A_21] : memref<8388608xf32, #tpu.memory_space<hbm>> -> memref<16384xf32, #tpu.memory_space<hbm>>
      tpu.wait_dma2 semaphore(%run_scoped3A : memref<!tpu.dma_semaphore, #tpu.memory_space<semaphore_mem>>) src(%dma_wait3A_257 : memref<16384xf32, #tpu.memory_space<hbm>>) dst(%arg5 : memref<16384xf32, #tpu.memory_space<vmem>>)
      tpu.yield
    }) : () -> ()
    %dma_wait3A = arith.constant 0 : i32
    %dma_wait3A_22 = tpu.memref_slice %arg2[%dma_wait3A] : memref<33554432xf32, #tpu.memory_space<hbm>> -> memref<16384xf32, #tpu.memory_space<hbm>>
    %dma_wait3A_23 = arith.constant 0 : i32
    %dma_wait3A_24 = tpu.memref_slice %arg2[%dma_wait3A_23] : memref<33554432xf32, #tpu.memory_space<hbm>> -> memref<16384xf32, #tpu.memory_space<hbm>>
    tpu.wait_dma2 semaphore(%arg10 : memref<!tpu.dma_semaphore, #tpu.memory_space<semaphore_mem>>) src(%dma_wait3A_24 : memref<16384xf32, #tpu.memory_space<hbm>>) dst(%arg6 : memref<16384xf32, #tpu.memory_space<vmem>>)
    %add3A_25 = arith.constant 0 : i32
    %add3A_26 = arith.addi %mul3A_2, %add3A_25 : i32
    %mul3A_27 = arith.constant 1024 : i32
    %mul3A_28 = arith.muli %add3A_26, %mul3A_27 : i32
    %add3A_29 = arith.constant 16777216 : i32
    %add3A_30 = arith.addi %add3A_29, %mul3A_28 : i32
    %dma_start3A_31 = tpu.memref_slice %arg2[%add3A_30] : memref<33554432xf32, #tpu.memory_space<hbm>> -> memref<16384xf32, #tpu.memory_space<hbm>>
    %dma_start3A_32 = tpu.memref_slice %arg2[%add3A_30] : memref<33554432xf32, #tpu.memory_space<hbm>> -> memref<16384xf32, #tpu.memory_space<hbm>>
    tpu.enqueue_dma source(%dma_start3A_32 : memref<16384xf32, #tpu.memory_space<hbm>>) target(%arg8 : memref<16384xf32, #tpu.memory_space<vmem>>) target_semaphore(%arg12 : memref<!tpu.dma_semaphore, #tpu.memory_space<semaphore_mem>>)
    %scan3A = arith.constant 0 : i32
    %scan3A_33 = arith.constant 0 : i32
    %scan3A_34 = arith.constant 128 : i32
    %scan3A_35 = arith.addi %scan3A_33, %scan3A_34 : i32
    %scan3A_36 = arith.constant 1 : i32
    scf.for %scan3A_254 = %scan3A_33 to %scan3A_35 step %scan3A_36  : i32 {
      %mul3A_255 = arith.constant 8 : i32
      %mul3A_256 = arith.muli %scan3A_254, %mul3A_255 : i32
      %add3A_257 = arith.constant 0 : i32
      %add3A_258 = arith.addi %mul3A_256, %add3A_257 : i32
      %mul3A_259 = arith.constant 16 : i32
      %mul3A_260 = arith.muli %add3A_258, %mul3A_259 : i32
      %get3A = arith.index_cast %mul3A_260 : i32 to index
      %get3A_261 = tpu.vector_load %arg5[%get3A] {strides = array<i32>} : memref<16384xf32, #tpu.memory_space<vmem>>, vector<16xf32>,
      %get3A_262 = vector.shape_cast %get3A_261 : vector<16xf32> to vector<16xf32>
      %swap3A = arith.index_cast %mul3A_260 : i32 to index
      %swap3A_263 = tpu.vector_load %arg6[%swap3A] {strides = array<i32>} : memref<16384xf32, #tpu.memory_space<vmem>>, vector<16xf32>,
      %swap3A_264 = vector.shape_cast %swap3A_263 : vector<16xf32> to vector<16xf32>
      %swap3A_265 = vector.shape_cast %get3A_262 : vector<16xf32> to vector<16xf32>
      tpu.vector_store %arg6[%swap3A], %swap3A_265 {add = true, strides = array<i32>} : memref<16384xf32, #tpu.memory_space<vmem>>, vector<16xf32>,
      %mul3A_266 = arith.constant 8 : i32
      %mul3A_267 = arith.muli %scan3A_254, %mul3A_266 : i32
      %add3A_268 = arith.constant 1 : i32
      %add3A_269 = arith.addi %mul3A_267, %add3A_268 : i32
      %mul3A_270 = arith.constant 16 : i32
      %mul3A_271 = arith.muli %add3A_269, %mul3A_270 : i32
      %get3A_272 = arith.index_cast %mul3A_271 : i32 to index
      %get3A_273 = tpu.vector_load %arg5[%get3A_272] {strides = array<i32>} : memref<16384xf32, #tpu.memory_space<vmem>>, vector<16xf32>,
      %get3A_274 = vector.shape_cast %get3A_273 : vector<16xf32> to vector<16xf32>
      %swap3A_275 = arith.index_cast %mul3A_271 : i32 to index
      %swap3A_276 = tpu.vector_load %arg6[%swap3A_275] {strides = array<i32>} : memref<16384xf32, #tpu.memory_space<vmem>>, vector<16xf32>,
      %swap3A_277 = vector.shape_cast %swap3A_276 : vector<16xf32> to vector<16xf32>
      %swap3A_278 = vector.shape_cast %get3A_274 : vector<16xf32> to vector<16xf32>
      tpu.vector_store %arg6[%swap3A_275], %swap3A_278 {add = true, strides = array<i32>} : memref<16384xf32, #tpu.memory_space<vmem>>, vector<16xf32>,
      %mul3A_279 = arith.constant 8 : i32
      %mul3A_280 = arith.muli %scan3A_254, %mul3A_279 : i32
      %add3A_281 = arith.constant 2 : i32
      %add3A_282 = arith.addi %mul3A_280, %add3A_281 : i32
      %mul3A_283 = arith.constant 16 : i32
      %mul3A_284 = arith.muli %add3A_282, %mul3A_283 : i32
      %get3A_285 = arith.index_cast %mul3A_284 : i32 to index
      %get3A_286 = tpu.vector_load %arg5[%get3A_285] {strides = array<i32>} : memref<16384xf32, #tpu.memory_space<vmem>>, vector<16xf32>,
      %get3A_287 = vector.shape_cast %get3A_286 : vector<16xf32> to vector<16xf32>
      %swap3A_288 = arith.index_cast %mul3A_284 : i32 to index
      %swap3A_289 = tpu.vector_load %arg6[%swap3A_288] {strides = array<i32>} : memref<16384xf32, #tpu.memory_space<vmem>>, vector<16xf32>,
      %swap3A_290 = vector.shape_cast %swap3A_289 : vector<16xf32> to vector<16xf32>
      %swap3A_291 = vector.shape_cast %get3A_287 : vector<16xf32> to vector<16xf32>
      tpu.vector_store %arg6[%swap3A_288], %swap3A_291 {add = true, strides = array<i32>} : memref<16384xf32, #tpu.memory_space<vmem>>, vector<16xf32>,
      %mul3A_292 = arith.constant 8 : i32
      %mul3A_293 = arith.muli %scan3A_254, %mul3A_292 : i32
      %add3A_294 = arith.constant 3 : i32
      %add3A_295 = arith.addi %mul3A_293, %add3A_294 : i32
      %mul3A_296 = arith.constant 16 : i32
      %mul3A_297 = arith.muli %add3A_295, %mul3A_296 : i32
      %get3A_298 = arith.index_cast %mul3A_297 : i32 to index
      %get3A_299 = tpu.vector_load %arg5[%get3A_298] {strides = array<i32>} : memref<16384xf32, #tpu.memory_space<vmem>>, vector<16xf32>,
      %get3A_300 = vector.shape_cast %get3A_299 : vector<16xf32> to vector<16xf32>
      %swap3A_301 = arith.index_cast %mul3A_297 : i32 to index
      %swap3A_302 = tpu.vector_load %arg6[%swap3A_301] {strides = array<i32>} : memref<16384xf32, #tpu.memory_space<vmem>>, vector<16xf32>,
      %swap3A_303 = vector.shape_cast %swap3A_302 : vector<16xf32> to vector<16xf32>
      %swap3A_304 = vector.shape_cast %get3A_300 : vector<16xf32> to vector<16xf32>
      tpu.vector_store %arg6[%swap3A_301], %swap3A_304 {add = true, strides = array<i32>} : memref<16384xf32, #tpu.memory_space<vmem>>, vector<16xf32>,
      %mul3A_305 = arith.constant 8 : i32
      %mul3A_306 = arith.muli %scan3A_254, %mul3A_305 : i32
      %add3A_307 = arith.constant 4 : i32
      %add3A_308 = arith.addi %mul3A_306, %add3A_307 : i32
      %mul3A_309 = arith.constant 16 : i32
      %mul3A_310 = arith.muli %add3A_308, %mul3A_309 : i32
      %get3A_311 = arith.index_cast %mul3A_310 : i32 to index
      %get3A_312 = tpu.vector_load %arg5[%get3A_311] {strides = array<i32>} : memref<16384xf32, #tpu.memory_space<vmem>>, vector<16xf32>,
      %get3A_313 = vector.shape_cast %get3A_312 : vector<16xf32> to vector<16xf32>
      %swap3A_314 = arith.index_cast %mul3A_310 : i32 to index
      %swap3A_315 = tpu.vector_load %arg6[%swap3A_314] {strides = array<i32>} : memref<16384xf32, #tpu.memory_space<vmem>>, vector<16xf32>,
      %swap3A_316 = vector.shape_cast %swap3A_315 : vector<16xf32> to vector<16xf32>
      %swap3A_317 = vector.shape_cast %get3A_313 : vector<16xf32> to vector<16xf32>
      tpu.vector_store %arg6[%swap3A_314], %swap3A_317 {add = true, strides = array<i32>} : memref<16384xf32, #tpu.memory_space<vmem>>, vector<16xf32>,
      %mul3A_318 = arith.constant 8 : i32
      %mul3A_319 = arith.muli %scan3A_254, %mul3A_318 : i32
      %add3A_320 = arith.constant 5 : i32
      %add3A_321 = arith.addi %mul3A_319, %add3A_320 : i32
      %mul3A_322 = arith.constant 16 : i32
      %mul3A_323 = arith.muli %add3A_321, %mul3A_322 : i32
      %get3A_324 = arith.index_cast %mul3A_323 : i32 to index
      %get3A_325 = tpu.vector_load %arg5[%get3A_324] {strides = array<i32>} : memref<16384xf32, #tpu.memory_space<vmem>>, vector<16xf32>,
      %get3A_326 = vector.shape_cast %get3A_325 : vector<16xf32> to vector<16xf32>
      %swap3A_327 = arith.index_cast %mul3A_323 : i32 to index
      %swap3A_328 = tpu.vector_load %arg6[%swap3A_327] {strides = array<i32>} : memref<16384xf32, #tpu.memory_space<vmem>>, vector<16xf32>,
      %swap3A_329 = vector.shape_cast %swap3A_328 : vector<16xf32> to vector<16xf32>
      %swap3A_330 = vector.shape_cast %get3A_326 : vector<16xf32> to vector<16xf32>
      tpu.vector_store %arg6[%swap3A_327], %swap3A_330 {add = true, strides = array<i32>} : memref<16384xf32, #tpu.memory_space<vmem>>, vector<16xf32>,
      %mul3A_331 = arith.constant 8 : i32
      %mul3A_332 = arith.muli %scan3A_254, %mul3A_331 : i32
      %add3A_333 = arith.constant 6 : i32
      %add3A_334 = arith.addi %mul3A_332, %add3A_333 : i32
      %mul3A_335 = arith.constant 16 : i32
      %mul3A_336 = arith.muli %add3A_334, %mul3A_335 : i32
      %get3A_337 = arith.index_cast %mul3A_336 : i32 to index
      %get3A_338 = tpu.vector_load %arg5[%get3A_337] {strides = array<i32>} : memref<16384xf32, #tpu.memory_space<vmem>>, vector<16xf32>,
      %get3A_339 = vector.shape_cast %get3A_338 : vector<16xf32> to vector<16xf32>
      %swap3A_340 = arith.index_cast %mul3A_336 : i32 to index
      %swap3A_341 = tpu.vector_load %arg6[%swap3A_340] {strides = array<i32>} : memref<16384xf32, #tpu.memory_space<vmem>>, vector<16xf32>,
      %swap3A_342 = vector.shape_cast %swap3A_341 : vector<16xf32> to vector<16xf32>
      %swap3A_343 = vector.shape_cast %get3A_339 : vector<16xf32> to vector<16xf32>
      tpu.vector_store %arg6[%swap3A_340], %swap3A_343 {add = true, strides = array<i32>} : memref<16384xf32, #tpu.memory_space<vmem>>, vector<16xf32>,
      %mul3A_344 = arith.constant 8 : i32
      %mul3A_345 = arith.muli %scan3A_254, %mul3A_344 : i32
      %add3A_346 = arith.constant 7 : i32
      %add3A_347 = arith.addi %mul3A_345, %add3A_346 : i32
      %mul3A_348 = arith.constant 16 : i32
      %mul3A_349 = arith.muli %add3A_347, %mul3A_348 : i32
      %get3A_350 = arith.index_cast %mul3A_349 : i32 to index
      %get3A_351 = tpu.vector_load %arg5[%get3A_350] {strides = array<i32>} : memref<16384xf32, #tpu.memory_space<vmem>>, vector<16xf32>,
      %get3A_352 = vector.shape_cast %get3A_351 : vector<16xf32> to vector<16xf32>
      %swap3A_353 = arith.index_cast %mul3A_349 : i32 to index
      %swap3A_354 = tpu.vector_load %arg6[%swap3A_353] {strides = array<i32>} : memref<16384xf32, #tpu.memory_space<vmem>>, vector<16xf32>,
      %swap3A_355 = vector.shape_cast %swap3A_354 : vector<16xf32> to vector<16xf32>
      %swap3A_356 = vector.shape_cast %get3A_352 : vector<16xf32> to vector<16xf32>
      tpu.vector_store %arg6[%swap3A_353], %swap3A_356 {add = true, strides = array<i32>} : memref<16384xf32, #tpu.memory_space<vmem>>, vector<16xf32>,
    }
    %scan3A_37 = arith.constant 128 : i32
    %add3A_38 = arith.constant 0 : i32
    %add3A_39 = arith.addi %mul3A_2, %add3A_38 : i32
    %mul3A_40 = arith.constant 1024 : i32
    %mul3A_41 = arith.muli %add3A_39, %mul3A_40 : i32
    %add3A_42 = arith.constant 0 : i32
    %add3A_43 = arith.addi %add3A_42, %mul3A_41 : i32
    %dma_start3A_44 = tpu.memref_slice %arg4[%add3A_43] : memref<33554432xf32, #tpu.memory_space<hbm>> -> memref<16384xf32, #tpu.memory_space<hbm>>
    %dma_start3A_45 = tpu.memref_slice %arg4[%add3A_43] : memref<33554432xf32, #tpu.memory_space<hbm>> -> memref<16384xf32, #tpu.memory_space<hbm>>
    tpu.enqueue_dma source(%arg6 : memref<16384xf32, #tpu.memory_space<vmem>>) target(%dma_start3A_45 : memref<16384xf32, #tpu.memory_space<hbm>>) target_semaphore(%arg14 : memref<!tpu.dma_semaphore, #tpu.memory_space<semaphore_mem>>)
    %dma_wait3A_46 = arith.constant 0 : i32
    %dma_wait3A_47 = tpu.memref_slice %arg2[%dma_wait3A_46] : memref<33554432xf32, #tpu.memory_space<hbm>> -> memref<16384xf32, #tpu.memory_space<hbm>>
    %dma_wait3A_48 = arith.constant 0 : i32
    %dma_wait3A_49 = tpu.memref_slice %arg2[%dma_wait3A_48] : memref<33554432xf32, #tpu.memory_space<hbm>> -> memref<16384xf32, #tpu.memory_space<hbm>>
    tpu.wait_dma2 semaphore(%arg11 : memref<!tpu.dma_semaphore, #tpu.memory_space<semaphore_mem>>) src(%dma_wait3A_49 : memref<16384xf32, #tpu.memory_space<hbm>>) dst(%arg7 : memref<16384xf32, #tpu.memory_space<vmem>>)
    %add3A_50 = arith.constant 0 : i32
    %add3A_51 = arith.addi %mul3A_2, %add3A_50 : i32
    %mul3A_52 = arith.constant 1024 : i32
    %mul3A_53 = arith.muli %add3A_51, %mul3A_52 : i32
    %add3A_54 = arith.constant 25165824 : i32
    %add3A_55 = arith.addi %add3A_54, %mul3A_53 : i32
    %dma_start3A_56 = tpu.memref_slice %arg2[%add3A_55] : memref<33554432xf32, #tpu.memory_space<hbm>> -> memref<16384xf32, #tpu.memory_space<hbm>>
    %dma_start3A_57 = tpu.memref_slice %arg2[%add3A_55] : memref<33554432xf32, #tpu.memory_space<hbm>> -> memref<16384xf32, #tpu.memory_space<hbm>>
    tpu.enqueue_dma source(%dma_start3A_57 : memref<16384xf32, #tpu.memory_space<hbm>>) target(%arg9 : memref<16384xf32, #tpu.memory_space<vmem>>) target_semaphore(%arg13 : memref<!tpu.dma_semaphore, #tpu.memory_space<semaphore_mem>>)
    %scan3A_58 = arith.constant 0 : i32
    %scan3A_59 = arith.constant 0 : i32
    %scan3A_60 = arith.constant 128 : i32
    %scan3A_61 = arith.addi %scan3A_59, %scan3A_60 : i32
    %scan3A_62 = arith.constant 1 : i32
    scf.for %scan3A_254 = %scan3A_59 to %scan3A_61 step %scan3A_62  : i32 {
      %mul3A_255 = arith.constant 8 : i32
      %mul3A_256 = arith.muli %scan3A_254, %mul3A_255 : i32
      %add3A_257 = arith.constant 0 : i32
      %add3A_258 = arith.addi %mul3A_256, %add3A_257 : i32
      %mul3A_259 = arith.constant 16 : i32
      %mul3A_260 = arith.muli %add3A_258, %mul3A_259 : i32
      %get3A = arith.index_cast %mul3A_260 : i32 to index
      %get3A_261 = tpu.vector_load %arg5[%get3A] {strides = array<i32>} : memref<16384xf32, #tpu.memory_space<vmem>>, vector<16xf32>,
      %get3A_262 = vector.shape_cast %get3A_261 : vector<16xf32> to vector<16xf32>
      %swap3A = arith.index_cast %mul3A_260 : i32 to index
      %swap3A_263 = tpu.vector_load %arg7[%swap3A] {strides = array<i32>} : memref<16384xf32, #tpu.memory_space<vmem>>, vector<16xf32>,
      %swap3A_264 = vector.shape_cast %swap3A_263 : vector<16xf32> to vector<16xf32>
      %swap3A_265 = vector.shape_cast %get3A_262 : vector<16xf32> to vector<16xf32>
      tpu.vector_store %arg7[%swap3A], %swap3A_265 {add = true, strides = array<i32>} : memref<16384xf32, #tpu.memory_space<vmem>>, vector<16xf32>,
      %mul3A_266 = arith.constant 8 : i32
      %mul3A_267 = arith.muli %scan3A_254, %mul3A_266 : i32
      %add3A_268 = arith.constant 1 : i32
      %add3A_269 = arith.addi %mul3A_267, %add3A_268 : i32
      %mul3A_270 = arith.constant 16 : i32
      %mul3A_271 = arith.muli %add3A_269, %mul3A_270 : i32
      %get3A_272 = arith.index_cast %mul3A_271 : i32 to index
      %get3A_273 = tpu.vector_load %arg5[%get3A_272] {strides = array<i32>} : memref<16384xf32, #tpu.memory_space<vmem>>, vector<16xf32>,
      %get3A_274 = vector.shape_cast %get3A_273 : vector<16xf32> to vector<16xf32>
      %swap3A_275 = arith.index_cast %mul3A_271 : i32 to index
      %swap3A_276 = tpu.vector_load %arg7[%swap3A_275] {strides = array<i32>} : memref<16384xf32, #tpu.memory_space<vmem>>, vector<16xf32>,
      %swap3A_277 = vector.shape_cast %swap3A_276 : vector<16xf32> to vector<16xf32>
      %swap3A_278 = vector.shape_cast %get3A_274 : vector<16xf32> to vector<16xf32>
      tpu.vector_store %arg7[%swap3A_275], %swap3A_278 {add = true, strides = array<i32>} : memref<16384xf32, #tpu.memory_space<vmem>>, vector<16xf32>,
      %mul3A_279 = arith.constant 8 : i32
      %mul3A_280 = arith.muli %scan3A_254, %mul3A_279 : i32
      %add3A_281 = arith.constant 2 : i32
      %add3A_282 = arith.addi %mul3A_280, %add3A_281 : i32
      %mul3A_283 = arith.constant 16 : i32
      %mul3A_284 = arith.muli %add3A_282, %mul3A_283 : i32
      %get3A_285 = arith.index_cast %mul3A_284 : i32 to index
      %get3A_286 = tpu.vector_load %arg5[%get3A_285] {strides = array<i32>} : memref<16384xf32, #tpu.memory_space<vmem>>, vector<16xf32>,
      %get3A_287 = vector.shape_cast %get3A_286 : vector<16xf32> to vector<16xf32>
      %swap3A_288 = arith.index_cast %mul3A_284 : i32 to index
      %swap3A_289 = tpu.vector_load %arg7[%swap3A_288] {strides = array<i32>} : memref<16384xf32, #tpu.memory_space<vmem>>, vector<16xf32>,
      %swap3A_290 = vector.shape_cast %swap3A_289 : vector<16xf32> to vector<16xf32>
      %swap3A_291 = vector.shape_cast %get3A_287 : vector<16xf32> to vector<16xf32>
      tpu.vector_store %arg7[%swap3A_288], %swap3A_291 {add = true, strides = array<i32>} : memref<16384xf32, #tpu.memory_space<vmem>>, vector<16xf32>,
      %mul3A_292 = arith.constant 8 : i32
      %mul3A_293 = arith.muli %scan3A_254, %mul3A_292 : i32
      %add3A_294 = arith.constant 3 : i32
      %add3A_295 = arith.addi %mul3A_293, %add3A_294 : i32
      %mul3A_296 = arith.constant 16 : i32
      %mul3A_297 = arith.muli %add3A_295, %mul3A_296 : i32
      %get3A_298 = arith.index_cast %mul3A_297 : i32 to index
      %get3A_299 = tpu.vector_load %arg5[%get3A_298] {strides = array<i32>} : memref<16384xf32, #tpu.memory_space<vmem>>, vector<16xf32>,
      %get3A_300 = vector.shape_cast %get3A_299 : vector<16xf32> to vector<16xf32>
      %swap3A_301 = arith.index_cast %mul3A_297 : i32 to index
      %swap3A_302 = tpu.vector_load %arg7[%swap3A_301] {strides = array<i32>} : memref<16384xf32, #tpu.memory_space<vmem>>, vector<16xf32>,
      %swap3A_303 = vector.shape_cast %swap3A_302 : vector<16xf32> to vector<16xf32>
      %swap3A_304 = vector.shape_cast %get3A_300 : vector<16xf32> to vector<16xf32>
      tpu.vector_store %arg7[%swap3A_301], %swap3A_304 {add = true, strides = array<i32>} : memref<16384xf32, #tpu.memory_space<vmem>>, vector<16xf32>,
      %mul3A_305 = arith.constant 8 : i32
      %mul3A_306 = arith.muli %scan3A_254, %mul3A_305 : i32
      %add3A_307 = arith.constant 4 : i32
      %add3A_308 = arith.addi %mul3A_306, %add3A_307 : i32
      %mul3A_309 = arith.constant 16 : i32
      %mul3A_310 = arith.muli %add3A_308, %mul3A_309 : i32
      %get3A_311 = arith.index_cast %mul3A_310 : i32 to index
      %get3A_312 = tpu.vector_load %arg5[%get3A_311] {strides = array<i32>} : memref<16384xf32, #tpu.memory_space<vmem>>, vector<16xf32>,
      %get3A_313 = vector.shape_cast %get3A_312 : vector<16xf32> to vector<16xf32>
      %swap3A_314 = arith.index_cast %mul3A_310 : i32 to index
      %swap3A_315 = tpu.vector_load %arg7[%swap3A_314] {strides = array<i32>} : memref<16384xf32, #tpu.memory_space<vmem>>, vector<16xf32>,
      %swap3A_316 = vector.shape_cast %swap3A_315 : vector<16xf32> to vector<16xf32>
      %swap3A_317 = vector.shape_cast %get3A_313 : vector<16xf32> to vector<16xf32>
      tpu.vector_store %arg7[%swap3A_314], %swap3A_317 {add = true, strides = array<i32>} : memref<16384xf32, #tpu.memory_space<vmem>>, vector<16xf32>,
      %mul3A_318 = arith.constant 8 : i32
      %mul3A_319 = arith.muli %scan3A_254, %mul3A_318 : i32
      %add3A_320 = arith.constant 5 : i32
      %add3A_321 = arith.addi %mul3A_319, %add3A_320 : i32
      %mul3A_322 = arith.constant 16 : i32
      %mul3A_323 = arith.muli %add3A_321, %mul3A_322 : i32
      %get3A_324 = arith.index_cast %mul3A_323 : i32 to index
      %get3A_325 = tpu.vector_load %arg5[%get3A_324] {strides = array<i32>} : memref<16384xf32, #tpu.memory_space<vmem>>, vector<16xf32>,
      %get3A_326 = vector.shape_cast %get3A_325 : vector<16xf32> to vector<16xf32>
      %swap3A_327 = arith.index_cast %mul3A_323 : i32 to index
      %swap3A_328 = tpu.vector_load %arg7[%swap3A_327] {strides = array<i32>} : memref<16384xf32, #tpu.memory_space<vmem>>, vector<16xf32>,
      %swap3A_329 = vector.shape_cast %swap3A_328 : vector<16xf32> to vector<16xf32>
      %swap3A_330 = vector.shape_cast %get3A_326 : vector<16xf32> to vector<16xf32>
      tpu.vector_store %arg7[%swap3A_327], %swap3A_330 {add = true, strides = array<i32>} : memref<16384xf32, #tpu.memory_space<vmem>>, vector<16xf32>,
      %mul3A_331 = arith.constant 8 : i32
      %mul3A_332 = arith.muli %scan3A_254, %mul3A_331 : i32
      %add3A_333 = arith.constant 6 : i32
      %add3A_334 = arith.addi %mul3A_332, %add3A_333 : i32
      %mul3A_335 = arith.constant 16 : i32
      %mul3A_336 = arith.muli %add3A_334, %mul3A_335 : i32
      %get3A_337 = arith.index_cast %mul3A_336 : i32 to index
      %get3A_338 = tpu.vector_load %arg5[%get3A_337] {strides = array<i32>} : memref<16384xf32, #tpu.memory_space<vmem>>, vector<16xf32>,
      %get3A_339 = vector.shape_cast %get3A_338 : vector<16xf32> to vector<16xf32>
      %swap3A_340 = arith.index_cast %mul3A_336 : i32 to index
      %swap3A_341 = tpu.vector_load %arg7[%swap3A_340] {strides = array<i32>} : memref<16384xf32, #tpu.memory_space<vmem>>, vector<16xf32>,
      %swap3A_342 = vector.shape_cast %swap3A_341 : vector<16xf32> to vector<16xf32>
      %swap3A_343 = vector.shape_cast %get3A_339 : vector<16xf32> to vector<16xf32>
      tpu.vector_store %arg7[%swap3A_340], %swap3A_343 {add = true, strides = array<i32>} : memref<16384xf32, #tpu.memory_space<vmem>>, vector<16xf32>,
      %mul3A_344 = arith.constant 8 : i32
      %mul3A_345 = arith.muli %scan3A_254, %mul3A_344 : i32
      %add3A_346 = arith.constant 7 : i32
      %add3A_347 = arith.addi %mul3A_345, %add3A_346 : i32
      %mul3A_348 = arith.constant 16 : i32
      %mul3A_349 = arith.muli %add3A_347, %mul3A_348 : i32
      %get3A_350 = arith.index_cast %mul3A_349 : i32 to index
      %get3A_351 = tpu.vector_load %arg5[%get3A_350] {strides = array<i32>} : memref<16384xf32, #tpu.memory_space<vmem>>, vector<16xf32>,
      %get3A_352 = vector.shape_cast %get3A_351 : vector<16xf32> to vector<16xf32>
      %swap3A_353 = arith.index_cast %mul3A_349 : i32 to index
      %swap3A_354 = tpu.vector_load %arg7[%swap3A_353] {strides = array<i32>} : memref<16384xf32, #tpu.memory_space<vmem>>, vector<16xf32>,
      %swap3A_355 = vector.shape_cast %swap3A_354 : vector<16xf32> to vector<16xf32>
      %swap3A_356 = vector.shape_cast %get3A_352 : vector<16xf32> to vector<16xf32>
      tpu.vector_store %arg7[%swap3A_353], %swap3A_356 {add = true, strides = array<i32>} : memref<16384xf32, #tpu.memory_space<vmem>>, vector<16xf32>,
    }
    %scan3A_63 = arith.constant 128 : i32
    %add3A_64 = arith.constant 0 : i32
    %add3A_65 = arith.addi %mul3A_2, %add3A_64 : i32
    %mul3A_66 = arith.constant 1024 : i32
    %mul3A_67 = arith.muli %add3A_65, %mul3A_66 : i32
    %add3A_68 = arith.constant 8388608 : i32
    %add3A_69 = arith.addi %add3A_68, %mul3A_67 : i32
    %dma_start3A_70 = tpu.memref_slice %arg4[%add3A_69] : memref<33554432xf32, #tpu.memory_space<hbm>> -> memref<16384xf32, #tpu.memory_space<hbm>>
    %dma_start3A_71 = tpu.memref_slice %arg4[%add3A_69] : memref<33554432xf32, #tpu.memory_space<hbm>> -> memref<16384xf32, #tpu.memory_space<hbm>>
    tpu.enqueue_dma source(%arg7 : memref<16384xf32, #tpu.memory_space<vmem>>) target(%dma_start3A_71 : memref<16384xf32, #tpu.memory_space<hbm>>) target_semaphore(%arg15 : memref<!tpu.dma_semaphore, #tpu.memory_space<semaphore_mem>>)
    %dma_wait3A_72 = arith.constant 0 : i32
    %dma_wait3A_73 = tpu.memref_slice %arg2[%dma_wait3A_72] : memref<33554432xf32, #tpu.memory_space<hbm>> -> memref<16384xf32, #tpu.memory_space<hbm>>
    %dma_wait3A_74 = arith.constant 0 : i32
    %dma_wait3A_75 = tpu.memref_slice %arg2[%dma_wait3A_74] : memref<33554432xf32, #tpu.memory_space<hbm>> -> memref<16384xf32, #tpu.memory_space<hbm>>
    tpu.wait_dma2 semaphore(%arg12 : memref<!tpu.dma_semaphore, #tpu.memory_space<semaphore_mem>>) src(%dma_wait3A_75 : memref<16384xf32, #tpu.memory_space<hbm>>) dst(%arg8 : memref<16384xf32, #tpu.memory_space<vmem>>)
    %dma_wait3A_76 = arith.constant 0 : i32
    %dma_wait3A_77 = tpu.memref_slice %arg4[%dma_wait3A_76] : memref<33554432xf32, #tpu.memory_space<hbm>> -> memref<16384xf32, #tpu.memory_space<hbm>>
    %dma_wait3A_78 = arith.constant 0 : i32
    %dma_wait3A_79 = tpu.memref_slice %arg4[%dma_wait3A_78] : memref<33554432xf32, #tpu.memory_space<hbm>> -> memref<16384xf32, #tpu.memory_space<hbm>>
    tpu.wait_dma2 semaphore(%arg14 : memref<!tpu.dma_semaphore, #tpu.memory_space<semaphore_mem>>) src(%arg6 : memref<16384xf32, #tpu.memory_space<vmem>>) dst(%dma_wait3A_79 : memref<16384xf32, #tpu.memory_space<hbm>>)
    %add3A_80 = arith.constant 16 : i32
    %add3A_81 = arith.addi %mul3A_2, %add3A_80 : i32
    %mul3A_82 = arith.constant 1024 : i32
    %mul3A_83 = arith.muli %add3A_81, %mul3A_82 : i32
    %add3A_84 = arith.constant 0 : i32
    %add3A_85 = arith.addi %add3A_84, %mul3A_83 : i32
    %dma_start3A_86 = tpu.memref_slice %arg2[%add3A_85] : memref<33554432xf32, #tpu.memory_space<hbm>> -> memref<16384xf32, #tpu.memory_space<hbm>>
    %dma_start3A_87 = tpu.memref_slice %arg2[%add3A_85] : memref<33554432xf32, #tpu.memory_space<hbm>> -> memref<16384xf32, #tpu.memory_space<hbm>>
    tpu.enqueue_dma source(%dma_start3A_87 : memref<16384xf32, #tpu.memory_space<hbm>>) target(%arg6 : memref<16384xf32, #tpu.memory_space<vmem>>) target_semaphore(%arg10 : memref<!tpu.dma_semaphore, #tpu.memory_space<semaphore_mem>>)
    %scan3A_88 = arith.constant 0 : i32
    %scan3A_89 = arith.constant 0 : i32
    %scan3A_90 = arith.constant 128 : i32
    %scan3A_91 = arith.addi %scan3A_89, %scan3A_90 : i32
    %scan3A_92 = arith.constant 1 : i32
    scf.for %scan3A_254 = %scan3A_89 to %scan3A_91 step %scan3A_92  : i32 {
      %mul3A_255 = arith.constant 8 : i32
      %mul3A_256 = arith.muli %scan3A_254, %mul3A_255 : i32
      %add3A_257 = arith.constant 0 : i32
      %add3A_258 = arith.addi %mul3A_256, %add3A_257 : i32
      %mul3A_259 = arith.constant 16 : i32
      %mul3A_260 = arith.muli %add3A_258, %mul3A_259 : i32
      %get3A = arith.index_cast %mul3A_260 : i32 to index
      %get3A_261 = tpu.vector_load %arg5[%get3A] {strides = array<i32>} : memref<16384xf32, #tpu.memory_space<vmem>>, vector<16xf32>,
      %get3A_262 = vector.shape_cast %get3A_261 : vector<16xf32> to vector<16xf32>
      %swap3A = arith.index_cast %mul3A_260 : i32 to index
      %swap3A_263 = tpu.vector_load %arg8[%swap3A] {strides = array<i32>} : memref<16384xf32, #tpu.memory_space<vmem>>, vector<16xf32>,
      %swap3A_264 = vector.shape_cast %swap3A_263 : vector<16xf32> to vector<16xf32>
      %swap3A_265 = vector.shape_cast %get3A_262 : vector<16xf32> to vector<16xf32>
      tpu.vector_store %arg8[%swap3A], %swap3A_265 {add = true, strides = array<i32>} : memref<16384xf32, #tpu.memory_space<vmem>>, vector<16xf32>,
      %mul3A_266 = arith.constant 8 : i32
      %mul3A_267 = arith.muli %scan3A_254, %mul3A_266 : i32
      %add3A_268 = arith.constant 1 : i32
      %add3A_269 = arith.addi %mul3A_267, %add3A_268 : i32
      %mul3A_270 = arith.constant 16 : i32
      %mul3A_271 = arith.muli %add3A_269, %mul3A_270 : i32
      %get3A_272 = arith.index_cast %mul3A_271 : i32 to index
      %get3A_273 = tpu.vector_load %arg5[%get3A_272] {strides = array<i32>} : memref<16384xf32, #tpu.memory_space<vmem>>, vector<16xf32>,
      %get3A_274 = vector.shape_cast %get3A_273 : vector<16xf32> to vector<16xf32>
      %swap3A_275 = arith.index_cast %mul3A_271 : i32 to index
      %swap3A_276 = tpu.vector_load %arg8[%swap3A_275] {strides = array<i32>} : memref<16384xf32, #tpu.memory_space<vmem>>, vector<16xf32>,
      %swap3A_277 = vector.shape_cast %swap3A_276 : vector<16xf32> to vector<16xf32>
      %swap3A_278 = vector.shape_cast %get3A_274 : vector<16xf32> to vector<16xf32>
      tpu.vector_store %arg8[%swap3A_275], %swap3A_278 {add = true, strides = array<i32>} : memref<16384xf32, #tpu.memory_space<vmem>>, vector<16xf32>,
      %mul3A_279 = arith.constant 8 : i32
      %mul3A_280 = arith.muli %scan3A_254, %mul3A_279 : i32
      %add3A_281 = arith.constant 2 : i32
      %add3A_282 = arith.addi %mul3A_280, %add3A_281 : i32
      %mul3A_283 = arith.constant 16 : i32
      %mul3A_284 = arith.muli %add3A_282, %mul3A_283 : i32
      %get3A_285 = arith.index_cast %mul3A_284 : i32 to index
      %get3A_286 = tpu.vector_load %arg5[%get3A_285] {strides = array<i32>} : memref<16384xf32, #tpu.memory_space<vmem>>, vector<16xf32>,
      %get3A_287 = vector.shape_cast %get3A_286 : vector<16xf32> to vector<16xf32>
      %swap3A_288 = arith.index_cast %mul3A_284 : i32 to index
      %swap3A_289 = tpu.vector_load %arg8[%swap3A_288] {strides = array<i32>} : memref<16384xf32, #tpu.memory_space<vmem>>, vector<16xf32>,
      %swap3A_290 = vector.shape_cast %swap3A_289 : vector<16xf32> to vector<16xf32>
      %swap3A_291 = vector.shape_cast %get3A_287 : vector<16xf32> to vector<16xf32>
      tpu.vector_store %arg8[%swap3A_288], %swap3A_291 {add = true, strides = array<i32>} : memref<16384xf32, #tpu.memory_space<vmem>>, vector<16xf32>,
      %mul3A_292 = arith.constant 8 : i32
      %mul3A_293 = arith.muli %scan3A_254, %mul3A_292 : i32
      %add3A_294 = arith.constant 3 : i32
      %add3A_295 = arith.addi %mul3A_293, %add3A_294 : i32
      %mul3A_296 = arith.constant 16 : i32
      %mul3A_297 = arith.muli %add3A_295, %mul3A_296 : i32
      %get3A_298 = arith.index_cast %mul3A_297 : i32 to index
      %get3A_299 = tpu.vector_load %arg5[%get3A_298] {strides = array<i32>} : memref<16384xf32, #tpu.memory_space<vmem>>, vector<16xf32>,
      %get3A_300 = vector.shape_cast %get3A_299 : vector<16xf32> to vector<16xf32>
      %swap3A_301 = arith.index_cast %mul3A_297 : i32 to index
      %swap3A_302 = tpu.vector_load %arg8[%swap3A_301] {strides = array<i32>} : memref<16384xf32, #tpu.memory_space<vmem>>, vector<16xf32>,
      %swap3A_303 = vector.shape_cast %swap3A_302 : vector<16xf32> to vector<16xf32>
      %swap3A_304 = vector.shape_cast %get3A_300 : vector<16xf32> to vector<16xf32>
      tpu.vector_store %arg8[%swap3A_301], %swap3A_304 {add = true, strides = array<i32>} : memref<16384xf32, #tpu.memory_space<vmem>>, vector<16xf32>,
      %mul3A_305 = arith.constant 8 : i32
      %mul3A_306 = arith.muli %scan3A_254, %mul3A_305 : i32
      %add3A_307 = arith.constant 4 : i32
      %add3A_308 = arith.addi %mul3A_306, %add3A_307 : i32
      %mul3A_309 = arith.constant 16 : i32
      %mul3A_310 = arith.muli %add3A_308, %mul3A_309 : i32
      %get3A_311 = arith.index_cast %mul3A_310 : i32 to index
      %get3A_312 = tpu.vector_load %arg5[%get3A_311] {strides = array<i32>} : memref<16384xf32, #tpu.memory_space<vmem>>, vector<16xf32>,
      %get3A_313 = vector.shape_cast %get3A_312 : vector<16xf32> to vector<16xf32>
      %swap3A_314 = arith.index_cast %mul3A_310 : i32 to index
      %swap3A_315 = tpu.vector_load %arg8[%swap3A_314] {strides = array<i32>} : memref<16384xf32, #tpu.memory_space<vmem>>, vector<16xf32>,
      %swap3A_316 = vector.shape_cast %swap3A_315 : vector<16xf32> to vector<16xf32>
      %swap3A_317 = vector.shape_cast %get3A_313 : vector<16xf32> to vector<16xf32>
      tpu.vector_store %arg8[%swap3A_314], %swap3A_317 {add = true, strides = array<i32>} : memref<16384xf32, #tpu.memory_space<vmem>>, vector<16xf32>,
      %mul3A_318 = arith.constant 8 : i32
      %mul3A_319 = arith.muli %scan3A_254, %mul3A_318 : i32
      %add3A_320 = arith.constant 5 : i32
      %add3A_321 = arith.addi %mul3A_319, %add3A_320 : i32
      %mul3A_322 = arith.constant 16 : i32
      %mul3A_323 = arith.muli %add3A_321, %mul3A_322 : i32
      %get3A_324 = arith.index_cast %mul3A_323 : i32 to index
      %get3A_325 = tpu.vector_load %arg5[%get3A_324] {strides = array<i32>} : memref<16384xf32, #tpu.memory_space<vmem>>, vector<16xf32>,
      %get3A_326 = vector.shape_cast %get3A_325 : vector<16xf32> to vector<16xf32>
      %swap3A_327 = arith.index_cast %mul3A_323 : i32 to index
      %swap3A_328 = tpu.vector_load %arg8[%swap3A_327] {strides = array<i32>} : memref<16384xf32, #tpu.memory_space<vmem>>, vector<16xf32>,
      %swap3A_329 = vector.shape_cast %swap3A_328 : vector<16xf32> to vector<16xf32>
      %swap3A_330 = vector.shape_cast %get3A_326 : vector<16xf32> to vector<16xf32>
      tpu.vector_store %arg8[%swap3A_327], %swap3A_330 {add = true, strides = array<i32>} : memref<16384xf32, #tpu.memory_space<vmem>>, vector<16xf32>,
      %mul3A_331 = arith.constant 8 : i32
      %mul3A_332 = arith.muli %scan3A_254, %mul3A_331 : i32
      %add3A_333 = arith.constant 6 : i32
      %add3A_334 = arith.addi %mul3A_332, %add3A_333 : i32
      %mul3A_335 = arith.constant 16 : i32
      %mul3A_336 = arith.muli %add3A_334, %mul3A_335 : i32
      %get3A_337 = arith.index_cast %mul3A_336 : i32 to index
      %get3A_338 = tpu.vector_load %arg5[%get3A_337] {strides = array<i32>} : memref<16384xf32, #tpu.memory_space<vmem>>, vector<16xf32>,
      %get3A_339 = vector.shape_cast %get3A_338 : vector<16xf32> to vector<16xf32>
      %swap3A_340 = arith.index_cast %mul3A_336 : i32 to index
      %swap3A_341 = tpu.vector_load %arg8[%swap3A_340] {strides = array<i32>} : memref<16384xf32, #tpu.memory_space<vmem>>, vector<16xf32>,
      %swap3A_342 = vector.shape_cast %swap3A_341 : vector<16xf32> to vector<16xf32>
      %swap3A_343 = vector.shape_cast %get3A_339 : vector<16xf32> to vector<16xf32>
      tpu.vector_store %arg8[%swap3A_340], %swap3A_343 {add = true, strides = array<i32>} : memref<16384xf32, #tpu.memory_space<vmem>>, vector<16xf32>,
      %mul3A_344 = arith.constant 8 : i32
      %mul3A_345 = arith.muli %scan3A_254, %mul3A_344 : i32
      %add3A_346 = arith.constant 7 : i32
      %add3A_347 = arith.addi %mul3A_345, %add3A_346 : i32
      %mul3A_348 = arith.constant 16 : i32
      %mul3A_349 = arith.muli %add3A_347, %mul3A_348 : i32
      %get3A_350 = arith.index_cast %mul3A_349 : i32 to index
      %get3A_351 = tpu.vector_load %arg5[%get3A_350] {strides = array<i32>} : memref<16384xf32, #tpu.memory_space<vmem>>, vector<16xf32>,
      %get3A_352 = vector.shape_cast %get3A_351 : vector<16xf32> to vector<16xf32>
      %swap3A_353 = arith.index_cast %mul3A_349 : i32 to index
      %swap3A_354 = tpu.vector_load %arg8[%swap3A_353] {strides = array<i32>} : memref<16384xf32, #tpu.memory_space<vmem>>, vector<16xf32>,
      %swap3A_355 = vector.shape_cast %swap3A_354 : vector<16xf32> to vector<16xf32>
      %swap3A_356 = vector.shape_cast %get3A_352 : vector<16xf32> to vector<16xf32>
      tpu.vector_store %arg8[%swap3A_353], %swap3A_356 {add = true, strides = array<i32>} : memref<16384xf32, #tpu.memory_space<vmem>>, vector<16xf32>,
    }
    %scan3A_93 = arith.constant 128 : i32
    %add3A_94 = arith.constant 0 : i32
    %add3A_95 = arith.addi %mul3A_2, %add3A_94 : i32
    %mul3A_96 = arith.constant 1024 : i32
    %mul3A_97 = arith.muli %add3A_95, %mul3A_96 : i32
    %add3A_98 = arith.constant 16777216 : i32
    %add3A_99 = arith.addi %add3A_98, %mul3A_97 : i32
    %dma_start3A_100 = tpu.memref_slice %arg4[%add3A_99] : memref<33554432xf32, #tpu.memory_space<hbm>> -> memref<16384xf32, #tpu.memory_space<hbm>>
    %dma_start3A_101 = tpu.memref_slice %arg4[%add3A_99] : memref<33554432xf32, #tpu.memory_space<hbm>> -> memref<16384xf32, #tpu.memory_space<hbm>>
    tpu.enqueue_dma source(%arg8 : memref<16384xf32, #tpu.memory_space<vmem>>) target(%dma_start3A_101 : memref<16384xf32, #tpu.memory_space<hbm>>) target_semaphore(%arg16 : memref<!tpu.dma_semaphore, #tpu.memory_space<semaphore_mem>>)
    %dma_wait3A_102 = arith.constant 0 : i32
    %dma_wait3A_103 = tpu.memref_slice %arg2[%dma_wait3A_102] : memref<33554432xf32, #tpu.memory_space<hbm>> -> memref<16384xf32, #tpu.memory_space<hbm>>
    %dma_wait3A_104 = arith.constant 0 : i32
    %dma_wait3A_105 = tpu.memref_slice %arg2[%dma_wait3A_104] : memref<33554432xf32, #tpu.memory_space<hbm>> -> memref<16384xf32, #tpu.memory_space<hbm>>
    tpu.wait_dma2 semaphore(%arg13 : memref<!tpu.dma_semaphore, #tpu.memory_space<semaphore_mem>>) src(%dma_wait3A_105 : memref<16384xf32, #tpu.memory_space<hbm>>) dst(%arg9 : memref<16384xf32, #tpu.memory_space<vmem>>)
    %dma_wait3A_106 = arith.constant 0 : i32
    %dma_wait3A_107 = tpu.memref_slice %arg4[%dma_wait3A_106] : memref<33554432xf32, #tpu.memory_space<hbm>> -> memref<16384xf32, #tpu.memory_space<hbm>>
    %dma_wait3A_108 = arith.constant 0 : i32
    %dma_wait3A_109 = tpu.memref_slice %arg4[%dma_wait3A_108] : memref<33554432xf32, #tpu.memory_space<hbm>> -> memref<16384xf32, #tpu.memory_space<hbm>>
    tpu.wait_dma2 semaphore(%arg15 : memref<!tpu.dma_semaphore, #tpu.memory_space<semaphore_mem>>) src(%arg7 : memref<16384xf32, #tpu.memory_space<vmem>>) dst(%dma_wait3A_109 : memref<16384xf32, #tpu.memory_space<hbm>>)
    %add3A_110 = arith.constant 16 : i32
    %add3A_111 = arith.addi %mul3A_2, %add3A_110 : i32
    %mul3A_112 = arith.constant 1024 : i32
    %mul3A_113 = arith.muli %add3A_111, %mul3A_112 : i32
    %add3A_114 = arith.constant 8388608 : i32
    %add3A_115 = arith.addi %add3A_114, %mul3A_113 : i32
    %dma_start3A_116 = tpu.memref_slice %arg2[%add3A_115] : memref<33554432xf32, #tpu.memory_space<hbm>> -> memref<16384xf32, #tpu.memory_space<hbm>>
    %dma_start3A_117 = tpu.memref_slice %arg2[%add3A_115] : memref<33554432xf32, #tpu.memory_space<hbm>> -> memref<16384xf32, #tpu.memory_space<hbm>>
    tpu.enqueue_dma source(%dma_start3A_117 : memref<16384xf32, #tpu.memory_space<hbm>>) target(%arg7 : memref<16384xf32, #tpu.memory_space<vmem>>) target_semaphore(%arg11 : memref<!tpu.dma_semaphore, #tpu.memory_space<semaphore_mem>>)
    %scan3A_118 = arith.constant 0 : i32
    %scan3A_119 = arith.constant 0 : i32
    %scan3A_120 = arith.constant 128 : i32
    %scan3A_121 = arith.addi %scan3A_119, %scan3A_120 : i32
    %scan3A_122 = arith.constant 1 : i32
    scf.for %scan3A_254 = %scan3A_119 to %scan3A_121 step %scan3A_122  : i32 {
      %mul3A_255 = arith.constant 8 : i32
      %mul3A_256 = arith.muli %scan3A_254, %mul3A_255 : i32
      %add3A_257 = arith.constant 0 : i32
      %add3A_258 = arith.addi %mul3A_256, %add3A_257 : i32
      %mul3A_259 = arith.constant 16 : i32
      %mul3A_260 = arith.muli %add3A_258, %mul3A_259 : i32
      %get3A = arith.index_cast %mul3A_260 : i32 to index
      %get3A_261 = tpu.vector_load %arg5[%get3A] {strides = array<i32>} : memref<16384xf32, #tpu.memory_space<vmem>>, vector<16xf32>,
      %get3A_262 = vector.shape_cast %get3A_261 : vector<16xf32> to vector<16xf32>
      %swap3A = arith.index_cast %mul3A_260 : i32 to index
      %swap3A_263 = tpu.vector_load %arg9[%swap3A] {strides = array<i32>} : memref<16384xf32, #tpu.memory_space<vmem>>, vector<16xf32>,
      %swap3A_264 = vector.shape_cast %swap3A_263 : vector<16xf32> to vector<16xf32>
      %swap3A_265 = vector.shape_cast %get3A_262 : vector<16xf32> to vector<16xf32>
      tpu.vector_store %arg9[%swap3A], %swap3A_265 {add = true, strides = array<i32>} : memref<16384xf32, #tpu.memory_space<vmem>>, vector<16xf32>,
      %mul3A_266 = arith.constant 8 : i32
      %mul3A_267 = arith.muli %scan3A_254, %mul3A_266 : i32
      %add3A_268 = arith.constant 1 : i32
      %add3A_269 = arith.addi %mul3A_267, %add3A_268 : i32
      %mul3A_270 = arith.constant 16 : i32
      %mul3A_271 = arith.muli %add3A_269, %mul3A_270 : i32
      %get3A_272 = arith.index_cast %mul3A_271 : i32 to index
      %get3A_273 = tpu.vector_load %arg5[%get3A_272] {strides = array<i32>} : memref<16384xf32, #tpu.memory_space<vmem>>, vector<16xf32>,
      %get3A_274 = vector.shape_cast %get3A_273 : vector<16xf32> to vector<16xf32>
      %swap3A_275 = arith.index_cast %mul3A_271 : i32 to index
      %swap3A_276 = tpu.vector_load %arg9[%swap3A_275] {strides = array<i32>} : memref<16384xf32, #tpu.memory_space<vmem>>, vector<16xf32>,
      %swap3A_277 = vector.shape_cast %swap3A_276 : vector<16xf32> to vector<16xf32>
      %swap3A_278 = vector.shape_cast %get3A_274 : vector<16xf32> to vector<16xf32>
      tpu.vector_store %arg9[%swap3A_275], %swap3A_278 {add = true, strides = array<i32>} : memref<16384xf32, #tpu.memory_space<vmem>>, vector<16xf32>,
      %mul3A_279 = arith.constant 8 : i32
      %mul3A_280 = arith.muli %scan3A_254, %mul3A_279 : i32
      %add3A_281 = arith.constant 2 : i32
      %add3A_282 = arith.addi %mul3A_280, %add3A_281 : i32
      %mul3A_283 = arith.constant 16 : i32
      %mul3A_284 = arith.muli %add3A_282, %mul3A_283 : i32
      %get3A_285 = arith.index_cast %mul3A_284 : i32 to index
      %get3A_286 = tpu.vector_load %arg5[%get3A_285] {strides = array<i32>} : memref<16384xf32, #tpu.memory_space<vmem>>, vector<16xf32>,
      %get3A_287 = vector.shape_cast %get3A_286 : vector<16xf32> to vector<16xf32>
      %swap3A_288 = arith.index_cast %mul3A_284 : i32 to index
      %swap3A_289 = tpu.vector_load %arg9[%swap3A_288] {strides = array<i32>} : memref<16384xf32, #tpu.memory_space<vmem>>, vector<16xf32>,
      %swap3A_290 = vector.shape_cast %swap3A_289 : vector<16xf32> to vector<16xf32>
      %swap3A_291 = vector.shape_cast %get3A_287 : vector<16xf32> to vector<16xf32>
      tpu.vector_store %arg9[%swap3A_288], %swap3A_291 {add = true, strides = array<i32>} : memref<16384xf32, #tpu.memory_space<vmem>>, vector<16xf32>,
      %mul3A_292 = arith.constant 8 : i32
      %mul3A_293 = arith.muli %scan3A_254, %mul3A_292 : i32
      %add3A_294 = arith.constant 3 : i32
      %add3A_295 = arith.addi %mul3A_293, %add3A_294 : i32
      %mul3A_296 = arith.constant 16 : i32
      %mul3A_297 = arith.muli %add3A_295, %mul3A_296 : i32
      %get3A_298 = arith.index_cast %mul3A_297 : i32 to index
      %get3A_299 = tpu.vector_load %arg5[%get3A_298] {strides = array<i32>} : memref<16384xf32, #tpu.memory_space<vmem>>, vector<16xf32>,
      %get3A_300 = vector.shape_cast %get3A_299 : vector<16xf32> to vector<16xf32>
      %swap3A_301 = arith.index_cast %mul3A_297 : i32 to index
      %swap3A_302 = tpu.vector_load %arg9[%swap3A_301] {strides = array<i32>} : memref<16384xf32, #tpu.memory_space<vmem>>, vector<16xf32>,
      %swap3A_303 = vector.shape_cast %swap3A_302 : vector<16xf32> to vector<16xf32>
      %swap3A_304 = vector.shape_cast %get3A_300 : vector<16xf32> to vector<16xf32>
      tpu.vector_store %arg9[%swap3A_301], %swap3A_304 {add = true, strides = array<i32>} : memref<16384xf32, #tpu.memory_space<vmem>>, vector<16xf32>,
      %mul3A_305 = arith.constant 8 : i32
      %mul3A_306 = arith.muli %scan3A_254, %mul3A_305 : i32
      %add3A_307 = arith.constant 4 : i32
      %add3A_308 = arith.addi %mul3A_306, %add3A_307 : i32
      %mul3A_309 = arith.constant 16 : i32
      %mul3A_310 = arith.muli %add3A_308, %mul3A_309 : i32
      %get3A_311 = arith.index_cast %mul3A_310 : i32 to index
      %get3A_312 = tpu.vector_load %arg5[%get3A_311] {strides = array<i32>} : memref<16384xf32, #tpu.memory_space<vmem>>, vector<16xf32>,
      %get3A_313 = vector.shape_cast %get3A_312 : vector<16xf32> to vector<16xf32>
      %swap3A_314 = arith.index_cast %mul3A_310 : i32 to index
      %swap3A_315 = tpu.vector_load %arg9[%swap3A_314] {strides = array<i32>} : memref<16384xf32, #tpu.memory_space<vmem>>, vector<16xf32>,
      %swap3A_316 = vector.shape_cast %swap3A_315 : vector<16xf32> to vector<16xf32>
      %swap3A_317 = vector.shape_cast %get3A_313 : vector<16xf32> to vector<16xf32>
      tpu.vector_store %arg9[%swap3A_314], %swap3A_317 {add = true, strides = array<i32>} : memref<16384xf32, #tpu.memory_space<vmem>>, vector<16xf32>,
      %mul3A_318 = arith.constant 8 : i32
      %mul3A_319 = arith.muli %scan3A_254, %mul3A_318 : i32
      %add3A_320 = arith.constant 5 : i32
      %add3A_321 = arith.addi %mul3A_319, %add3A_320 : i32
      %mul3A_322 = arith.constant 16 : i32
      %mul3A_323 = arith.muli %add3A_321, %mul3A_322 : i32
      %get3A_324 = arith.index_cast %mul3A_323 : i32 to index
      %get3A_325 = tpu.vector_load %arg5[%get3A_324] {strides = array<i32>} : memref<16384xf32, #tpu.memory_space<vmem>>, vector<16xf32>,
      %get3A_326 = vector.shape_cast %get3A_325 : vector<16xf32> to vector<16xf32>
      %swap3A_327 = arith.index_cast %mul3A_323 : i32 to index
      %swap3A_328 = tpu.vector_load %arg9[%swap3A_327] {strides = array<i32>} : memref<16384xf32, #tpu.memory_space<vmem>>, vector<16xf32>,
      %swap3A_329 = vector.shape_cast %swap3A_328 : vector<16xf32> to vector<16xf32>
      %swap3A_330 = vector.shape_cast %get3A_326 : vector<16xf32> to vector<16xf32>
      tpu.vector_store %arg9[%swap3A_327], %swap3A_330 {add = true, strides = array<i32>} : memref<16384xf32, #tpu.memory_space<vmem>>, vector<16xf32>,
      %mul3A_331 = arith.constant 8 : i32
      %mul3A_332 = arith.muli %scan3A_254, %mul3A_331 : i32
      %add3A_333 = arith.constant 6 : i32
      %add3A_334 = arith.addi %mul3A_332, %add3A_333 : i32
      %mul3A_335 = arith.constant 16 : i32
      %mul3A_336 = arith.muli %add3A_334, %mul3A_335 : i32
      %get3A_337 = arith.index_cast %mul3A_336 : i32 to index
      %get3A_338 = tpu.vector_load %arg5[%get3A_337] {strides = array<i32>} : memref<16384xf32, #tpu.memory_space<vmem>>, vector<16xf32>,
      %get3A_339 = vector.shape_cast %get3A_338 : vector<16xf32> to vector<16xf32>
      %swap3A_340 = arith.index_cast %mul3A_336 : i32 to index
      %swap3A_341 = tpu.vector_load %arg9[%swap3A_340] {strides = array<i32>} : memref<16384xf32, #tpu.memory_space<vmem>>, vector<16xf32>,
      %swap3A_342 = vector.shape_cast %swap3A_341 : vector<16xf32> to vector<16xf32>
      %swap3A_343 = vector.shape_cast %get3A_339 : vector<16xf32> to vector<16xf32>
      tpu.vector_store %arg9[%swap3A_340], %swap3A_343 {add = true, strides = array<i32>} : memref<16384xf32, #tpu.memory_space<vmem>>, vector<16xf32>,
      %mul3A_344 = arith.constant 8 : i32
      %mul3A_345 = arith.muli %scan3A_254, %mul3A_344 : i32
      %add3A_346 = arith.constant 7 : i32
      %add3A_347 = arith.addi %mul3A_345, %add3A_346 : i32
      %mul3A_348 = arith.constant 16 : i32
      %mul3A_349 = arith.muli %add3A_347, %mul3A_348 : i32
      %get3A_350 = arith.index_cast %mul3A_349 : i32 to index
      %get3A_351 = tpu.vector_load %arg5[%get3A_350] {strides = array<i32>} : memref<16384xf32, #tpu.memory_space<vmem>>, vector<16xf32>,
      %get3A_352 = vector.shape_cast %get3A_351 : vector<16xf32> to vector<16xf32>
      %swap3A_353 = arith.index_cast %mul3A_349 : i32 to index
      %swap3A_354 = tpu.vector_load %arg9[%swap3A_353] {strides = array<i32>} : memref<16384xf32, #tpu.memory_space<vmem>>, vector<16xf32>,
      %swap3A_355 = vector.shape_cast %swap3A_354 : vector<16xf32> to vector<16xf32>
      %swap3A_356 = vector.shape_cast %get3A_352 : vector<16xf32> to vector<16xf32>
      tpu.vector_store %arg9[%swap3A_353], %swap3A_356 {add = true, strides = array<i32>} : memref<16384xf32, #tpu.memory_space<vmem>>, vector<16xf32>,
    }
    %scan3A_123 = arith.constant 128 : i32
    %add3A_124 = arith.constant 0 : i32
    %add3A_125 = arith.addi %mul3A_2, %add3A_124 : i32
    %mul3A_126 = arith.constant 1024 : i32
    %mul3A_127 = arith.muli %add3A_125, %mul3A_126 : i32
    %add3A_128 = arith.constant 25165824 : i32
    %add3A_129 = arith.addi %add3A_128, %mul3A_127 : i32
    %dma_start3A_130 = tpu.memref_slice %arg4[%add3A_129] : memref<33554432xf32, #tpu.memory_space<hbm>> -> memref<16384xf32, #tpu.memory_space<hbm>>
    %dma_start3A_131 = tpu.memref_slice %arg4[%add3A_129] : memref<33554432xf32, #tpu.memory_space<hbm>> -> memref<16384xf32, #tpu.memory_space<hbm>>
    tpu.enqueue_dma source(%arg9 : memref<16384xf32, #tpu.memory_space<vmem>>) target(%dma_start3A_131 : memref<16384xf32, #tpu.memory_space<hbm>>) target_semaphore(%arg17 : memref<!tpu.dma_semaphore, #tpu.memory_space<semaphore_mem>>)
    %scan3A_132 = arith.constant 0 : i32
    %scan3A_133 = arith.constant 1 : i32
    %scan3A_134 = arith.constant 14 : i32
    %scan3A_135 = arith.addi %scan3A_133, %scan3A_134 : i32
    %scan3A_136 = arith.constant 1 : i32
    scf.for %scan3A_254 = %scan3A_133 to %scan3A_135 step %scan3A_136  : i32 {
      %mul3A_255 = arith.constant 16 : i32
      %mul3A_256 = arith.muli %scan3A_254, %mul3A_255 : i32
      %add3A_257 = arith.addi %mul3A_2, %mul3A_256 : i32
      %mul3A_258 = arith.constant 1024 : i32
      %mul3A_259 = arith.muli %add3A_257, %mul3A_258 : i32
      "tpu.region"() ({
        %run_scoped3A = tpu.sem_alloc : memref<!tpu.dma_semaphore, #tpu.memory_space<semaphore_mem>>
        %dma_start3A_396 = tpu.memref_slice %arg3[%mul3A_259] : memref<8388608xf32, #tpu.memory_space<hbm>> -> memref<16384xf32, #tpu.memory_space<hbm>>
        %dma_start3A_397 = tpu.memref_slice %arg3[%mul3A_259] : memref<8388608xf32, #tpu.memory_space<hbm>> -> memref<16384xf32, #tpu.memory_space<hbm>>
        tpu.enqueue_dma source(%dma_start3A_397 : memref<16384xf32, #tpu.memory_space<hbm>>) target(%arg5 : memref<16384xf32, #tpu.memory_space<vmem>>) target_semaphore(%run_scoped3A : memref<!tpu.dma_semaphore, #tpu.memory_space<semaphore_mem>>)
        %dma_wait3A_398 = tpu.memref_slice %arg3[%mul3A_259] : memref<8388608xf32, #tpu.memory_space<hbm>> -> memref<16384xf32, #tpu.memory_space<hbm>>
        %dma_wait3A_399 = tpu.memref_slice %arg3[%mul3A_259] : memref<8388608xf32, #tpu.memory_space<hbm>> -> memref<16384xf32, #tpu.memory_space<hbm>>
        tpu.wait_dma2 semaphore(%run_scoped3A : memref<!tpu.dma_semaphore, #tpu.memory_space<semaphore_mem>>) src(%dma_wait3A_399 : memref<16384xf32, #tpu.memory_space<hbm>>) dst(%arg5 : memref<16384xf32, #tpu.memory_space<vmem>>)
        tpu.yield
      }) : () -> ()
      %dma_wait3A_260 = arith.constant 0 : i32
      %dma_wait3A_261 = tpu.memref_slice %arg2[%dma_wait3A_260] : memref<33554432xf32, #tpu.memory_space<hbm>> -> memref<16384xf32, #tpu.memory_space<hbm>>
      %dma_wait3A_262 = arith.constant 0 : i32
      %dma_wait3A_263 = tpu.memref_slice %arg2[%dma_wait3A_262] : memref<33554432xf32, #tpu.memory_space<hbm>> -> memref<16384xf32, #tpu.memory_space<hbm>>
      tpu.wait_dma2 semaphore(%arg10 : memref<!tpu.dma_semaphore, #tpu.memory_space<semaphore_mem>>) src(%dma_wait3A_263 : memref<16384xf32, #tpu.memory_space<hbm>>) dst(%arg6 : memref<16384xf32, #tpu.memory_space<vmem>>)
      %dma_wait3A_264 = arith.constant 0 : i32
      %dma_wait3A_265 = tpu.memref_slice %arg4[%dma_wait3A_264] : memref<33554432xf32, #tpu.memory_space<hbm>> -> memref<16384xf32, #tpu.memory_space<hbm>>
      %dma_wait3A_266 = arith.constant 0 : i32
      %dma_wait3A_267 = tpu.memref_slice %arg4[%dma_wait3A_266] : memref<33554432xf32, #tpu.memory_space<hbm>> -> memref<16384xf32, #tpu.memory_space<hbm>>
      tpu.wait_dma2 semaphore(%arg16 : memref<!tpu.dma_semaphore, #tpu.memory_space<semaphore_mem>>) src(%arg8 : memref<16384xf32, #tpu.memory_space<vmem>>) dst(%dma_wait3A_267 : memref<16384xf32, #tpu.memory_space<hbm>>)
      %add3A_268 = arith.constant 0 : i32
      %add3A_269 = arith.addi %scan3A_254, %add3A_268 : i32
      %mul3A_270 = arith.constant 16 : i32
      %mul3A_271 = arith.muli %add3A_269, %mul3A_270 : i32
      %add3A_272 = arith.addi %mul3A_2, %mul3A_271 : i32
      %mul3A_273 = arith.constant 1024 : i32
      %mul3A_274 = arith.muli %add3A_272, %mul3A_273 : i32
      %add3A_275 = arith.constant 16777216 : i32
      %add3A_276 = arith.addi %add3A_275, %mul3A_274 : i32
      %dma_start3A_277 = tpu.memref_slice %arg2[%add3A_276] : memref<33554432xf32, #tpu.memory_space<hbm>> -> memref<16384xf32, #tpu.memory_space<hbm>>
      %dma_start3A_278 = tpu.memref_slice %arg2[%add3A_276] : memref<33554432xf32, #tpu.memory_space<hbm>> -> memref<16384xf32, #tpu.memory_space<hbm>>
      tpu.enqueue_dma source(%dma_start3A_278 : memref<16384xf32, #tpu.memory_space<hbm>>) target(%arg8 : memref<16384xf32, #tpu.memory_space<vmem>>) target_semaphore(%arg12 : memref<!tpu.dma_semaphore, #tpu.memory_space<semaphore_mem>>)
      %scan3A_279 = arith.constant 0 : i32
      %scan3A_280 = arith.constant 0 : i32
      %scan3A_281 = arith.constant 128 : i32
      %scan3A_282 = arith.addi %scan3A_280, %scan3A_281 : i32
      %scan3A_283 = arith.constant 1 : i32
      scf.for %scan3A_396 = %scan3A_280 to %scan3A_282 step %scan3A_283  : i32 {
        %mul3A_397 = arith.constant 8 : i32
        %mul3A_398 = arith.muli %scan3A_396, %mul3A_397 : i32
        %add3A_399 = arith.constant 0 : i32
        %add3A_400 = arith.addi %mul3A_398, %add3A_399 : i32
        %mul3A_401 = arith.constant 16 : i32
        %mul3A_402 = arith.muli %add3A_400, %mul3A_401 : i32
        %get3A = arith.index_cast %mul3A_402 : i32 to index
        %get3A_403 = tpu.vector_load %arg5[%get3A] {strides = array<i32>} : memref<16384xf32, #tpu.memory_space<vmem>>, vector<16xf32>,
        %get3A_404 = vector.shape_cast %get3A_403 : vector<16xf32> to vector<16xf32>
        %swap3A = arith.index_cast %mul3A_402 : i32 to index
        %swap3A_405 = tpu.vector_load %arg6[%swap3A] {strides = array<i32>} : memref<16384xf32, #tpu.memory_space<vmem>>, vector<16xf32>,
        %swap3A_406 = vector.shape_cast %swap3A_405 : vector<16xf32> to vector<16xf32>
        %swap3A_407 = vector.shape_cast %get3A_404 : vector<16xf32> to vector<16xf32>
        tpu.vector_store %arg6[%swap3A], %swap3A_407 {add = true, strides = array<i32>} : memref<16384xf32, #tpu.memory_space<vmem>>, vector<16xf32>,
        %mul3A_408 = arith.constant 8 : i32
        %mul3A_409 = arith.muli %scan3A_396, %mul3A_408 : i32
        %add3A_410 = arith.constant 1 : i32
        %add3A_411 = arith.addi %mul3A_409, %add3A_410 : i32
        %mul3A_412 = arith.constant 16 : i32
        %mul3A_413 = arith.muli %add3A_411, %mul3A_412 : i32
        %get3A_414 = arith.index_cast %mul3A_413 : i32 to index
        %get3A_415 = tpu.vector_load %arg5[%get3A_414] {strides = array<i32>} : memref<16384xf32, #tpu.memory_space<vmem>>, vector<16xf32>,
        %get3A_416 = vector.shape_cast %get3A_415 : vector<16xf32> to vector<16xf32>
        %swap3A_417 = arith.index_cast %mul3A_413 : i32 to index
        %swap3A_418 = tpu.vector_load %arg6[%swap3A_417] {strides = array<i32>} : memref<16384xf32, #tpu.memory_space<vmem>>, vector<16xf32>,
        %swap3A_419 = vector.shape_cast %swap3A_418 : vector<16xf32> to vector<16xf32>
        %swap3A_420 = vector.shape_cast %get3A_416 : vector<16xf32> to vector<16xf32>
        tpu.vector_store %arg6[%swap3A_417], %swap3A_420 {add = true, strides = array<i32>} : memref<16384xf32, #tpu.memory_space<vmem>>, vector<16xf32>,
        %mul3A_421 = arith.constant 8 : i32
        %mul3A_422 = arith.muli %scan3A_396, %mul3A_421 : i32
        %add3A_423 = arith.constant 2 : i32
        %add3A_424 = arith.addi %mul3A_422, %add3A_423 : i32
        %mul3A_425 = arith.constant 16 : i32
        %mul3A_426 = arith.muli %add3A_424, %mul3A_425 : i32
        %get3A_427 = arith.index_cast %mul3A_426 : i32 to index
        %get3A_428 = tpu.vector_load %arg5[%get3A_427] {strides = array<i32>} : memref<16384xf32, #tpu.memory_space<vmem>>, vector<16xf32>,
        %get3A_429 = vector.shape_cast %get3A_428 : vector<16xf32> to vector<16xf32>
        %swap3A_430 = arith.index_cast %mul3A_426 : i32 to index
        %swap3A_431 = tpu.vector_load %arg6[%swap3A_430] {strides = array<i32>} : memref<16384xf32, #tpu.memory_space<vmem>>, vector<16xf32>,
        %swap3A_432 = vector.shape_cast %swap3A_431 : vector<16xf32> to vector<16xf32>
        %swap3A_433 = vector.shape_cast %get3A_429 : vector<16xf32> to vector<16xf32>
        tpu.vector_store %arg6[%swap3A_430], %swap3A_433 {add = true, strides = array<i32>} : memref<16384xf32, #tpu.memory_space<vmem>>, vector<16xf32>,
        %mul3A_434 = arith.constant 8 : i32
        %mul3A_435 = arith.muli %scan3A_396, %mul3A_434 : i32
        %add3A_436 = arith.constant 3 : i32
        %add3A_437 = arith.addi %mul3A_435, %add3A_436 : i32
        %mul3A_438 = arith.constant 16 : i32
        %mul3A_439 = arith.muli %add3A_437, %mul3A_438 : i32
        %get3A_440 = arith.index_cast %mul3A_439 : i32 to index
        %get3A_441 = tpu.vector_load %arg5[%get3A_440] {strides = array<i32>} : memref<16384xf32, #tpu.memory_space<vmem>>, vector<16xf32>,
        %get3A_442 = vector.shape_cast %get3A_441 : vector<16xf32> to vector<16xf32>
        %swap3A_443 = arith.index_cast %mul3A_439 : i32 to index
        %swap3A_444 = tpu.vector_load %arg6[%swap3A_443] {strides = array<i32>} : memref<16384xf32, #tpu.memory_space<vmem>>, vector<16xf32>,
        %swap3A_445 = vector.shape_cast %swap3A_444 : vector<16xf32> to vector<16xf32>
        %swap3A_446 = vector.shape_cast %get3A_442 : vector<16xf32> to vector<16xf32>
        tpu.vector_store %arg6[%swap3A_443], %swap3A_446 {add = true, strides = array<i32>} : memref<16384xf32, #tpu.memory_space<vmem>>, vector<16xf32>,
        %mul3A_447 = arith.constant 8 : i32
        %mul3A_448 = arith.muli %scan3A_396, %mul3A_447 : i32
        %add3A_449 = arith.constant 4 : i32
        %add3A_450 = arith.addi %mul3A_448, %add3A_449 : i32
        %mul3A_451 = arith.constant 16 : i32
        %mul3A_452 = arith.muli %add3A_450, %mul3A_451 : i32
        %get3A_453 = arith.index_cast %mul3A_452 : i32 to index
        %get3A_454 = tpu.vector_load %arg5[%get3A_453] {strides = array<i32>} : memref<16384xf32, #tpu.memory_space<vmem>>, vector<16xf32>,
        %get3A_455 = vector.shape_cast %get3A_454 : vector<16xf32> to vector<16xf32>
        %swap3A_456 = arith.index_cast %mul3A_452 : i32 to index
        %swap3A_457 = tpu.vector_load %arg6[%swap3A_456] {strides = array<i32>} : memref<16384xf32, #tpu.memory_space<vmem>>, vector<16xf32>,
        %swap3A_458 = vector.shape_cast %swap3A_457 : vector<16xf32> to vector<16xf32>
        %swap3A_459 = vector.shape_cast %get3A_455 : vector<16xf32> to vector<16xf32>
        tpu.vector_store %arg6[%swap3A_456], %swap3A_459 {add = true, strides = array<i32>} : memref<16384xf32, #tpu.memory_space<vmem>>, vector<16xf32>,
        %mul3A_460 = arith.constant 8 : i32
        %mul3A_461 = arith.muli %scan3A_396, %mul3A_460 : i32
        %add3A_462 = arith.constant 5 : i32
        %add3A_463 = arith.addi %mul3A_461, %add3A_462 : i32
        %mul3A_464 = arith.constant 16 : i32
        %mul3A_465 = arith.muli %add3A_463, %mul3A_464 : i32
        %get3A_466 = arith.index_cast %mul3A_465 : i32 to index
        %get3A_467 = tpu.vector_load %arg5[%get3A_466] {strides = array<i32>} : memref<16384xf32, #tpu.memory_space<vmem>>, vector<16xf32>,
        %get3A_468 = vector.shape_cast %get3A_467 : vector<16xf32> to vector<16xf32>
        %swap3A_469 = arith.index_cast %mul3A_465 : i32 to index
        %swap3A_470 = tpu.vector_load %arg6[%swap3A_469] {strides = array<i32>} : memref<16384xf32, #tpu.memory_space<vmem>>, vector<16xf32>,
        %swap3A_471 = vector.shape_cast %swap3A_470 : vector<16xf32> to vector<16xf32>
        %swap3A_472 = vector.shape_cast %get3A_468 : vector<16xf32> to vector<16xf32>
        tpu.vector_store %arg6[%swap3A_469], %swap3A_472 {add = true, strides = array<i32>} : memref<16384xf32, #tpu.memory_space<vmem>>, vector<16xf32>,
        %mul3A_473 = arith.constant 8 : i32
        %mul3A_474 = arith.muli %scan3A_396, %mul3A_473 : i32
        %add3A_475 = arith.constant 6 : i32
        %add3A_476 = arith.addi %mul3A_474, %add3A_475 : i32
        %mul3A_477 = arith.constant 16 : i32
        %mul3A_478 = arith.muli %add3A_476, %mul3A_477 : i32
        %get3A_479 = arith.index_cast %mul3A_478 : i32 to index
        %get3A_480 = tpu.vector_load %arg5[%get3A_479] {strides = array<i32>} : memref<16384xf32, #tpu.memory_space<vmem>>, vector<16xf32>,
        %get3A_481 = vector.shape_cast %get3A_480 : vector<16xf32> to vector<16xf32>
        %swap3A_482 = arith.index_cast %mul3A_478 : i32 to index
        %swap3A_483 = tpu.vector_load %arg6[%swap3A_482] {strides = array<i32>} : memref<16384xf32, #tpu.memory_space<vmem>>, vector<16xf32>,
        %swap3A_484 = vector.shape_cast %swap3A_483 : vector<16xf32> to vector<16xf32>
        %swap3A_485 = vector.shape_cast %get3A_481 : vector<16xf32> to vector<16xf32>
        tpu.vector_store %arg6[%swap3A_482], %swap3A_485 {add = true, strides = array<i32>} : memref<16384xf32, #tpu.memory_space<vmem>>, vector<16xf32>,
        %mul3A_486 = arith.constant 8 : i32
        %mul3A_487 = arith.muli %scan3A_396, %mul3A_486 : i32
        %add3A_488 = arith.constant 7 : i32
        %add3A_489 = arith.addi %mul3A_487, %add3A_488 : i32
        %mul3A_490 = arith.constant 16 : i32
        %mul3A_491 = arith.muli %add3A_489, %mul3A_490 : i32
        %get3A_492 = arith.index_cast %mul3A_491 : i32 to index
        %get3A_493 = tpu.vector_load %arg5[%get3A_492] {strides = array<i32>} : memref<16384xf32, #tpu.memory_space<vmem>>, vector<16xf32>,
        %get3A_494 = vector.shape_cast %get3A_493 : vector<16xf32> to vector<16xf32>
        %swap3A_495 = arith.index_cast %mul3A_491 : i32 to index
        %swap3A_496 = tpu.vector_load %arg6[%swap3A_495] {strides = array<i32>} : memref<16384xf32, #tpu.memory_space<vmem>>, vector<16xf32>,
        %swap3A_497 = vector.shape_cast %swap3A_496 : vector<16xf32> to vector<16xf32>
        %swap3A_498 = vector.shape_cast %get3A_494 : vector<16xf32> to vector<16xf32>
        tpu.vector_store %arg6[%swap3A_495], %swap3A_498 {add = true, strides = array<i32>} : memref<16384xf32, #tpu.memory_space<vmem>>, vector<16xf32>,
      }
      %scan3A_284 = arith.constant 128 : i32
      %mul3A_285 = arith.constant 16 : i32
      %mul3A_286 = arith.muli %scan3A_254, %mul3A_285 : i32
      %add3A_287 = arith.addi %mul3A_2, %mul3A_286 : i32
      %mul3A_288 = arith.constant 1024 : i32
      %mul3A_289 = arith.muli %add3A_287, %mul3A_288 : i32
      %add3A_290 = arith.constant 0 : i32
      %add3A_291 = arith.addi %add3A_290, %mul3A_289 : i32
      %dma_start3A_292 = tpu.memref_slice %arg4[%add3A_291] : memref<33554432xf32, #tpu.memory_space<hbm>> -> memref<16384xf32, #tpu.memory_space<hbm>>
      %dma_start3A_293 = tpu.memref_slice %arg4[%add3A_291] : memref<33554432xf32, #tpu.memory_space<hbm>> -> memref<16384xf32, #tpu.memory_space<hbm>>
      tpu.enqueue_dma source(%arg6 : memref<16384xf32, #tpu.memory_space<vmem>>) target(%dma_start3A_293 : memref<16384xf32, #tpu.memory_space<hbm>>) target_semaphore(%arg14 : memref<!tpu.dma_semaphore, #tpu.memory_space<semaphore_mem>>)
      %dma_wait3A_294 = arith.constant 0 : i32
      %dma_wait3A_295 = tpu.memref_slice %arg2[%dma_wait3A_294] : memref<33554432xf32, #tpu.memory_space<hbm>> -> memref<16384xf32, #tpu.memory_space<hbm>>
      %dma_wait3A_296 = arith.constant 0 : i32
      %dma_wait3A_297 = tpu.memref_slice %arg2[%dma_wait3A_296] : memref<33554432xf32, #tpu.memory_space<hbm>> -> memref<16384xf32, #tpu.memory_space<hbm>>
      tpu.wait_dma2 semaphore(%arg11 : memref<!tpu.dma_semaphore, #tpu.memory_space<semaphore_mem>>) src(%dma_wait3A_297 : memref<16384xf32, #tpu.memory_space<hbm>>) dst(%arg7 : memref<16384xf32, #tpu.memory_space<vmem>>)
      %dma_wait3A_298 = arith.constant 0 : i32
      %dma_wait3A_299 = tpu.memref_slice %arg4[%dma_wait3A_298] : memref<33554432xf32, #tpu.memory_space<hbm>> -> memref<16384xf32, #tpu.memory_space<hbm>>
      %dma_wait3A_300 = arith.constant 0 : i32
      %dma_wait3A_301 = tpu.memref_slice %arg4[%dma_wait3A_300] : memref<33554432xf32, #tpu.memory_space<hbm>> -> memref<16384xf32, #tpu.memory_space<hbm>>
      tpu.wait_dma2 semaphore(%arg17 : memref<!tpu.dma_semaphore, #tpu.memory_space<semaphore_mem>>) src(%arg9 : memref<16384xf32, #tpu.memory_space<vmem>>) dst(%dma_wait3A_301 : memref<16384xf32, #tpu.memory_space<hbm>>)
      %add3A_302 = arith.constant 0 : i32
      %add3A_303 = arith.addi %scan3A_254, %add3A_302 : i32
      %mul3A_304 = arith.constant 16 : i32
      %mul3A_305 = arith.muli %add3A_303, %mul3A_304 : i32
      %add3A_306 = arith.addi %mul3A_2, %mul3A_305 : i32
      %mul3A_307 = arith.constant 1024 : i32
      %mul3A_308 = arith.muli %add3A_306, %mul3A_307 : i32
      %add3A_309 = arith.constant 25165824 : i32
      %add3A_310 = arith.addi %add3A_309, %mul3A_308 : i32
      %dma_start3A_311 = tpu.memref_slice %arg2[%add3A_310] : memref<33554432xf32, #tpu.memory_space<hbm>> -> memref<16384xf32, #tpu.memory_space<hbm>>
      %dma_start3A_312 = tpu.memref_slice %arg2[%add3A_310] : memref<33554432xf32, #tpu.memory_space<hbm>> -> memref<16384xf32, #tpu.memory_space<hbm>>
      tpu.enqueue_dma source(%dma_start3A_312 : memref<16384xf32, #tpu.memory_space<hbm>>) target(%arg9 : memref<16384xf32, #tpu.memory_space<vmem>>) target_semaphore(%arg13 : memref<!tpu.dma_semaphore, #tpu.memory_space<semaphore_mem>>)
      %scan3A_313 = arith.constant 0 : i32
      %scan3A_314 = arith.constant 0 : i32
      %scan3A_315 = arith.constant 128 : i32
      %scan3A_316 = arith.addi %scan3A_314, %scan3A_315 : i32
      %scan3A_317 = arith.constant 1 : i32
      scf.for %scan3A_396 = %scan3A_314 to %scan3A_316 step %scan3A_317  : i32 {
        %mul3A_397 = arith.constant 8 : i32
        %mul3A_398 = arith.muli %scan3A_396, %mul3A_397 : i32
        %add3A_399 = arith.constant 0 : i32
        %add3A_400 = arith.addi %mul3A_398, %add3A_399 : i32
        %mul3A_401 = arith.constant 16 : i32
        %mul3A_402 = arith.muli %add3A_400, %mul3A_401 : i32
        %get3A = arith.index_cast %mul3A_402 : i32 to index
        %get3A_403 = tpu.vector_load %arg5[%get3A] {strides = array<i32>} : memref<16384xf32, #tpu.memory_space<vmem>>, vector<16xf32>,
        %get3A_404 = vector.shape_cast %get3A_403 : vector<16xf32> to vector<16xf32>
        %swap3A = arith.index_cast %mul3A_402 : i32 to index
        %swap3A_405 = tpu.vector_load %arg7[%swap3A] {strides = array<i32>} : memref<16384xf32, #tpu.memory_space<vmem>>, vector<16xf32>,
        %swap3A_406 = vector.shape_cast %swap3A_405 : vector<16xf32> to vector<16xf32>
        %swap3A_407 = vector.shape_cast %get3A_404 : vector<16xf32> to vector<16xf32>
        tpu.vector_store %arg7[%swap3A], %swap3A_407 {add = true, strides = array<i32>} : memref<16384xf32, #tpu.memory_space<vmem>>, vector<16xf32>,
        %mul3A_408 = arith.constant 8 : i32
        %mul3A_409 = arith.muli %scan3A_396, %mul3A_408 : i32
        %add3A_410 = arith.constant 1 : i32
        %add3A_411 = arith.addi %mul3A_409, %add3A_410 : i32
        %mul3A_412 = arith.constant 16 : i32
        %mul3A_413 = arith.muli %add3A_411, %mul3A_412 : i32
        %get3A_414 = arith.index_cast %mul3A_413 : i32 to index
        %get3A_415 = tpu.vector_load %arg5[%get3A_414] {strides = array<i32>} : memref<16384xf32, #tpu.memory_space<vmem>>, vector<16xf32>,
        %get3A_416 = vector.shape_cast %get3A_415 : vector<16xf32> to vector<16xf32>
        %swap3A_417 = arith.index_cast %mul3A_413 : i32 to index
        %swap3A_418 = tpu.vector_load %arg7[%swap3A_417] {strides = array<i32>} : memref<16384xf32, #tpu.memory_space<vmem>>, vector<16xf32>,
        %swap3A_419 = vector.shape_cast %swap3A_418 : vector<16xf32> to vector<16xf32>
        %swap3A_420 = vector.shape_cast %get3A_416 : vector<16xf32> to vector<16xf32>
        tpu.vector_store %arg7[%swap3A_417], %swap3A_420 {add = true, strides = array<i32>} : memref<16384xf32, #tpu.memory_space<vmem>>, vector<16xf32>,
        %mul3A_421 = arith.constant 8 : i32
        %mul3A_422 = arith.muli %scan3A_396, %mul3A_421 : i32
        %add3A_423 = arith.constant 2 : i32
        %add3A_424 = arith.addi %mul3A_422, %add3A_423 : i32
        %mul3A_425 = arith.constant 16 : i32
        %mul3A_426 = arith.muli %add3A_424, %mul3A_425 : i32
        %get3A_427 = arith.index_cast %mul3A_426 : i32 to index
        %get3A_428 = tpu.vector_load %arg5[%get3A_427] {strides = array<i32>} : memref<16384xf32, #tpu.memory_space<vmem>>, vector<16xf32>,
        %get3A_429 = vector.shape_cast %get3A_428 : vector<16xf32> to vector<16xf32>
        %swap3A_430 = arith.index_cast %mul3A_426 : i32 to index
        %swap3A_431 = tpu.vector_load %arg7[%swap3A_430] {strides = array<i32>} : memref<16384xf32, #tpu.memory_space<vmem>>, vector<16xf32>,
        %swap3A_432 = vector.shape_cast %swap3A_431 : vector<16xf32> to vector<16xf32>
        %swap3A_433 = vector.shape_cast %get3A_429 : vector<16xf32> to vector<16xf32>
        tpu.vector_store %arg7[%swap3A_430], %swap3A_433 {add = true, strides = array<i32>} : memref<16384xf32, #tpu.memory_space<vmem>>, vector<16xf32>,
        %mul3A_434 = arith.constant 8 : i32
        %mul3A_435 = arith.muli %scan3A_396, %mul3A_434 : i32
        %add3A_436 = arith.constant 3 : i32
        %add3A_437 = arith.addi %mul3A_435, %add3A_436 : i32
        %mul3A_438 = arith.constant 16 : i32
        %mul3A_439 = arith.muli %add3A_437, %mul3A_438 : i32
        %get3A_440 = arith.index_cast %mul3A_439 : i32 to index
        %get3A_441 = tpu.vector_load %arg5[%get3A_440] {strides = array<i32>} : memref<16384xf32, #tpu.memory_space<vmem>>, vector<16xf32>,
        %get3A_442 = vector.shape_cast %get3A_441 : vector<16xf32> to vector<16xf32>
        %swap3A_443 = arith.index_cast %mul3A_439 : i32 to index
        %swap3A_444 = tpu.vector_load %arg7[%swap3A_443] {strides = array<i32>} : memref<16384xf32, #tpu.memory_space<vmem>>, vector<16xf32>,
        %swap3A_445 = vector.shape_cast %swap3A_444 : vector<16xf32> to vector<16xf32>
        %swap3A_446 = vector.shape_cast %get3A_442 : vector<16xf32> to vector<16xf32>
        tpu.vector_store %arg7[%swap3A_443], %swap3A_446 {add = true, strides = array<i32>} : memref<16384xf32, #tpu.memory_space<vmem>>, vector<16xf32>,
        %mul3A_447 = arith.constant 8 : i32
        %mul3A_448 = arith.muli %scan3A_396, %mul3A_447 : i32
        %add3A_449 = arith.constant 4 : i32
        %add3A_450 = arith.addi %mul3A_448, %add3A_449 : i32
        %mul3A_451 = arith.constant 16 : i32
        %mul3A_452 = arith.muli %add3A_450, %mul3A_451 : i32
        %get3A_453 = arith.index_cast %mul3A_452 : i32 to index
        %get3A_454 = tpu.vector_load %arg5[%get3A_453] {strides = array<i32>} : memref<16384xf32, #tpu.memory_space<vmem>>, vector<16xf32>,
        %get3A_455 = vector.shape_cast %get3A_454 : vector<16xf32> to vector<16xf32>
        %swap3A_456 = arith.index_cast %mul3A_452 : i32 to index
        %swap3A_457 = tpu.vector_load %arg7[%swap3A_456] {strides = array<i32>} : memref<16384xf32, #tpu.memory_space<vmem>>, vector<16xf32>,
        %swap3A_458 = vector.shape_cast %swap3A_457 : vector<16xf32> to vector<16xf32>
        %swap3A_459 = vector.shape_cast %get3A_455 : vector<16xf32> to vector<16xf32>
        tpu.vector_store %arg7[%swap3A_456], %swap3A_459 {add = true, strides = array<i32>} : memref<16384xf32, #tpu.memory_space<vmem>>, vector<16xf32>,
        %mul3A_460 = arith.constant 8 : i32
        %mul3A_461 = arith.muli %scan3A_396, %mul3A_460 : i32
        %add3A_462 = arith.constant 5 : i32
        %add3A_463 = arith.addi %mul3A_461, %add3A_462 : i32
        %mul3A_464 = arith.constant 16 : i32
        %mul3A_465 = arith.muli %add3A_463, %mul3A_464 : i32
        %get3A_466 = arith.index_cast %mul3A_465 : i32 to index
        %get3A_467 = tpu.vector_load %arg5[%get3A_466] {strides = array<i32>} : memref<16384xf32, #tpu.memory_space<vmem>>, vector<16xf32>,
        %get3A_468 = vector.shape_cast %get3A_467 : vector<16xf32> to vector<16xf32>
        %swap3A_469 = arith.index_cast %mul3A_465 : i32 to index
        %swap3A_470 = tpu.vector_load %arg7[%swap3A_469] {strides = array<i32>} : memref<16384xf32, #tpu.memory_space<vmem>>, vector<16xf32>,
        %swap3A_471 = vector.shape_cast %swap3A_470 : vector<16xf32> to vector<16xf32>
        %swap3A_472 = vector.shape_cast %get3A_468 : vector<16xf32> to vector<16xf32>
        tpu.vector_store %arg7[%swap3A_469], %swap3A_472 {add = true, strides = array<i32>} : memref<16384xf32, #tpu.memory_space<vmem>>, vector<16xf32>,
        %mul3A_473 = arith.constant 8 : i32
        %mul3A_474 = arith.muli %scan3A_396, %mul3A_473 : i32
        %add3A_475 = arith.constant 6 : i32
        %add3A_476 = arith.addi %mul3A_474, %add3A_475 : i32
        %mul3A_477 = arith.constant 16 : i32
        %mul3A_478 = arith.muli %add3A_476, %mul3A_477 : i32
        %get3A_479 = arith.index_cast %mul3A_478 : i32 to index
        %get3A_480 = tpu.vector_load %arg5[%get3A_479] {strides = array<i32>} : memref<16384xf32, #tpu.memory_space<vmem>>, vector<16xf32>,
        %get3A_481 = vector.shape_cast %get3A_480 : vector<16xf32> to vector<16xf32>
        %swap3A_482 = arith.index_cast %mul3A_478 : i32 to index
        %swap3A_483 = tpu.vector_load %arg7[%swap3A_482] {strides = array<i32>} : memref<16384xf32, #tpu.memory_space<vmem>>, vector<16xf32>,
        %swap3A_484 = vector.shape_cast %swap3A_483 : vector<16xf32> to vector<16xf32>
        %swap3A_485 = vector.shape_cast %get3A_481 : vector<16xf32> to vector<16xf32>
        tpu.vector_store %arg7[%swap3A_482], %swap3A_485 {add = true, strides = array<i32>} : memref<16384xf32, #tpu.memory_space<vmem>>, vector<16xf32>,
        %mul3A_486 = arith.constant 8 : i32
        %mul3A_487 = arith.muli %scan3A_396, %mul3A_486 : i32
        %add3A_488 = arith.constant 7 : i32
        %add3A_489 = arith.addi %mul3A_487, %add3A_488 : i32
        %mul3A_490 = arith.constant 16 : i32
        %mul3A_491 = arith.muli %add3A_489, %mul3A_490 : i32
        %get3A_492 = arith.index_cast %mul3A_491 : i32 to index
        %get3A_493 = tpu.vector_load %arg5[%get3A_492] {strides = array<i32>} : memref<16384xf32, #tpu.memory_space<vmem>>, vector<16xf32>,
        %get3A_494 = vector.shape_cast %get3A_493 : vector<16xf32> to vector<16xf32>
        %swap3A_495 = arith.index_cast %mul3A_491 : i32 to index
        %swap3A_496 = tpu.vector_load %arg7[%swap3A_495] {strides = array<i32>} : memref<16384xf32, #tpu.memory_space<vmem>>, vector<16xf32>,
        %swap3A_497 = vector.shape_cast %swap3A_496 : vector<16xf32> to vector<16xf32>
        %swap3A_498 = vector.shape_cast %get3A_494 : vector<16xf32> to vector<16xf32>
        tpu.vector_store %arg7[%swap3A_495], %swap3A_498 {add = true, strides = array<i32>} : memref<16384xf32, #tpu.memory_space<vmem>>, vector<16xf32>,
      }
      %scan3A_318 = arith.constant 128 : i32
      %mul3A_319 = arith.constant 16 : i32
      %mul3A_320 = arith.muli %scan3A_254, %mul3A_319 : i32
      %add3A_321 = arith.addi %mul3A_2, %mul3A_320 : i32
      %mul3A_322 = arith.constant 1024 : i32
      %mul3A_323 = arith.muli %add3A_321, %mul3A_322 : i32
      %add3A_324 = arith.constant 8388608 : i32
      %add3A_325 = arith.addi %add3A_324, %mul3A_323 : i32
      %dma_start3A_326 = tpu.memref_slice %arg4[%add3A_325] : memref<33554432xf32, #tpu.memory_space<hbm>> -> memref<16384xf32, #tpu.memory_space<hbm>>
      %dma_start3A_327 = tpu.memref_slice %arg4[%add3A_325] : memref<33554432xf32, #tpu.memory_space<hbm>> -> memref<16384xf32, #tpu.memory_space<hbm>>
      tpu.enqueue_dma source(%arg7 : memref<16384xf32, #tpu.memory_space<vmem>>) target(%dma_start3A_327 : memref<16384xf32, #tpu.memory_space<hbm>>) target_semaphore(%arg15 : memref<!tpu.dma_semaphore, #tpu.memory_space<semaphore_mem>>)
      %dma_wait3A_328 = arith.constant 0 : i32
      %dma_wait3A_329 = tpu.memref_slice %arg2[%dma_wait3A_328] : memref<33554432xf32, #tpu.memory_space<hbm>> -> memref<16384xf32, #tpu.memory_space<hbm>>
      %dma_wait3A_330 = arith.constant 0 : i32
      %dma_wait3A_331 = tpu.memref_slice %arg2[%dma_wait3A_330] : memref<33554432xf32, #tpu.memory_space<hbm>> -> memref<16384xf32, #tpu.memory_space<hbm>>
      tpu.wait_dma2 semaphore(%arg12 : memref<!tpu.dma_semaphore, #tpu.memory_space<semaphore_mem>>) src(%dma_wait3A_331 : memref<16384xf32, #tpu.memory_space<hbm>>) dst(%arg8 : memref<16384xf32, #tpu.memory_space<vmem>>)
      %dma_wait3A_332 = arith.constant 0 : i32
      %dma_wait3A_333 = tpu.memref_slice %arg4[%dma_wait3A_332] : memref<33554432xf32, #tpu.memory_space<hbm>> -> memref<16384xf32, #tpu.memory_space<hbm>>
      %dma_wait3A_334 = arith.constant 0 : i32
      %dma_wait3A_335 = tpu.memref_slice %arg4[%dma_wait3A_334] : memref<33554432xf32, #tpu.memory_space<hbm>> -> memref<16384xf32, #tpu.memory_space<hbm>>
      tpu.wait_dma2 semaphore(%arg14 : memref<!tpu.dma_semaphore, #tpu.memory_space<semaphore_mem>>) src(%arg6 : memref<16384xf32, #tpu.memory_space<vmem>>) dst(%dma_wait3A_335 : memref<16384xf32, #tpu.memory_space<hbm>>)
      %add3A_336 = arith.constant 1 : i32
      %add3A_337 = arith.addi %scan3A_254, %add3A_336 : i32
      %mul3A_338 = arith.constant 16 : i32
      %mul3A_339 = arith.muli %add3A_337, %mul3A_338 : i32
      %add3A_340 = arith.addi %mul3A_2, %mul3A_339 : i32
      %mul3A_341 = arith.constant 1024 : i32
      %mul3A_342 = arith.muli %add3A_340, %mul3A_341 : i32
      %add3A_343 = arith.constant 0 : i32
      %add3A_344 = arith.addi %add3A_343, %mul3A_342 : i32
      %dma_start3A_345 = tpu.memref_slice %arg2[%add3A_344] : memref<33554432xf32, #tpu.memory_space<hbm>> -> memref<16384xf32, #tpu.memory_space<hbm>>
      %dma_start3A_346 = tpu.memref_slice %arg2[%add3A_344] : memref<33554432xf32, #tpu.memory_space<hbm>> -> memref<16384xf32, #tpu.memory_space<hbm>>
      tpu.enqueue_dma source(%dma_start3A_346 : memref<16384xf32, #tpu.memory_space<hbm>>) target(%arg6 : memref<16384xf32, #tpu.memory_space<vmem>>) target_semaphore(%arg10 : memref<!tpu.dma_semaphore, #tpu.memory_space<semaphore_mem>>)
      %scan3A_347 = arith.constant 0 : i32
      %scan3A_348 = arith.constant 0 : i32
      %scan3A_349 = arith.constant 128 : i32
      %scan3A_350 = arith.addi %scan3A_348, %scan3A_349 : i32
      %scan3A_351 = arith.constant 1 : i32
      scf.for %scan3A_396 = %scan3A_348 to %scan3A_350 step %scan3A_351  : i32 {
        %mul3A_397 = arith.constant 8 : i32
        %mul3A_398 = arith.muli %scan3A_396, %mul3A_397 : i32
        %add3A_399 = arith.constant 0 : i32
        %add3A_400 = arith.addi %mul3A_398, %add3A_399 : i32
        %mul3A_401 = arith.constant 16 : i32
        %mul3A_402 = arith.muli %add3A_400, %mul3A_401 : i32
        %get3A = arith.index_cast %mul3A_402 : i32 to index
        %get3A_403 = tpu.vector_load %arg5[%get3A] {strides = array<i32>} : memref<16384xf32, #tpu.memory_space<vmem>>, vector<16xf32>,
        %get3A_404 = vector.shape_cast %get3A_403 : vector<16xf32> to vector<16xf32>
        %swap3A = arith.index_cast %mul3A_402 : i32 to index
        %swap3A_405 = tpu.vector_load %arg8[%swap3A] {strides = array<i32>} : memref<16384xf32, #tpu.memory_space<vmem>>, vector<16xf32>,
        %swap3A_406 = vector.shape_cast %swap3A_405 : vector<16xf32> to vector<16xf32>
        %swap3A_407 = vector.shape_cast %get3A_404 : vector<16xf32> to vector<16xf32>
        tpu.vector_store %arg8[%swap3A], %swap3A_407 {add = true, strides = array<i32>} : memref<16384xf32, #tpu.memory_space<vmem>>, vector<16xf32>,
        %mul3A_408 = arith.constant 8 : i32
        %mul3A_409 = arith.muli %scan3A_396, %mul3A_408 : i32
        %add3A_410 = arith.constant 1 : i32
        %add3A_411 = arith.addi %mul3A_409, %add3A_410 : i32
        %mul3A_412 = arith.constant 16 : i32
        %mul3A_413 = arith.muli %add3A_411, %mul3A_412 : i32
        %get3A_414 = arith.index_cast %mul3A_413 : i32 to index
        %get3A_415 = tpu.vector_load %arg5[%get3A_414] {strides = array<i32>} : memref<16384xf32, #tpu.memory_space<vmem>>, vector<16xf32>,
        %get3A_416 = vector.shape_cast %get3A_415 : vector<16xf32> to vector<16xf32>
        %swap3A_417 = arith.index_cast %mul3A_413 : i32 to index
        %swap3A_418 = tpu.vector_load %arg8[%swap3A_417] {strides = array<i32>} : memref<16384xf32, #tpu.memory_space<vmem>>, vector<16xf32>,
        %swap3A_419 = vector.shape_cast %swap3A_418 : vector<16xf32> to vector<16xf32>
        %swap3A_420 = vector.shape_cast %get3A_416 : vector<16xf32> to vector<16xf32>
        tpu.vector_store %arg8[%swap3A_417], %swap3A_420 {add = true, strides = array<i32>} : memref<16384xf32, #tpu.memory_space<vmem>>, vector<16xf32>,
        %mul3A_421 = arith.constant 8 : i32
        %mul3A_422 = arith.muli %scan3A_396, %mul3A_421 : i32
        %add3A_423 = arith.constant 2 : i32
        %add3A_424 = arith.addi %mul3A_422, %add3A_423 : i32
        %mul3A_425 = arith.constant 16 : i32
        %mul3A_426 = arith.muli %add3A_424, %mul3A_425 : i32
        %get3A_427 = arith.index_cast %mul3A_426 : i32 to index
        %get3A_428 = tpu.vector_load %arg5[%get3A_427] {strides = array<i32>} : memref<16384xf32, #tpu.memory_space<vmem>>, vector<16xf32>,
        %get3A_429 = vector.shape_cast %get3A_428 : vector<16xf32> to vector<16xf32>
        %swap3A_430 = arith.index_cast %mul3A_426 : i32 to index
        %swap3A_431 = tpu.vector_load %arg8[%swap3A_430] {strides = array<i32>} : memref<16384xf32, #tpu.memory_space<vmem>>, vector<16xf32>,
        %swap3A_432 = vector.shape_cast %swap3A_431 : vector<16xf32> to vector<16xf32>
        %swap3A_433 = vector.shape_cast %get3A_429 : vector<16xf32> to vector<16xf32>
        tpu.vector_store %arg8[%swap3A_430], %swap3A_433 {add = true, strides = array<i32>} : memref<16384xf32, #tpu.memory_space<vmem>>, vector<16xf32>,
        %mul3A_434 = arith.constant 8 : i32
        %mul3A_435 = arith.muli %scan3A_396, %mul3A_434 : i32
        %add3A_436 = arith.constant 3 : i32
        %add3A_437 = arith.addi %mul3A_435, %add3A_436 : i32
        %mul3A_438 = arith.constant 16 : i32
        %mul3A_439 = arith.muli %add3A_437, %mul3A_438 : i32
        %get3A_440 = arith.index_cast %mul3A_439 : i32 to index
        %get3A_441 = tpu.vector_load %arg5[%get3A_440] {strides = array<i32>} : memref<16384xf32, #tpu.memory_space<vmem>>, vector<16xf32>,
        %get3A_442 = vector.shape_cast %get3A_441 : vector<16xf32> to vector<16xf32>
        %swap3A_443 = arith.index_cast %mul3A_439 : i32 to index
        %swap3A_444 = tpu.vector_load %arg8[%swap3A_443] {strides = array<i32>} : memref<16384xf32, #tpu.memory_space<vmem>>, vector<16xf32>,
        %swap3A_445 = vector.shape_cast %swap3A_444 : vector<16xf32> to vector<16xf32>
        %swap3A_446 = vector.shape_cast %get3A_442 : vector<16xf32> to vector<16xf32>
        tpu.vector_store %arg8[%swap3A_443], %swap3A_446 {add = true, strides = array<i32>} : memref<16384xf32, #tpu.memory_space<vmem>>, vector<16xf32>,
        %mul3A_447 = arith.constant 8 : i32
        %mul3A_448 = arith.muli %scan3A_396, %mul3A_447 : i32
        %add3A_449 = arith.constant 4 : i32
        %add3A_450 = arith.addi %mul3A_448, %add3A_449 : i32
        %mul3A_451 = arith.constant 16 : i32
        %mul3A_452 = arith.muli %add3A_450, %mul3A_451 : i32
        %get3A_453 = arith.index_cast %mul3A_452 : i32 to index
        %get3A_454 = tpu.vector_load %arg5[%get3A_453] {strides = array<i32>} : memref<16384xf32, #tpu.memory_space<vmem>>, vector<16xf32>,
        %get3A_455 = vector.shape_cast %get3A_454 : vector<16xf32> to vector<16xf32>
        %swap3A_456 = arith.index_cast %mul3A_452 : i32 to index
        %swap3A_457 = tpu.vector_load %arg8[%swap3A_456] {strides = array<i32>} : memref<16384xf32, #tpu.memory_space<vmem>>, vector<16xf32>,
        %swap3A_458 = vector.shape_cast %swap3A_457 : vector<16xf32> to vector<16xf32>
        %swap3A_459 = vector.shape_cast %get3A_455 : vector<16xf32> to vector<16xf32>
        tpu.vector_store %arg8[%swap3A_456], %swap3A_459 {add = true, strides = array<i32>} : memref<16384xf32, #tpu.memory_space<vmem>>, vector<16xf32>,
        %mul3A_460 = arith.constant 8 : i32
        %mul3A_461 = arith.muli %scan3A_396, %mul3A_460 : i32
        %add3A_462 = arith.constant 5 : i32
        %add3A_463 = arith.addi %mul3A_461, %add3A_462 : i32
        %mul3A_464 = arith.constant 16 : i32
        %mul3A_465 = arith.muli %add3A_463, %mul3A_464 : i32
        %get3A_466 = arith.index_cast %mul3A_465 : i32 to index
        %get3A_467 = tpu.vector_load %arg5[%get3A_466] {strides = array<i32>} : memref<16384xf32, #tpu.memory_space<vmem>>, vector<16xf32>,
        %get3A_468 = vector.shape_cast %get3A_467 : vector<16xf32> to vector<16xf32>
        %swap3A_469 = arith.index_cast %mul3A_465 : i32 to index
        %swap3A_470 = tpu.vector_load %arg8[%swap3A_469] {strides = array<i32>} : memref<16384xf32, #tpu.memory_space<vmem>>, vector<16xf32>,
        %swap3A_471 = vector.shape_cast %swap3A_470 : vector<16xf32> to vector<16xf32>
        %swap3A_472 = vector.shape_cast %get3A_468 : vector<16xf32> to vector<16xf32>
        tpu.vector_store %arg8[%swap3A_469], %swap3A_472 {add = true, strides = array<i32>} : memref<16384xf32, #tpu.memory_space<vmem>>, vector<16xf32>,
        %mul3A_473 = arith.constant 8 : i32
        %mul3A_474 = arith.muli %scan3A_396, %mul3A_473 : i32
        %add3A_475 = arith.constant 6 : i32
        %add3A_476 = arith.addi %mul3A_474, %add3A_475 : i32
        %mul3A_477 = arith.constant 16 : i32
        %mul3A_478 = arith.muli %add3A_476, %mul3A_477 : i32
        %get3A_479 = arith.index_cast %mul3A_478 : i32 to index
        %get3A_480 = tpu.vector_load %arg5[%get3A_479] {strides = array<i32>} : memref<16384xf32, #tpu.memory_space<vmem>>, vector<16xf32>,
        %get3A_481 = vector.shape_cast %get3A_480 : vector<16xf32> to vector<16xf32>
        %swap3A_482 = arith.index_cast %mul3A_478 : i32 to index
        %swap3A_483 = tpu.vector_load %arg8[%swap3A_482] {strides = array<i32>} : memref<16384xf32, #tpu.memory_space<vmem>>, vector<16xf32>,
        %swap3A_484 = vector.shape_cast %swap3A_483 : vector<16xf32> to vector<16xf32>
        %swap3A_485 = vector.shape_cast %get3A_481 : vector<16xf32> to vector<16xf32>
        tpu.vector_store %arg8[%swap3A_482], %swap3A_485 {add = true, strides = array<i32>} : memref<16384xf32, #tpu.memory_space<vmem>>, vector<16xf32>,
        %mul3A_486 = arith.constant 8 : i32
        %mul3A_487 = arith.muli %scan3A_396, %mul3A_486 : i32
        %add3A_488 = arith.constant 7 : i32
        %add3A_489 = arith.addi %mul3A_487, %add3A_488 : i32
        %mul3A_490 = arith.constant 16 : i32
        %mul3A_491 = arith.muli %add3A_489, %mul3A_490 : i32
        %get3A_492 = arith.index_cast %mul3A_491 : i32 to index
        %get3A_493 = tpu.vector_load %arg5[%get3A_492] {strides = array<i32>} : memref<16384xf32, #tpu.memory_space<vmem>>, vector<16xf32>,
        %get3A_494 = vector.shape_cast %get3A_493 : vector<16xf32> to vector<16xf32>
        %swap3A_495 = arith.index_cast %mul3A_491 : i32 to index
        %swap3A_496 = tpu.vector_load %arg8[%swap3A_495] {strides = array<i32>} : memref<16384xf32, #tpu.memory_space<vmem>>, vector<16xf32>,
        %swap3A_497 = vector.shape_cast %swap3A_496 : vector<16xf32> to vector<16xf32>
        %swap3A_498 = vector.shape_cast %get3A_494 : vector<16xf32> to vector<16xf32>
        tpu.vector_store %arg8[%swap3A_495], %swap3A_498 {add = true, strides = array<i32>} : memref<16384xf32, #tpu.memory_space<vmem>>, vector<16xf32>,
      }
      %scan3A_352 = arith.constant 128 : i32
      %mul3A_353 = arith.constant 16 : i32
      %mul3A_354 = arith.muli %scan3A_254, %mul3A_353 : i32
      %add3A_355 = arith.addi %mul3A_2, %mul3A_354 : i32
      %mul3A_356 = arith.constant 1024 : i32
      %mul3A_357 = arith.muli %add3A_355, %mul3A_356 : i32
      %add3A_358 = arith.constant 16777216 : i32
      %add3A_359 = arith.addi %add3A_358, %mul3A_357 : i32
      %dma_start3A_360 = tpu.memref_slice %arg4[%add3A_359] : memref<33554432xf32, #tpu.memory_space<hbm>> -> memref<16384xf32, #tpu.memory_space<hbm>>
      %dma_start3A_361 = tpu.memref_slice %arg4[%add3A_359] : memref<33554432xf32, #tpu.memory_space<hbm>> -> memref<16384xf32, #tpu.memory_space<hbm>>
      tpu.enqueue_dma source(%arg8 : memref<16384xf32, #tpu.memory_space<vmem>>) target(%dma_start3A_361 : memref<16384xf32, #tpu.memory_space<hbm>>) target_semaphore(%arg16 : memref<!tpu.dma_semaphore, #tpu.memory_space<semaphore_mem>>)
      %dma_wait3A_362 = arith.constant 0 : i32
      %dma_wait3A_363 = tpu.memref_slice %arg2[%dma_wait3A_362] : memref<33554432xf32, #tpu.memory_space<hbm>> -> memref<16384xf32, #tpu.memory_space<hbm>>
      %dma_wait3A_364 = arith.constant 0 : i32
      %dma_wait3A_365 = tpu.memref_slice %arg2[%dma_wait3A_364] : memref<33554432xf32, #tpu.memory_space<hbm>> -> memref<16384xf32, #tpu.memory_space<hbm>>
      tpu.wait_dma2 semaphore(%arg13 : memref<!tpu.dma_semaphore, #tpu.memory_space<semaphore_mem>>) src(%dma_wait3A_365 : memref<16384xf32, #tpu.memory_space<hbm>>) dst(%arg9 : memref<16384xf32, #tpu.memory_space<vmem>>)
      %dma_wait3A_366 = arith.constant 0 : i32
      %dma_wait3A_367 = tpu.memref_slice %arg4[%dma_wait3A_366] : memref<33554432xf32, #tpu.memory_space<hbm>> -> memref<16384xf32, #tpu.memory_space<hbm>>
      %dma_wait3A_368 = arith.constant 0 : i32
      %dma_wait3A_369 = tpu.memref_slice %arg4[%dma_wait3A_368] : memref<33554432xf32, #tpu.memory_space<hbm>> -> memref<16384xf32, #tpu.memory_space<hbm>>
      tpu.wait_dma2 semaphore(%arg15 : memref<!tpu.dma_semaphore, #tpu.memory_space<semaphore_mem>>) src(%arg7 : memref<16384xf32, #tpu.memory_space<vmem>>) dst(%dma_wait3A_369 : memref<16384xf32, #tpu.memory_space<hbm>>)
      %add3A_370 = arith.constant 1 : i32
      %add3A_371 = arith.addi %scan3A_254, %add3A_370 : i32
      %mul3A_372 = arith.constant 16 : i32
      %mul3A_373 = arith.muli %add3A_371, %mul3A_372 : i32
      %add3A_374 = arith.addi %mul3A_2, %mul3A_373 : i32
      %mul3A_375 = arith.constant 1024 : i32
      %mul3A_376 = arith.muli %add3A_374, %mul3A_375 : i32
      %add3A_377 = arith.constant 8388608 : i32
      %add3A_378 = arith.addi %add3A_377, %mul3A_376 : i32
      %dma_start3A_379 = tpu.memref_slice %arg2[%add3A_378] : memref<33554432xf32, #tpu.memory_space<hbm>> -> memref<16384xf32, #tpu.memory_space<hbm>>
      %dma_start3A_380 = tpu.memref_slice %arg2[%add3A_378] : memref<33554432xf32, #tpu.memory_space<hbm>> -> memref<16384xf32, #tpu.memory_space<hbm>>
      tpu.enqueue_dma source(%dma_start3A_380 : memref<16384xf32, #tpu.memory_space<hbm>>) target(%arg7 : memref<16384xf32, #tpu.memory_space<vmem>>) target_semaphore(%arg11 : memref<!tpu.dma_semaphore, #tpu.memory_space<semaphore_mem>>)
      %scan3A_381 = arith.constant 0 : i32
      %scan3A_382 = arith.constant 0 : i32
      %scan3A_383 = arith.constant 128 : i32
      %scan3A_384 = arith.addi %scan3A_382, %scan3A_383 : i32
      %scan3A_385 = arith.constant 1 : i32
      scf.for %scan3A_396 = %scan3A_382 to %scan3A_384 step %scan3A_385  : i32 {
        %mul3A_397 = arith.constant 8 : i32
        %mul3A_398 = arith.muli %scan3A_396, %mul3A_397 : i32
        %add3A_399 = arith.constant 0 : i32
        %add3A_400 = arith.addi %mul3A_398, %add3A_399 : i32
        %mul3A_401 = arith.constant 16 : i32
        %mul3A_402 = arith.muli %add3A_400, %mul3A_401 : i32
        %get3A = arith.index_cast %mul3A_402 : i32 to index
        %get3A_403 = tpu.vector_load %arg5[%get3A] {strides = array<i32>} : memref<16384xf32, #tpu.memory_space<vmem>>, vector<16xf32>,
        %get3A_404 = vector.shape_cast %get3A_403 : vector<16xf32> to vector<16xf32>
        %swap3A = arith.index_cast %mul3A_402 : i32 to index
        %swap3A_405 = tpu.vector_load %arg9[%swap3A] {strides = array<i32>} : memref<16384xf32, #tpu.memory_space<vmem>>, vector<16xf32>,
        %swap3A_406 = vector.shape_cast %swap3A_405 : vector<16xf32> to vector<16xf32>
        %swap3A_407 = vector.shape_cast %get3A_404 : vector<16xf32> to vector<16xf32>
        tpu.vector_store %arg9[%swap3A], %swap3A_407 {add = true, strides = array<i32>} : memref<16384xf32, #tpu.memory_space<vmem>>, vector<16xf32>,
        %mul3A_408 = arith.constant 8 : i32
        %mul3A_409 = arith.muli %scan3A_396, %mul3A_408 : i32
        %add3A_410 = arith.constant 1 : i32
        %add3A_411 = arith.addi %mul3A_409, %add3A_410 : i32
        %mul3A_412 = arith.constant 16 : i32
        %mul3A_413 = arith.muli %add3A_411, %mul3A_412 : i32
        %get3A_414 = arith.index_cast %mul3A_413 : i32 to index
        %get3A_415 = tpu.vector_load %arg5[%get3A_414] {strides = array<i32>} : memref<16384xf32, #tpu.memory_space<vmem>>, vector<16xf32>,
        %get3A_416 = vector.shape_cast %get3A_415 : vector<16xf32> to vector<16xf32>
        %swap3A_417 = arith.index_cast %mul3A_413 : i32 to index
        %swap3A_418 = tpu.vector_load %arg9[%swap3A_417] {strides = array<i32>} : memref<16384xf32, #tpu.memory_space<vmem>>, vector<16xf32>,
        %swap3A_419 = vector.shape_cast %swap3A_418 : vector<16xf32> to vector<16xf32>
        %swap3A_420 = vector.shape_cast %get3A_416 : vector<16xf32> to vector<16xf32>
        tpu.vector_store %arg9[%swap3A_417], %swap3A_420 {add = true, strides = array<i32>} : memref<16384xf32, #tpu.memory_space<vmem>>, vector<16xf32>,
        %mul3A_421 = arith.constant 8 : i32
        %mul3A_422 = arith.muli %scan3A_396, %mul3A_421 : i32
        %add3A_423 = arith.constant 2 : i32
        %add3A_424 = arith.addi %mul3A_422, %add3A_423 : i32
        %mul3A_425 = arith.constant 16 : i32
        %mul3A_426 = arith.muli %add3A_424, %mul3A_425 : i32
        %get3A_427 = arith.index_cast %mul3A_426 : i32 to index
        %get3A_428 = tpu.vector_load %arg5[%get3A_427] {strides = array<i32>} : memref<16384xf32, #tpu.memory_space<vmem>>, vector<16xf32>,
        %get3A_429 = vector.shape_cast %get3A_428 : vector<16xf32> to vector<16xf32>
        %swap3A_430 = arith.index_cast %mul3A_426 : i32 to index
        %swap3A_431 = tpu.vector_load %arg9[%swap3A_430] {strides = array<i32>} : memref<16384xf32, #tpu.memory_space<vmem>>, vector<16xf32>,
        %swap3A_432 = vector.shape_cast %swap3A_431 : vector<16xf32> to vector<16xf32>
        %swap3A_433 = vector.shape_cast %get3A_429 : vector<16xf32> to vector<16xf32>
        tpu.vector_store %arg9[%swap3A_430], %swap3A_433 {add = true, strides = array<i32>} : memref<16384xf32, #tpu.memory_space<vmem>>, vector<16xf32>,
        %mul3A_434 = arith.constant 8 : i32
        %mul3A_435 = arith.muli %scan3A_396, %mul3A_434 : i32
        %add3A_436 = arith.constant 3 : i32
        %add3A_437 = arith.addi %mul3A_435, %add3A_436 : i32
        %mul3A_438 = arith.constant 16 : i32
        %mul3A_439 = arith.muli %add3A_437, %mul3A_438 : i32
        %get3A_440 = arith.index_cast %mul3A_439 : i32 to index
        %get3A_441 = tpu.vector_load %arg5[%get3A_440] {strides = array<i32>} : memref<16384xf32, #tpu.memory_space<vmem>>, vector<16xf32>,
        %get3A_442 = vector.shape_cast %get3A_441 : vector<16xf32> to vector<16xf32>
        %swap3A_443 = arith.index_cast %mul3A_439 : i32 to index
        %swap3A_444 = tpu.vector_load %arg9[%swap3A_443] {strides = array<i32>} : memref<16384xf32, #tpu.memory_space<vmem>>, vector<16xf32>,
        %swap3A_445 = vector.shape_cast %swap3A_444 : vector<16xf32> to vector<16xf32>
        %swap3A_446 = vector.shape_cast %get3A_442 : vector<16xf32> to vector<16xf32>
        tpu.vector_store %arg9[%swap3A_443], %swap3A_446 {add = true, strides = array<i32>} : memref<16384xf32, #tpu.memory_space<vmem>>, vector<16xf32>,
        %mul3A_447 = arith.constant 8 : i32
        %mul3A_448 = arith.muli %scan3A_396, %mul3A_447 : i32
        %add3A_449 = arith.constant 4 : i32
        %add3A_450 = arith.addi %mul3A_448, %add3A_449 : i32
        %mul3A_451 = arith.constant 16 : i32
        %mul3A_452 = arith.muli %add3A_450, %mul3A_451 : i32
        %get3A_453 = arith.index_cast %mul3A_452 : i32 to index
        %get3A_454 = tpu.vector_load %arg5[%get3A_453] {strides = array<i32>} : memref<16384xf32, #tpu.memory_space<vmem>>, vector<16xf32>,
        %get3A_455 = vector.shape_cast %get3A_454 : vector<16xf32> to vector<16xf32>
        %swap3A_456 = arith.index_cast %mul3A_452 : i32 to index
        %swap3A_457 = tpu.vector_load %arg9[%swap3A_456] {strides = array<i32>} : memref<16384xf32, #tpu.memory_space<vmem>>, vector<16xf32>,
        %swap3A_458 = vector.shape_cast %swap3A_457 : vector<16xf32> to vector<16xf32>
        %swap3A_459 = vector.shape_cast %get3A_455 : vector<16xf32> to vector<16xf32>
        tpu.vector_store %arg9[%swap3A_456], %swap3A_459 {add = true, strides = array<i32>} : memref<16384xf32, #tpu.memory_space<vmem>>, vector<16xf32>,
        %mul3A_460 = arith.constant 8 : i32
        %mul3A_461 = arith.muli %scan3A_396, %mul3A_460 : i32
        %add3A_462 = arith.constant 5 : i32
        %add3A_463 = arith.addi %mul3A_461, %add3A_462 : i32
        %mul3A_464 = arith.constant 16 : i32
        %mul3A_465 = arith.muli %add3A_463, %mul3A_464 : i32
        %get3A_466 = arith.index_cast %mul3A_465 : i32 to index
        %get3A_467 = tpu.vector_load %arg5[%get3A_466] {strides = array<i32>} : memref<16384xf32, #tpu.memory_space<vmem>>, vector<16xf32>,
        %get3A_468 = vector.shape_cast %get3A_467 : vector<16xf32> to vector<16xf32>
        %swap3A_469 = arith.index_cast %mul3A_465 : i32 to index
        %swap3A_470 = tpu.vector_load %arg9[%swap3A_469] {strides = array<i32>} : memref<16384xf32, #tpu.memory_space<vmem>>, vector<16xf32>,
        %swap3A_471 = vector.shape_cast %swap3A_470 : vector<16xf32> to vector<16xf32>
        %swap3A_472 = vector.shape_cast %get3A_468 : vector<16xf32> to vector<16xf32>
        tpu.vector_store %arg9[%swap3A_469], %swap3A_472 {add = true, strides = array<i32>} : memref<16384xf32, #tpu.memory_space<vmem>>, vector<16xf32>,
        %mul3A_473 = arith.constant 8 : i32
        %mul3A_474 = arith.muli %scan3A_396, %mul3A_473 : i32
        %add3A_475 = arith.constant 6 : i32
        %add3A_476 = arith.addi %mul3A_474, %add3A_475 : i32
        %mul3A_477 = arith.constant 16 : i32
        %mul3A_478 = arith.muli %add3A_476, %mul3A_477 : i32
        %get3A_479 = arith.index_cast %mul3A_478 : i32 to index
        %get3A_480 = tpu.vector_load %arg5[%get3A_479] {strides = array<i32>} : memref<16384xf32, #tpu.memory_space<vmem>>, vector<16xf32>,
        %get3A_481 = vector.shape_cast %get3A_480 : vector<16xf32> to vector<16xf32>
        %swap3A_482 = arith.index_cast %mul3A_478 : i32 to index
        %swap3A_483 = tpu.vector_load %arg9[%swap3A_482] {strides = array<i32>} : memref<16384xf32, #tpu.memory_space<vmem>>, vector<16xf32>,
        %swap3A_484 = vector.shape_cast %swap3A_483 : vector<16xf32> to vector<16xf32>
        %swap3A_485 = vector.shape_cast %get3A_481 : vector<16xf32> to vector<16xf32>
        tpu.vector_store %arg9[%swap3A_482], %swap3A_485 {add = true, strides = array<i32>} : memref<16384xf32, #tpu.memory_space<vmem>>, vector<16xf32>,
        %mul3A_486 = arith.constant 8 : i32
        %mul3A_487 = arith.muli %scan3A_396, %mul3A_486 : i32
        %add3A_488 = arith.constant 7 : i32
        %add3A_489 = arith.addi %mul3A_487, %add3A_488 : i32
        %mul3A_490 = arith.constant 16 : i32
        %mul3A_491 = arith.muli %add3A_489, %mul3A_490 : i32
        %get3A_492 = arith.index_cast %mul3A_491 : i32 to index
        %get3A_493 = tpu.vector_load %arg5[%get3A_492] {strides = array<i32>} : memref<16384xf32, #tpu.memory_space<vmem>>, vector<16xf32>,
        %get3A_494 = vector.shape_cast %get3A_493 : vector<16xf32> to vector<16xf32>
        %swap3A_495 = arith.index_cast %mul3A_491 : i32 to index
        %swap3A_496 = tpu.vector_load %arg9[%swap3A_495] {strides = array<i32>} : memref<16384xf32, #tpu.memory_space<vmem>>, vector<16xf32>,
        %swap3A_497 = vector.shape_cast %swap3A_496 : vector<16xf32> to vector<16xf32>
        %swap3A_498 = vector.shape_cast %get3A_494 : vector<16xf32> to vector<16xf32>
        tpu.vector_store %arg9[%swap3A_495], %swap3A_498 {add = true, strides = array<i32>} : memref<16384xf32, #tpu.memory_space<vmem>>, vector<16xf32>,
      }
      %scan3A_386 = arith.constant 128 : i32
      %mul3A_387 = arith.constant 16 : i32
      %mul3A_388 = arith.muli %scan3A_254, %mul3A_387 : i32
      %add3A_389 = arith.addi %mul3A_2, %mul3A_388 : i32
      %mul3A_390 = arith.constant 1024 : i32
      %mul3A_391 = arith.muli %add3A_389, %mul3A_390 : i32
      %add3A_392 = arith.constant 25165824 : i32
      %add3A_393 = arith.addi %add3A_392, %mul3A_391 : i32
      %dma_start3A_394 = tpu.memref_slice %arg4[%add3A_393] : memref<33554432xf32, #tpu.memory_space<hbm>> -> memref<16384xf32, #tpu.memory_space<hbm>>
      %dma_start3A_395 = tpu.memref_slice %arg4[%add3A_393] : memref<33554432xf32, #tpu.memory_space<hbm>> -> memref<16384xf32, #tpu.memory_space<hbm>>
      tpu.enqueue_dma source(%arg9 : memref<16384xf32, #tpu.memory_space<vmem>>) target(%dma_start3A_395 : memref<16384xf32, #tpu.memory_space<hbm>>) target_semaphore(%arg17 : memref<!tpu.dma_semaphore, #tpu.memory_space<semaphore_mem>>)
    }
    %scan3A_137 = arith.constant 14 : i32
    %add3A_138 = arith.constant 240 : i32
    %add3A_139 = arith.addi %mul3A_2, %add3A_138 : i32
    %mul3A_140 = arith.constant 1024 : i32
    %mul3A_141 = arith.muli %add3A_139, %mul3A_140 : i32
    "tpu.region"() ({
      %run_scoped3A = tpu.sem_alloc : memref<!tpu.dma_semaphore, #tpu.memory_space<semaphore_mem>>
      %dma_start3A_254 = tpu.memref_slice %arg3[%mul3A_141] : memref<8388608xf32, #tpu.memory_space<hbm>> -> memref<16384xf32, #tpu.memory_space<hbm>>
      %dma_start3A_255 = tpu.memref_slice %arg3[%mul3A_141] : memref<8388608xf32, #tpu.memory_space<hbm>> -> memref<16384xf32, #tpu.memory_space<hbm>>
      tpu.enqueue_dma source(%dma_start3A_255 : memref<16384xf32, #tpu.memory_space<hbm>>) target(%arg5 : memref<16384xf32, #tpu.memory_space<vmem>>) target_semaphore(%run_scoped3A : memref<!tpu.dma_semaphore, #tpu.memory_space<semaphore_mem>>)
      %dma_wait3A_256 = tpu.memref_slice %arg3[%mul3A_141] : memref<8388608xf32, #tpu.memory_space<hbm>> -> memref<16384xf32, #tpu.memory_space<hbm>>
      %dma_wait3A_257 = tpu.memref_slice %arg3[%mul3A_141] : memref<8388608xf32, #tpu.memory_space<hbm>> -> memref<16384xf32, #tpu.memory_space<hbm>>
      tpu.wait_dma2 semaphore(%run_scoped3A : memref<!tpu.dma_semaphore, #tpu.memory_space<semaphore_mem>>) src(%dma_wait3A_257 : memref<16384xf32, #tpu.memory_space<hbm>>) dst(%arg5 : memref<16384xf32, #tpu.memory_space<vmem>>)
      tpu.yield
    }) : () -> ()
    %dma_wait3A_142 = arith.constant 0 : i32
    %dma_wait3A_143 = tpu.memref_slice %arg2[%dma_wait3A_142] : memref<33554432xf32, #tpu.memory_space<hbm>> -> memref<16384xf32, #tpu.memory_space<hbm>>
    %dma_wait3A_144 = arith.constant 0 : i32
    %dma_wait3A_145 = tpu.memref_slice %arg2[%dma_wait3A_144] : memref<33554432xf32, #tpu.memory_space<hbm>> -> memref<16384xf32, #tpu.memory_space<hbm>>
    tpu.wait_dma2 semaphore(%arg10 : memref<!tpu.dma_semaphore, #tpu.memory_space<semaphore_mem>>) src(%dma_wait3A_145 : memref<16384xf32, #tpu.memory_space<hbm>>) dst(%arg6 : memref<16384xf32, #tpu.memory_space<vmem>>)
    %dma_wait3A_146 = arith.constant 0 : i32
    %dma_wait3A_147 = tpu.memref_slice %arg4[%dma_wait3A_146] : memref<33554432xf32, #tpu.memory_space<hbm>> -> memref<16384xf32, #tpu.memory_space<hbm>>
    %dma_wait3A_148 = arith.constant 0 : i32
    %dma_wait3A_149 = tpu.memref_slice %arg4[%dma_wait3A_148] : memref<33554432xf32, #tpu.memory_space<hbm>> -> memref<16384xf32, #tpu.memory_space<hbm>>
    tpu.wait_dma2 semaphore(%arg16 : memref<!tpu.dma_semaphore, #tpu.memory_space<semaphore_mem>>) src(%arg8 : memref<16384xf32, #tpu.memory_space<vmem>>) dst(%dma_wait3A_149 : memref<16384xf32, #tpu.memory_space<hbm>>)
    %add3A_150 = arith.constant 240 : i32
    %add3A_151 = arith.addi %mul3A_2, %add3A_150 : i32
    %mul3A_152 = arith.constant 1024 : i32
    %mul3A_153 = arith.muli %add3A_151, %mul3A_152 : i32
    %add3A_154 = arith.constant 16777216 : i32
    %add3A_155 = arith.addi %add3A_154, %mul3A_153 : i32
    %dma_start3A_156 = tpu.memref_slice %arg2[%add3A_155] : memref<33554432xf32, #tpu.memory_space<hbm>> -> memref<16384xf32, #tpu.memory_space<hbm>>
    %dma_start3A_157 = tpu.memref_slice %arg2[%add3A_155] : memref<33554432xf32, #tpu.memory_space<hbm>> -> memref<16384xf32, #tpu.memory_space<hbm>>
    tpu.enqueue_dma source(%dma_start3A_157 : memref<16384xf32, #tpu.memory_space<hbm>>) target(%arg8 : memref<16384xf32, #tpu.memory_space<vmem>>) target_semaphore(%arg12 : memref<!tpu.dma_semaphore, #tpu.memory_space<semaphore_mem>>)
    %scan3A_158 = arith.constant 0 : i32
    %scan3A_159 = arith.constant 0 : i32
    %scan3A_160 = arith.constant 128 : i32
    %scan3A_161 = arith.addi %scan3A_159, %scan3A_160 : i32
    %scan3A_162 = arith.constant 1 : i32
    scf.for %scan3A_254 = %scan3A_159 to %scan3A_161 step %scan3A_162  : i32 {
      %mul3A_255 = arith.constant 8 : i32
      %mul3A_256 = arith.muli %scan3A_254, %mul3A_255 : i32
      %add3A_257 = arith.constant 0 : i32
      %add3A_258 = arith.addi %mul3A_256, %add3A_257 : i32
      %mul3A_259 = arith.constant 16 : i32
      %mul3A_260 = arith.muli %add3A_258, %mul3A_259 : i32
      %get3A = arith.index_cast %mul3A_260 : i32 to index
      %get3A_261 = tpu.vector_load %arg5[%get3A] {strides = array<i32>} : memref<16384xf32, #tpu.memory_space<vmem>>, vector<16xf32>,
      %get3A_262 = vector.shape_cast %get3A_261 : vector<16xf32> to vector<16xf32>
      %swap3A = arith.index_cast %mul3A_260 : i32 to index
      %swap3A_263 = tpu.vector_load %arg6[%swap3A] {strides = array<i32>} : memref<16384xf32, #tpu.memory_space<vmem>>, vector<16xf32>,
      %swap3A_264 = vector.shape_cast %swap3A_263 : vector<16xf32> to vector<16xf32>
      %swap3A_265 = vector.shape_cast %get3A_262 : vector<16xf32> to vector<16xf32>
      tpu.vector_store %arg6[%swap3A], %swap3A_265 {add = true, strides = array<i32>} : memref<16384xf32, #tpu.memory_space<vmem>>, vector<16xf32>,
      %mul3A_266 = arith.constant 8 : i32
      %mul3A_267 = arith.muli %scan3A_254, %mul3A_266 : i32
      %add3A_268 = arith.constant 1 : i32
      %add3A_269 = arith.addi %mul3A_267, %add3A_268 : i32
      %mul3A_270 = arith.constant 16 : i32
      %mul3A_271 = arith.muli %add3A_269, %mul3A_270 : i32
      %get3A_272 = arith.index_cast %mul3A_271 : i32 to index
      %get3A_273 = tpu.vector_load %arg5[%get3A_272] {strides = array<i32>} : memref<16384xf32, #tpu.memory_space<vmem>>, vector<16xf32>,
      %get3A_274 = vector.shape_cast %get3A_273 : vector<16xf32> to vector<16xf32>
      %swap3A_275 = arith.index_cast %mul3A_271 : i32 to index
      %swap3A_276 = tpu.vector_load %arg6[%swap3A_275] {strides = array<i32>} : memref<16384xf32, #tpu.memory_space<vmem>>, vector<16xf32>,
      %swap3A_277 = vector.shape_cast %swap3A_276 : vector<16xf32> to vector<16xf32>
      %swap3A_278 = vector.shape_cast %get3A_274 : vector<16xf32> to vector<16xf32>
      tpu.vector_store %arg6[%swap3A_275], %swap3A_278 {add = true, strides = array<i32>} : memref<16384xf32, #tpu.memory_space<vmem>>, vector<16xf32>,
      %mul3A_279 = arith.constant 8 : i32
      %mul3A_280 = arith.muli %scan3A_254, %mul3A_279 : i32
      %add3A_281 = arith.constant 2 : i32
      %add3A_282 = arith.addi %mul3A_280, %add3A_281 : i32
      %mul3A_283 = arith.constant 16 : i32
      %mul3A_284 = arith.muli %add3A_282, %mul3A_283 : i32
      %get3A_285 = arith.index_cast %mul3A_284 : i32 to index
      %get3A_286 = tpu.vector_load %arg5[%get3A_285] {strides = array<i32>} : memref<16384xf32, #tpu.memory_space<vmem>>, vector<16xf32>,
      %get3A_287 = vector.shape_cast %get3A_286 : vector<16xf32> to vector<16xf32>
      %swap3A_288 = arith.index_cast %mul3A_284 : i32 to index
      %swap3A_289 = tpu.vector_load %arg6[%swap3A_288] {strides = array<i32>} : memref<16384xf32, #tpu.memory_space<vmem>>, vector<16xf32>,
      %swap3A_290 = vector.shape_cast %swap3A_289 : vector<16xf32> to vector<16xf32>
      %swap3A_291 = vector.shape_cast %get3A_287 : vector<16xf32> to vector<16xf32>
      tpu.vector_store %arg6[%swap3A_288], %swap3A_291 {add = true, strides = array<i32>} : memref<16384xf32, #tpu.memory_space<vmem>>, vector<16xf32>,
      %mul3A_292 = arith.constant 8 : i32
      %mul3A_293 = arith.muli %scan3A_254, %mul3A_292 : i32
      %add3A_294 = arith.constant 3 : i32
      %add3A_295 = arith.addi %mul3A_293, %add3A_294 : i32
      %mul3A_296 = arith.constant 16 : i32
      %mul3A_297 = arith.muli %add3A_295, %mul3A_296 : i32
      %get3A_298 = arith.index_cast %mul3A_297 : i32 to index
      %get3A_299 = tpu.vector_load %arg5[%get3A_298] {strides = array<i32>} : memref<16384xf32, #tpu.memory_space<vmem>>, vector<16xf32>,
      %get3A_300 = vector.shape_cast %get3A_299 : vector<16xf32> to vector<16xf32>
      %swap3A_301 = arith.index_cast %mul3A_297 : i32 to index
      %swap3A_302 = tpu.vector_load %arg6[%swap3A_301] {strides = array<i32>} : memref<16384xf32, #tpu.memory_space<vmem>>, vector<16xf32>,
      %swap3A_303 = vector.shape_cast %swap3A_302 : vector<16xf32> to vector<16xf32>
      %swap3A_304 = vector.shape_cast %get3A_300 : vector<16xf32> to vector<16xf32>
      tpu.vector_store %arg6[%swap3A_301], %swap3A_304 {add = true, strides = array<i32>} : memref<16384xf32, #tpu.memory_space<vmem>>, vector<16xf32>,
      %mul3A_305 = arith.constant 8 : i32
      %mul3A_306 = arith.muli %scan3A_254, %mul3A_305 : i32
      %add3A_307 = arith.constant 4 : i32
      %add3A_308 = arith.addi %mul3A_306, %add3A_307 : i32
      %mul3A_309 = arith.constant 16 : i32
      %mul3A_310 = arith.muli %add3A_308, %mul3A_309 : i32
      %get3A_311 = arith.index_cast %mul3A_310 : i32 to index
      %get3A_312 = tpu.vector_load %arg5[%get3A_311] {strides = array<i32>} : memref<16384xf32, #tpu.memory_space<vmem>>, vector<16xf32>,
      %get3A_313 = vector.shape_cast %get3A_312 : vector<16xf32> to vector<16xf32>
      %swap3A_314 = arith.index_cast %mul3A_310 : i32 to index
      %swap3A_315 = tpu.vector_load %arg6[%swap3A_314] {strides = array<i32>} : memref<16384xf32, #tpu.memory_space<vmem>>, vector<16xf32>,
      %swap3A_316 = vector.shape_cast %swap3A_315 : vector<16xf32> to vector<16xf32>
      %swap3A_317 = vector.shape_cast %get3A_313 : vector<16xf32> to vector<16xf32>
      tpu.vector_store %arg6[%swap3A_314], %swap3A_317 {add = true, strides = array<i32>} : memref<16384xf32, #tpu.memory_space<vmem>>, vector<16xf32>,
      %mul3A_318 = arith.constant 8 : i32
      %mul3A_319 = arith.muli %scan3A_254, %mul3A_318 : i32
      %add3A_320 = arith.constant 5 : i32
      %add3A_321 = arith.addi %mul3A_319, %add3A_320 : i32
      %mul3A_322 = arith.constant 16 : i32
      %mul3A_323 = arith.muli %add3A_321, %mul3A_322 : i32
      %get3A_324 = arith.index_cast %mul3A_323 : i32 to index
      %get3A_325 = tpu.vector_load %arg5[%get3A_324] {strides = array<i32>} : memref<16384xf32, #tpu.memory_space<vmem>>, vector<16xf32>,
      %get3A_326 = vector.shape_cast %get3A_325 : vector<16xf32> to vector<16xf32>
      %swap3A_327 = arith.index_cast %mul3A_323 : i32 to index
      %swap3A_328 = tpu.vector_load %arg6[%swap3A_327] {strides = array<i32>} : memref<16384xf32, #tpu.memory_space<vmem>>, vector<16xf32>,
      %swap3A_329 = vector.shape_cast %swap3A_328 : vector<16xf32> to vector<16xf32>
      %swap3A_330 = vector.shape_cast %get3A_326 : vector<16xf32> to vector<16xf32>
      tpu.vector_store %arg6[%swap3A_327], %swap3A_330 {add = true, strides = array<i32>} : memref<16384xf32, #tpu.memory_space<vmem>>, vector<16xf32>,
      %mul3A_331 = arith.constant 8 : i32
      %mul3A_332 = arith.muli %scan3A_254, %mul3A_331 : i32
      %add3A_333 = arith.constant 6 : i32
      %add3A_334 = arith.addi %mul3A_332, %add3A_333 : i32
      %mul3A_335 = arith.constant 16 : i32
      %mul3A_336 = arith.muli %add3A_334, %mul3A_335 : i32
      %get3A_337 = arith.index_cast %mul3A_336 : i32 to index
      %get3A_338 = tpu.vector_load %arg5[%get3A_337] {strides = array<i32>} : memref<16384xf32, #tpu.memory_space<vmem>>, vector<16xf32>,
      %get3A_339 = vector.shape_cast %get3A_338 : vector<16xf32> to vector<16xf32>
      %swap3A_340 = arith.index_cast %mul3A_336 : i32 to index
      %swap3A_341 = tpu.vector_load %arg6[%swap3A_340] {strides = array<i32>} : memref<16384xf32, #tpu.memory_space<vmem>>, vector<16xf32>,
      %swap3A_342 = vector.shape_cast %swap3A_341 : vector<16xf32> to vector<16xf32>
      %swap3A_343 = vector.shape_cast %get3A_339 : vector<16xf32> to vector<16xf32>
      tpu.vector_store %arg6[%swap3A_340], %swap3A_343 {add = true, strides = array<i32>} : memref<16384xf32, #tpu.memory_space<vmem>>, vector<16xf32>,
      %mul3A_344 = arith.constant 8 : i32
      %mul3A_345 = arith.muli %scan3A_254, %mul3A_344 : i32
      %add3A_346 = arith.constant 7 : i32
      %add3A_347 = arith.addi %mul3A_345, %add3A_346 : i32
      %mul3A_348 = arith.constant 16 : i32
      %mul3A_349 = arith.muli %add3A_347, %mul3A_348 : i32
      %get3A_350 = arith.index_cast %mul3A_349 : i32 to index
      %get3A_351 = tpu.vector_load %arg5[%get3A_350] {strides = array<i32>} : memref<16384xf32, #tpu.memory_space<vmem>>, vector<16xf32>,
      %get3A_352 = vector.shape_cast %get3A_351 : vector<16xf32> to vector<16xf32>
      %swap3A_353 = arith.index_cast %mul3A_349 : i32 to index
      %swap3A_354 = tpu.vector_load %arg6[%swap3A_353] {strides = array<i32>} : memref<16384xf32, #tpu.memory_space<vmem>>, vector<16xf32>,
      %swap3A_355 = vector.shape_cast %swap3A_354 : vector<16xf32> to vector<16xf32>
      %swap3A_356 = vector.shape_cast %get3A_352 : vector<16xf32> to vector<16xf32>
      tpu.vector_store %arg6[%swap3A_353], %swap3A_356 {add = true, strides = array<i32>} : memref<16384xf32, #tpu.memory_space<vmem>>, vector<16xf32>,
    }
    %scan3A_163 = arith.constant 128 : i32
    %add3A_164 = arith.constant 240 : i32
    %add3A_165 = arith.addi %mul3A_2, %add3A_164 : i32
    %mul3A_166 = arith.constant 1024 : i32
    %mul3A_167 = arith.muli %add3A_165, %mul3A_166 : i32
    %add3A_168 = arith.constant 0 : i32
    %add3A_169 = arith.addi %add3A_168, %mul3A_167 : i32
    %dma_start3A_170 = tpu.memref_slice %arg4[%add3A_169] : memref<33554432xf32, #tpu.memory_space<hbm>> -> memref<16384xf32, #tpu.memory_space<hbm>>
    %dma_start3A_171 = tpu.memref_slice %arg4[%add3A_169] : memref<33554432xf32, #tpu.memory_space<hbm>> -> memref<16384xf32, #tpu.memory_space<hbm>>
    tpu.enqueue_dma source(%arg6 : memref<16384xf32, #tpu.memory_space<vmem>>) target(%dma_start3A_171 : memref<16384xf32, #tpu.memory_space<hbm>>) target_semaphore(%arg14 : memref<!tpu.dma_semaphore, #tpu.memory_space<semaphore_mem>>)
    %dma_wait3A_172 = arith.constant 0 : i32
    %dma_wait3A_173 = tpu.memref_slice %arg2[%dma_wait3A_172] : memref<33554432xf32, #tpu.memory_space<hbm>> -> memref<16384xf32, #tpu.memory_space<hbm>>
    %dma_wait3A_174 = arith.constant 0 : i32
    %dma_wait3A_175 = tpu.memref_slice %arg2[%dma_wait3A_174] : memref<33554432xf32, #tpu.memory_space<hbm>> -> memref<16384xf32, #tpu.memory_space<hbm>>
    tpu.wait_dma2 semaphore(%arg11 : memref<!tpu.dma_semaphore, #tpu.memory_space<semaphore_mem>>) src(%dma_wait3A_175 : memref<16384xf32, #tpu.memory_space<hbm>>) dst(%arg7 : memref<16384xf32, #tpu.memory_space<vmem>>)
    %dma_wait3A_176 = arith.constant 0 : i32
    %dma_wait3A_177 = tpu.memref_slice %arg4[%dma_wait3A_176] : memref<33554432xf32, #tpu.memory_space<hbm>> -> memref<16384xf32, #tpu.memory_space<hbm>>
    %dma_wait3A_178 = arith.constant 0 : i32
    %dma_wait3A_179 = tpu.memref_slice %arg4[%dma_wait3A_178] : memref<33554432xf32, #tpu.memory_space<hbm>> -> memref<16384xf32, #tpu.memory_space<hbm>>
    tpu.wait_dma2 semaphore(%arg17 : memref<!tpu.dma_semaphore, #tpu.memory_space<semaphore_mem>>) src(%arg9 : memref<16384xf32, #tpu.memory_space<vmem>>) dst(%dma_wait3A_179 : memref<16384xf32, #tpu.memory_space<hbm>>)
    %add3A_180 = arith.constant 240 : i32
    %add3A_181 = arith.addi %mul3A_2, %add3A_180 : i32
    %mul3A_182 = arith.constant 1024 : i32
    %mul3A_183 = arith.muli %add3A_181, %mul3A_182 : i32
    %add3A_184 = arith.constant 25165824 : i32
    %add3A_185 = arith.addi %add3A_184, %mul3A_183 : i32
    %dma_start3A_186 = tpu.memref_slice %arg2[%add3A_185] : memref<33554432xf32, #tpu.memory_space<hbm>> -> memref<16384xf32, #tpu.memory_space<hbm>>
    %dma_start3A_187 = tpu.memref_slice %arg2[%add3A_185] : memref<33554432xf32, #tpu.memory_space<hbm>> -> memref<16384xf32, #tpu.memory_space<hbm>>
    tpu.enqueue_dma source(%dma_start3A_187 : memref<16384xf32, #tpu.memory_space<hbm>>) target(%arg9 : memref<16384xf32, #tpu.memory_space<vmem>>) target_semaphore(%arg13 : memref<!tpu.dma_semaphore, #tpu.memory_space<semaphore_mem>>)
    %scan3A_188 = arith.constant 0 : i32
    %scan3A_189 = arith.constant 0 : i32
    %scan3A_190 = arith.constant 128 : i32
    %scan3A_191 = arith.addi %scan3A_189, %scan3A_190 : i32
    %scan3A_192 = arith.constant 1 : i32
    scf.for %scan3A_254 = %scan3A_189 to %scan3A_191 step %scan3A_192  : i32 {
      %mul3A_255 = arith.constant 8 : i32
      %mul3A_256 = arith.muli %scan3A_254, %mul3A_255 : i32
      %add3A_257 = arith.constant 0 : i32
      %add3A_258 = arith.addi %mul3A_256, %add3A_257 : i32
      %mul3A_259 = arith.constant 16 : i32
      %mul3A_260 = arith.muli %add3A_258, %mul3A_259 : i32
      %get3A = arith.index_cast %mul3A_260 : i32 to index
      %get3A_261 = tpu.vector_load %arg5[%get3A] {strides = array<i32>} : memref<16384xf32, #tpu.memory_space<vmem>>, vector<16xf32>,
      %get3A_262 = vector.shape_cast %get3A_261 : vector<16xf32> to vector<16xf32>
      %swap3A = arith.index_cast %mul3A_260 : i32 to index
      %swap3A_263 = tpu.vector_load %arg7[%swap3A] {strides = array<i32>} : memref<16384xf32, #tpu.memory_space<vmem>>, vector<16xf32>,
      %swap3A_264 = vector.shape_cast %swap3A_263 : vector<16xf32> to vector<16xf32>
      %swap3A_265 = vector.shape_cast %get3A_262 : vector<16xf32> to vector<16xf32>
      tpu.vector_store %arg7[%swap3A], %swap3A_265 {add = true, strides = array<i32>} : memref<16384xf32, #tpu.memory_space<vmem>>, vector<16xf32>,
      %mul3A_266 = arith.constant 8 : i32
      %mul3A_267 = arith.muli %scan3A_254, %mul3A_266 : i32
      %add3A_268 = arith.constant 1 : i32
      %add3A_269 = arith.addi %mul3A_267, %add3A_268 : i32
      %mul3A_270 = arith.constant 16 : i32
      %mul3A_271 = arith.muli %add3A_269, %mul3A_270 : i32
      %get3A_272 = arith.index_cast %mul3A_271 : i32 to index
      %get3A_273 = tpu.vector_load %arg5[%get3A_272] {strides = array<i32>} : memref<16384xf32, #tpu.memory_space<vmem>>, vector<16xf32>,
      %get3A_274 = vector.shape_cast %get3A_273 : vector<16xf32> to vector<16xf32>
      %swap3A_275 = arith.index_cast %mul3A_271 : i32 to index
      %swap3A_276 = tpu.vector_load %arg7[%swap3A_275] {strides = array<i32>} : memref<16384xf32, #tpu.memory_space<vmem>>, vector<16xf32>,
      %swap3A_277 = vector.shape_cast %swap3A_276 : vector<16xf32> to vector<16xf32>
      %swap3A_278 = vector.shape_cast %get3A_274 : vector<16xf32> to vector<16xf32>
      tpu.vector_store %arg7[%swap3A_275], %swap3A_278 {add = true, strides = array<i32>} : memref<16384xf32, #tpu.memory_space<vmem>>, vector<16xf32>,
      %mul3A_279 = arith.constant 8 : i32
      %mul3A_280 = arith.muli %scan3A_254, %mul3A_279 : i32
      %add3A_281 = arith.constant 2 : i32
      %add3A_282 = arith.addi %mul3A_280, %add3A_281 : i32
      %mul3A_283 = arith.constant 16 : i32
      %mul3A_284 = arith.muli %add3A_282, %mul3A_283 : i32
      %get3A_285 = arith.index_cast %mul3A_284 : i32 to index
      %get3A_286 = tpu.vector_load %arg5[%get3A_285] {strides = array<i32>} : memref<16384xf32, #tpu.memory_space<vmem>>, vector<16xf32>,
      %get3A_287 = vector.shape_cast %get3A_286 : vector<16xf32> to vector<16xf32>
      %swap3A_288 = arith.index_cast %mul3A_284 : i32 to index
      %swap3A_289 = tpu.vector_load %arg7[%swap3A_288] {strides = array<i32>} : memref<16384xf32, #tpu.memory_space<vmem>>, vector<16xf32>,
      %swap3A_290 = vector.shape_cast %swap3A_289 : vector<16xf32> to vector<16xf32>
      %swap3A_291 = vector.shape_cast %get3A_287 : vector<16xf32> to vector<16xf32>
      tpu.vector_store %arg7[%swap3A_288], %swap3A_291 {add = true, strides = array<i32>} : memref<16384xf32, #tpu.memory_space<vmem>>, vector<16xf32>,
      %mul3A_292 = arith.constant 8 : i32
      %mul3A_293 = arith.muli %scan3A_254, %mul3A_292 : i32
      %add3A_294 = arith.constant 3 : i32
      %add3A_295 = arith.addi %mul3A_293, %add3A_294 : i32
      %mul3A_296 = arith.constant 16 : i32
      %mul3A_297 = arith.muli %add3A_295, %mul3A_296 : i32
      %get3A_298 = arith.index_cast %mul3A_297 : i32 to index
      %get3A_299 = tpu.vector_load %arg5[%get3A_298] {strides = array<i32>} : memref<16384xf32, #tpu.memory_space<vmem>>, vector<16xf32>,
      %get3A_300 = vector.shape_cast %get3A_299 : vector<16xf32> to vector<16xf32>
      %swap3A_301 = arith.index_cast %mul3A_297 : i32 to index
      %swap3A_302 = tpu.vector_load %arg7[%swap3A_301] {strides = array<i32>} : memref<16384xf32, #tpu.memory_space<vmem>>, vector<16xf32>,
      %swap3A_303 = vector.shape_cast %swap3A_302 : vector<16xf32> to vector<16xf32>
      %swap3A_304 = vector.shape_cast %get3A_300 : vector<16xf32> to vector<16xf32>
      tpu.vector_store %arg7[%swap3A_301], %swap3A_304 {add = true, strides = array<i32>} : memref<16384xf32, #tpu.memory_space<vmem>>, vector<16xf32>,
      %mul3A_305 = arith.constant 8 : i32
      %mul3A_306 = arith.muli %scan3A_254, %mul3A_305 : i32
      %add3A_307 = arith.constant 4 : i32
      %add3A_308 = arith.addi %mul3A_306, %add3A_307 : i32
      %mul3A_309 = arith.constant 16 : i32
      %mul3A_310 = arith.muli %add3A_308, %mul3A_309 : i32
      %get3A_311 = arith.index_cast %mul3A_310 : i32 to index
      %get3A_312 = tpu.vector_load %arg5[%get3A_311] {strides = array<i32>} : memref<16384xf32, #tpu.memory_space<vmem>>, vector<16xf32>,
      %get3A_313 = vector.shape_cast %get3A_312 : vector<16xf32> to vector<16xf32>
      %swap3A_314 = arith.index_cast %mul3A_310 : i32 to index
      %swap3A_315 = tpu.vector_load %arg7[%swap3A_314] {strides = array<i32>} : memref<16384xf32, #tpu.memory_space<vmem>>, vector<16xf32>,
      %swap3A_316 = vector.shape_cast %swap3A_315 : vector<16xf32> to vector<16xf32>
      %swap3A_317 = vector.shape_cast %get3A_313 : vector<16xf32> to vector<16xf32>
      tpu.vector_store %arg7[%swap3A_314], %swap3A_317 {add = true, strides = array<i32>} : memref<16384xf32, #tpu.memory_space<vmem>>, vector<16xf32>,
      %mul3A_318 = arith.constant 8 : i32
      %mul3A_319 = arith.muli %scan3A_254, %mul3A_318 : i32
      %add3A_320 = arith.constant 5 : i32
      %add3A_321 = arith.addi %mul3A_319, %add3A_320 : i32
      %mul3A_322 = arith.constant 16 : i32
      %mul3A_323 = arith.muli %add3A_321, %mul3A_322 : i32
      %get3A_324 = arith.index_cast %mul3A_323 : i32 to index
      %get3A_325 = tpu.vector_load %arg5[%get3A_324] {strides = array<i32>} : memref<16384xf32, #tpu.memory_space<vmem>>, vector<16xf32>,
      %get3A_326 = vector.shape_cast %get3A_325 : vector<16xf32> to vector<16xf32>
      %swap3A_327 = arith.index_cast %mul3A_323 : i32 to index
      %swap3A_328 = tpu.vector_load %arg7[%swap3A_327] {strides = array<i32>} : memref<16384xf32, #tpu.memory_space<vmem>>, vector<16xf32>,
      %swap3A_329 = vector.shape_cast %swap3A_328 : vector<16xf32> to vector<16xf32>
      %swap3A_330 = vector.shape_cast %get3A_326 : vector<16xf32> to vector<16xf32>
      tpu.vector_store %arg7[%swap3A_327], %swap3A_330 {add = true, strides = array<i32>} : memref<16384xf32, #tpu.memory_space<vmem>>, vector<16xf32>,
      %mul3A_331 = arith.constant 8 : i32
      %mul3A_332 = arith.muli %scan3A_254, %mul3A_331 : i32
      %add3A_333 = arith.constant 6 : i32
      %add3A_334 = arith.addi %mul3A_332, %add3A_333 : i32
      %mul3A_335 = arith.constant 16 : i32
      %mul3A_336 = arith.muli %add3A_334, %mul3A_335 : i32
      %get3A_337 = arith.index_cast %mul3A_336 : i32 to index
      %get3A_338 = tpu.vector_load %arg5[%get3A_337] {strides = array<i32>} : memref<16384xf32, #tpu.memory_space<vmem>>, vector<16xf32>,
      %get3A_339 = vector.shape_cast %get3A_338 : vector<16xf32> to vector<16xf32>
      %swap3A_340 = arith.index_cast %mul3A_336 : i32 to index
      %swap3A_341 = tpu.vector_load %arg7[%swap3A_340] {strides = array<i32>} : memref<16384xf32, #tpu.memory_space<vmem>>, vector<16xf32>,
      %swap3A_342 = vector.shape_cast %swap3A_341 : vector<16xf32> to vector<16xf32>
      %swap3A_343 = vector.shape_cast %get3A_339 : vector<16xf32> to vector<16xf32>
      tpu.vector_store %arg7[%swap3A_340], %swap3A_343 {add = true, strides = array<i32>} : memref<16384xf32, #tpu.memory_space<vmem>>, vector<16xf32>,
      %mul3A_344 = arith.constant 8 : i32
      %mul3A_345 = arith.muli %scan3A_254, %mul3A_344 : i32
      %add3A_346 = arith.constant 7 : i32
      %add3A_347 = arith.addi %mul3A_345, %add3A_346 : i32
      %mul3A_348 = arith.constant 16 : i32
      %mul3A_349 = arith.muli %add3A_347, %mul3A_348 : i32
      %get3A_350 = arith.index_cast %mul3A_349 : i32 to index
      %get3A_351 = tpu.vector_load %arg5[%get3A_350] {strides = array<i32>} : memref<16384xf32, #tpu.memory_space<vmem>>, vector<16xf32>,
      %get3A_352 = vector.shape_cast %get3A_351 : vector<16xf32> to vector<16xf32>
      %swap3A_353 = arith.index_cast %mul3A_349 : i32 to index
      %swap3A_354 = tpu.vector_load %arg7[%swap3A_353] {strides = array<i32>} : memref<16384xf32, #tpu.memory_space<vmem>>, vector<16xf32>,
      %swap3A_355 = vector.shape_cast %swap3A_354 : vector<16xf32> to vector<16xf32>
      %swap3A_356 = vector.shape_cast %get3A_352 : vector<16xf32> to vector<16xf32>
      tpu.vector_store %arg7[%swap3A_353], %swap3A_356 {add = true, strides = array<i32>} : memref<16384xf32, #tpu.memory_space<vmem>>, vector<16xf32>,
    }
    %scan3A_193 = arith.constant 128 : i32
    %add3A_194 = arith.constant 240 : i32
    %add3A_195 = arith.addi %mul3A_2, %add3A_194 : i32
    %mul3A_196 = arith.constant 1024 : i32
    %mul3A_197 = arith.muli %add3A_195, %mul3A_196 : i32
    %add3A_198 = arith.constant 8388608 : i32
    %add3A_199 = arith.addi %add3A_198, %mul3A_197 : i32
    %dma_start3A_200 = tpu.memref_slice %arg4[%add3A_199] : memref<33554432xf32, #tpu.memory_space<hbm>> -> memref<16384xf32, #tpu.memory_space<hbm>>
    %dma_start3A_201 = tpu.memref_slice %arg4[%add3A_199] : memref<33554432xf32, #tpu.memory_space<hbm>> -> memref<16384xf32, #tpu.memory_space<hbm>>
    tpu.enqueue_dma source(%arg7 : memref<16384xf32, #tpu.memory_space<vmem>>) target(%dma_start3A_201 : memref<16384xf32, #tpu.memory_space<hbm>>) target_semaphore(%arg15 : memref<!tpu.dma_semaphore, #tpu.memory_space<semaphore_mem>>)
    %dma_wait3A_202 = arith.constant 0 : i32
    %dma_wait3A_203 = tpu.memref_slice %arg2[%dma_wait3A_202] : memref<33554432xf32, #tpu.memory_space<hbm>> -> memref<16384xf32, #tpu.memory_space<hbm>>
    %dma_wait3A_204 = arith.constant 0 : i32
    %dma_wait3A_205 = tpu.memref_slice %arg2[%dma_wait3A_204] : memref<33554432xf32, #tpu.memory_space<hbm>> -> memref<16384xf32, #tpu.memory_space<hbm>>
    tpu.wait_dma2 semaphore(%arg12 : memref<!tpu.dma_semaphore, #tpu.memory_space<semaphore_mem>>) src(%dma_wait3A_205 : memref<16384xf32, #tpu.memory_space<hbm>>) dst(%arg8 : memref<16384xf32, #tpu.memory_space<vmem>>)
    %dma_wait3A_206 = arith.constant 0 : i32
    %dma_wait3A_207 = tpu.memref_slice %arg4[%dma_wait3A_206] : memref<33554432xf32, #tpu.memory_space<hbm>> -> memref<16384xf32, #tpu.memory_space<hbm>>
    %dma_wait3A_208 = arith.constant 0 : i32
    %dma_wait3A_209 = tpu.memref_slice %arg4[%dma_wait3A_208] : memref<33554432xf32, #tpu.memory_space<hbm>> -> memref<16384xf32, #tpu.memory_space<hbm>>
    tpu.wait_dma2 semaphore(%arg14 : memref<!tpu.dma_semaphore, #tpu.memory_space<semaphore_mem>>) src(%arg6 : memref<16384xf32, #tpu.memory_space<vmem>>) dst(%dma_wait3A_209 : memref<16384xf32, #tpu.memory_space<hbm>>)
    %scan3A_210 = arith.constant 0 : i32
    %scan3A_211 = arith.constant 0 : i32
    %scan3A_212 = arith.constant 128 : i32
    %scan3A_213 = arith.addi %scan3A_211, %scan3A_212 : i32
    %scan3A_214 = arith.constant 1 : i32
    scf.for %scan3A_254 = %scan3A_211 to %scan3A_213 step %scan3A_214  : i32 {
      %mul3A_255 = arith.constant 8 : i32
      %mul3A_256 = arith.muli %scan3A_254, %mul3A_255 : i32
      %add3A_257 = arith.constant 0 : i32
      %add3A_258 = arith.addi %mul3A_256, %add3A_257 : i32
      %mul3A_259 = arith.constant 16 : i32
      %mul3A_260 = arith.muli %add3A_258, %mul3A_259 : i32
      %get3A = arith.index_cast %mul3A_260 : i32 to index
      %get3A_261 = tpu.vector_load %arg5[%get3A] {strides = array<i32>} : memref<16384xf32, #tpu.memory_space<vmem>>, vector<16xf32>,
      %get3A_262 = vector.shape_cast %get3A_261 : vector<16xf32> to vector<16xf32>
      %swap3A = arith.index_cast %mul3A_260 : i32 to index
      %swap3A_263 = tpu.vector_load %arg8[%swap3A] {strides = array<i32>} : memref<16384xf32, #tpu.memory_space<vmem>>, vector<16xf32>,
      %swap3A_264 = vector.shape_cast %swap3A_263 : vector<16xf32> to vector<16xf32>
      %swap3A_265 = vector.shape_cast %get3A_262 : vector<16xf32> to vector<16xf32>
      tpu.vector_store %arg8[%swap3A], %swap3A_265 {add = true, strides = array<i32>} : memref<16384xf32, #tpu.memory_space<vmem>>, vector<16xf32>,
      %mul3A_266 = arith.constant 8 : i32
      %mul3A_267 = arith.muli %scan3A_254, %mul3A_266 : i32
      %add3A_268 = arith.constant 1 : i32
      %add3A_269 = arith.addi %mul3A_267, %add3A_268 : i32
      %mul3A_270 = arith.constant 16 : i32
      %mul3A_271 = arith.muli %add3A_269, %mul3A_270 : i32
      %get3A_272 = arith.index_cast %mul3A_271 : i32 to index
      %get3A_273 = tpu.vector_load %arg5[%get3A_272] {strides = array<i32>} : memref<16384xf32, #tpu.memory_space<vmem>>, vector<16xf32>,
      %get3A_274 = vector.shape_cast %get3A_273 : vector<16xf32> to vector<16xf32>
      %swap3A_275 = arith.index_cast %mul3A_271 : i32 to index
      %swap3A_276 = tpu.vector_load %arg8[%swap3A_275] {strides = array<i32>} : memref<16384xf32, #tpu.memory_space<vmem>>, vector<16xf32>,
      %swap3A_277 = vector.shape_cast %swap3A_276 : vector<16xf32> to vector<16xf32>
      %swap3A_278 = vector.shape_cast %get3A_274 : vector<16xf32> to vector<16xf32>
      tpu.vector_store %arg8[%swap3A_275], %swap3A_278 {add = true, strides = array<i32>} : memref<16384xf32, #tpu.memory_space<vmem>>, vector<16xf32>,
      %mul3A_279 = arith.constant 8 : i32
      %mul3A_280 = arith.muli %scan3A_254, %mul3A_279 : i32
      %add3A_281 = arith.constant 2 : i32
      %add3A_282 = arith.addi %mul3A_280, %add3A_281 : i32
      %mul3A_283 = arith.constant 16 : i32
      %mul3A_284 = arith.muli %add3A_282, %mul3A_283 : i32
      %get3A_285 = arith.index_cast %mul3A_284 : i32 to index
      %get3A_286 = tpu.vector_load %arg5[%get3A_285] {strides = array<i32>} : memref<16384xf32, #tpu.memory_space<vmem>>, vector<16xf32>,
      %get3A_287 = vector.shape_cast %get3A_286 : vector<16xf32> to vector<16xf32>
      %swap3A_288 = arith.index_cast %mul3A_284 : i32 to index
      %swap3A_289 = tpu.vector_load %arg8[%swap3A_288] {strides = array<i32>} : memref<16384xf32, #tpu.memory_space<vmem>>, vector<16xf32>,
      %swap3A_290 = vector.shape_cast %swap3A_289 : vector<16xf32> to vector<16xf32>
      %swap3A_291 = vector.shape_cast %get3A_287 : vector<16xf32> to vector<16xf32>
      tpu.vector_store %arg8[%swap3A_288], %swap3A_291 {add = true, strides = array<i32>} : memref<16384xf32, #tpu.memory_space<vmem>>, vector<16xf32>,
      %mul3A_292 = arith.constant 8 : i32
      %mul3A_293 = arith.muli %scan3A_254, %mul3A_292 : i32
      %add3A_294 = arith.constant 3 : i32
      %add3A_295 = arith.addi %mul3A_293, %add3A_294 : i32
      %mul3A_296 = arith.constant 16 : i32
      %mul3A_297 = arith.muli %add3A_295, %mul3A_296 : i32
      %get3A_298 = arith.index_cast %mul3A_297 : i32 to index
      %get3A_299 = tpu.vector_load %arg5[%get3A_298] {strides = array<i32>} : memref<16384xf32, #tpu.memory_space<vmem>>, vector<16xf32>,
      %get3A_300 = vector.shape_cast %get3A_299 : vector<16xf32> to vector<16xf32>
      %swap3A_301 = arith.index_cast %mul3A_297 : i32 to index
      %swap3A_302 = tpu.vector_load %arg8[%swap3A_301] {strides = array<i32>} : memref<16384xf32, #tpu.memory_space<vmem>>, vector<16xf32>,
      %swap3A_303 = vector.shape_cast %swap3A_302 : vector<16xf32> to vector<16xf32>
      %swap3A_304 = vector.shape_cast %get3A_300 : vector<16xf32> to vector<16xf32>
      tpu.vector_store %arg8[%swap3A_301], %swap3A_304 {add = true, strides = array<i32>} : memref<16384xf32, #tpu.memory_space<vmem>>, vector<16xf32>,
      %mul3A_305 = arith.constant 8 : i32
      %mul3A_306 = arith.muli %scan3A_254, %mul3A_305 : i32
      %add3A_307 = arith.constant 4 : i32
      %add3A_308 = arith.addi %mul3A_306, %add3A_307 : i32
      %mul3A_309 = arith.constant 16 : i32
      %mul3A_310 = arith.muli %add3A_308, %mul3A_309 : i32
      %get3A_311 = arith.index_cast %mul3A_310 : i32 to index
      %get3A_312 = tpu.vector_load %arg5[%get3A_311] {strides = array<i32>} : memref<16384xf32, #tpu.memory_space<vmem>>, vector<16xf32>,
      %get3A_313 = vector.shape_cast %get3A_312 : vector<16xf32> to vector<16xf32>
      %swap3A_314 = arith.index_cast %mul3A_310 : i32 to index
      %swap3A_315 = tpu.vector_load %arg8[%swap3A_314] {strides = array<i32>} : memref<16384xf32, #tpu.memory_space<vmem>>, vector<16xf32>,
      %swap3A_316 = vector.shape_cast %swap3A_315 : vector<16xf32> to vector<16xf32>
      %swap3A_317 = vector.shape_cast %get3A_313 : vector<16xf32> to vector<16xf32>
      tpu.vector_store %arg8[%swap3A_314], %swap3A_317 {add = true, strides = array<i32>} : memref<16384xf32, #tpu.memory_space<vmem>>, vector<16xf32>,
      %mul3A_318 = arith.constant 8 : i32
      %mul3A_319 = arith.muli %scan3A_254, %mul3A_318 : i32
      %add3A_320 = arith.constant 5 : i32
      %add3A_321 = arith.addi %mul3A_319, %add3A_320 : i32
      %mul3A_322 = arith.constant 16 : i32
      %mul3A_323 = arith.muli %add3A_321, %mul3A_322 : i32
      %get3A_324 = arith.index_cast %mul3A_323 : i32 to index
      %get3A_325 = tpu.vector_load %arg5[%get3A_324] {strides = array<i32>} : memref<16384xf32, #tpu.memory_space<vmem>>, vector<16xf32>,
      %get3A_326 = vector.shape_cast %get3A_325 : vector<16xf32> to vector<16xf32>
      %swap3A_327 = arith.index_cast %mul3A_323 : i32 to index
      %swap3A_328 = tpu.vector_load %arg8[%swap3A_327] {strides = array<i32>} : memref<16384xf32, #tpu.memory_space<vmem>>, vector<16xf32>,
      %swap3A_329 = vector.shape_cast %swap3A_328 : vector<16xf32> to vector<16xf32>
      %swap3A_330 = vector.shape_cast %get3A_326 : vector<16xf32> to vector<16xf32>
      tpu.vector_store %arg8[%swap3A_327], %swap3A_330 {add = true, strides = array<i32>} : memref<16384xf32, #tpu.memory_space<vmem>>, vector<16xf32>,
      %mul3A_331 = arith.constant 8 : i32
      %mul3A_332 = arith.muli %scan3A_254, %mul3A_331 : i32
      %add3A_333 = arith.constant 6 : i32
      %add3A_334 = arith.addi %mul3A_332, %add3A_333 : i32
      %mul3A_335 = arith.constant 16 : i32
      %mul3A_336 = arith.muli %add3A_334, %mul3A_335 : i32
      %get3A_337 = arith.index_cast %mul3A_336 : i32 to index
      %get3A_338 = tpu.vector_load %arg5[%get3A_337] {strides = array<i32>} : memref<16384xf32, #tpu.memory_space<vmem>>, vector<16xf32>,
      %get3A_339 = vector.shape_cast %get3A_338 : vector<16xf32> to vector<16xf32>
      %swap3A_340 = arith.index_cast %mul3A_336 : i32 to index
      %swap3A_341 = tpu.vector_load %arg8[%swap3A_340] {strides = array<i32>} : memref<16384xf32, #tpu.memory_space<vmem>>, vector<16xf32>,
      %swap3A_342 = vector.shape_cast %swap3A_341 : vector<16xf32> to vector<16xf32>
      %swap3A_343 = vector.shape_cast %get3A_339 : vector<16xf32> to vector<16xf32>
      tpu.vector_store %arg8[%swap3A_340], %swap3A_343 {add = true, strides = array<i32>} : memref<16384xf32, #tpu.memory_space<vmem>>, vector<16xf32>,
      %mul3A_344 = arith.constant 8 : i32
      %mul3A_345 = arith.muli %scan3A_254, %mul3A_344 : i32
      %add3A_346 = arith.constant 7 : i32
      %add3A_347 = arith.addi %mul3A_345, %add3A_346 : i32
      %mul3A_348 = arith.constant 16 : i32
      %mul3A_349 = arith.muli %add3A_347, %mul3A_348 : i32
      %get3A_350 = arith.index_cast %mul3A_349 : i32 to index
      %get3A_351 = tpu.vector_load %arg5[%get3A_350] {strides = array<i32>} : memref<16384xf32, #tpu.memory_space<vmem>>, vector<16xf32>,
      %get3A_352 = vector.shape_cast %get3A_351 : vector<16xf32> to vector<16xf32>
      %swap3A_353 = arith.index_cast %mul3A_349 : i32 to index
      %swap3A_354 = tpu.vector_load %arg8[%swap3A_353] {strides = array<i32>} : memref<16384xf32, #tpu.memory_space<vmem>>, vector<16xf32>,
      %swap3A_355 = vector.shape_cast %swap3A_354 : vector<16xf32> to vector<16xf32>
      %swap3A_356 = vector.shape_cast %get3A_352 : vector<16xf32> to vector<16xf32>
      tpu.vector_store %arg8[%swap3A_353], %swap3A_356 {add = true, strides = array<i32>} : memref<16384xf32, #tpu.memory_space<vmem>>, vector<16xf32>,
    }
    %scan3A_215 = arith.constant 128 : i32
    %add3A_216 = arith.constant 240 : i32
    %add3A_217 = arith.addi %mul3A_2, %add3A_216 : i32
    %mul3A_218 = arith.constant 1024 : i32
    %mul3A_219 = arith.muli %add3A_217, %mul3A_218 : i32
    %add3A_220 = arith.constant 16777216 : i32
    %add3A_221 = arith.addi %add3A_220, %mul3A_219 : i32
    %dma_start3A_222 = tpu.memref_slice %arg4[%add3A_221] : memref<33554432xf32, #tpu.memory_space<hbm>> -> memref<16384xf32, #tpu.memory_space<hbm>>
    %dma_start3A_223 = tpu.memref_slice %arg4[%add3A_221] : memref<33554432xf32, #tpu.memory_space<hbm>> -> memref<16384xf32, #tpu.memory_space<hbm>>
    tpu.enqueue_dma source(%arg8 : memref<16384xf32, #tpu.memory_space<vmem>>) target(%dma_start3A_223 : memref<16384xf32, #tpu.memory_space<hbm>>) target_semaphore(%arg16 : memref<!tpu.dma_semaphore, #tpu.memory_space<semaphore_mem>>)
    %dma_wait3A_224 = arith.constant 0 : i32
    %dma_wait3A_225 = tpu.memref_slice %arg2[%dma_wait3A_224] : memref<33554432xf32, #tpu.memory_space<hbm>> -> memref<16384xf32, #tpu.memory_space<hbm>>
    %dma_wait3A_226 = arith.constant 0 : i32
    %dma_wait3A_227 = tpu.memref_slice %arg2[%dma_wait3A_226] : memref<33554432xf32, #tpu.memory_space<hbm>> -> memref<16384xf32, #tpu.memory_space<hbm>>
    tpu.wait_dma2 semaphore(%arg13 : memref<!tpu.dma_semaphore, #tpu.memory_space<semaphore_mem>>) src(%dma_wait3A_227 : memref<16384xf32, #tpu.memory_space<hbm>>) dst(%arg9 : memref<16384xf32, #tpu.memory_space<vmem>>)
    %dma_wait3A_228 = arith.constant 0 : i32
    %dma_wait3A_229 = tpu.memref_slice %arg4[%dma_wait3A_228] : memref<33554432xf32, #tpu.memory_space<hbm>> -> memref<16384xf32, #tpu.memory_space<hbm>>
    %dma_wait3A_230 = arith.constant 0 : i32
    %dma_wait3A_231 = tpu.memref_slice %arg4[%dma_wait3A_230] : memref<33554432xf32, #tpu.memory_space<hbm>> -> memref<16384xf32, #tpu.memory_space<hbm>>
    tpu.wait_dma2 semaphore(%arg15 : memref<!tpu.dma_semaphore, #tpu.memory_space<semaphore_mem>>) src(%arg7 : memref<16384xf32, #tpu.memory_space<vmem>>) dst(%dma_wait3A_231 : memref<16384xf32, #tpu.memory_space<hbm>>)
    %scan3A_232 = arith.constant 0 : i32
    %scan3A_233 = arith.constant 0 : i32
    %scan3A_234 = arith.constant 128 : i32
    %scan3A_235 = arith.addi %scan3A_233, %scan3A_234 : i32
    %scan3A_236 = arith.constant 1 : i32
    scf.for %scan3A_254 = %scan3A_233 to %scan3A_235 step %scan3A_236  : i32 {
      %mul3A_255 = arith.constant 8 : i32
      %mul3A_256 = arith.muli %scan3A_254, %mul3A_255 : i32
      %add3A_257 = arith.constant 0 : i32
      %add3A_258 = arith.addi %mul3A_256, %add3A_257 : i32
      %mul3A_259 = arith.constant 16 : i32
      %mul3A_260 = arith.muli %add3A_258, %mul3A_259 : i32
      %get3A = arith.index_cast %mul3A_260 : i32 to index
      %get3A_261 = tpu.vector_load %arg5[%get3A] {strides = array<i32>} : memref<16384xf32, #tpu.memory_space<vmem>>, vector<16xf32>,
      %get3A_262 = vector.shape_cast %get3A_261 : vector<16xf32> to vector<16xf32>
      %swap3A = arith.index_cast %mul3A_260 : i32 to index
      %swap3A_263 = tpu.vector_load %arg9[%swap3A] {strides = array<i32>} : memref<16384xf32, #tpu.memory_space<vmem>>, vector<16xf32>,
      %swap3A_264 = vector.shape_cast %swap3A_263 : vector<16xf32> to vector<16xf32>
      %swap3A_265 = vector.shape_cast %get3A_262 : vector<16xf32> to vector<16xf32>
      tpu.vector_store %arg9[%swap3A], %swap3A_265 {add = true, strides = array<i32>} : memref<16384xf32, #tpu.memory_space<vmem>>, vector<16xf32>,
      %mul3A_266 = arith.constant 8 : i32
      %mul3A_267 = arith.muli %scan3A_254, %mul3A_266 : i32
      %add3A_268 = arith.constant 1 : i32
      %add3A_269 = arith.addi %mul3A_267, %add3A_268 : i32
      %mul3A_270 = arith.constant 16 : i32
      %mul3A_271 = arith.muli %add3A_269, %mul3A_270 : i32
      %get3A_272 = arith.index_cast %mul3A_271 : i32 to index
      %get3A_273 = tpu.vector_load %arg5[%get3A_272] {strides = array<i32>} : memref<16384xf32, #tpu.memory_space<vmem>>, vector<16xf32>,
      %get3A_274 = vector.shape_cast %get3A_273 : vector<16xf32> to vector<16xf32>
      %swap3A_275 = arith.index_cast %mul3A_271 : i32 to index
      %swap3A_276 = tpu.vector_load %arg9[%swap3A_275] {strides = array<i32>} : memref<16384xf32, #tpu.memory_space<vmem>>, vector<16xf32>,
      %swap3A_277 = vector.shape_cast %swap3A_276 : vector<16xf32> to vector<16xf32>
      %swap3A_278 = vector.shape_cast %get3A_274 : vector<16xf32> to vector<16xf32>
      tpu.vector_store %arg9[%swap3A_275], %swap3A_278 {add = true, strides = array<i32>} : memref<16384xf32, #tpu.memory_space<vmem>>, vector<16xf32>,
      %mul3A_279 = arith.constant 8 : i32
      %mul3A_280 = arith.muli %scan3A_254, %mul3A_279 : i32
      %add3A_281 = arith.constant 2 : i32
      %add3A_282 = arith.addi %mul3A_280, %add3A_281 : i32
      %mul3A_283 = arith.constant 16 : i32
      %mul3A_284 = arith.muli %add3A_282, %mul3A_283 : i32
      %get3A_285 = arith.index_cast %mul3A_284 : i32 to index
      %get3A_286 = tpu.vector_load %arg5[%get3A_285] {strides = array<i32>} : memref<16384xf32, #tpu.memory_space<vmem>>, vector<16xf32>,
      %get3A_287 = vector.shape_cast %get3A_286 : vector<16xf32> to vector<16xf32>
      %swap3A_288 = arith.index_cast %mul3A_284 : i32 to index
      %swap3A_289 = tpu.vector_load %arg9[%swap3A_288] {strides = array<i32>} : memref<16384xf32, #tpu.memory_space<vmem>>, vector<16xf32>,
      %swap3A_290 = vector.shape_cast %swap3A_289 : vector<16xf32> to vector<16xf32>
      %swap3A_291 = vector.shape_cast %get3A_287 : vector<16xf32> to vector<16xf32>
      tpu.vector_store %arg9[%swap3A_288], %swap3A_291 {add = true, strides = array<i32>} : memref<16384xf32, #tpu.memory_space<vmem>>, vector<16xf32>,
      %mul3A_292 = arith.constant 8 : i32
      %mul3A_293 = arith.muli %scan3A_254, %mul3A_292 : i32
      %add3A_294 = arith.constant 3 : i32
      %add3A_295 = arith.addi %mul3A_293, %add3A_294 : i32
      %mul3A_296 = arith.constant 16 : i32
      %mul3A_297 = arith.muli %add3A_295, %mul3A_296 : i32
      %get3A_298 = arith.index_cast %mul3A_297 : i32 to index
      %get3A_299 = tpu.vector_load %arg5[%get3A_298] {strides = array<i32>} : memref<16384xf32, #tpu.memory_space<vmem>>, vector<16xf32>,
      %get3A_300 = vector.shape_cast %get3A_299 : vector<16xf32> to vector<16xf32>
      %swap3A_301 = arith.index_cast %mul3A_297 : i32 to index
      %swap3A_302 = tpu.vector_load %arg9[%swap3A_301] {strides = array<i32>} : memref<16384xf32, #tpu.memory_space<vmem>>, vector<16xf32>,
      %swap3A_303 = vector.shape_cast %swap3A_302 : vector<16xf32> to vector<16xf32>
      %swap3A_304 = vector.shape_cast %get3A_300 : vector<16xf32> to vector<16xf32>
      tpu.vector_store %arg9[%swap3A_301], %swap3A_304 {add = true, strides = array<i32>} : memref<16384xf32, #tpu.memory_space<vmem>>, vector<16xf32>,
      %mul3A_305 = arith.constant 8 : i32
      %mul3A_306 = arith.muli %scan3A_254, %mul3A_305 : i32
      %add3A_307 = arith.constant 4 : i32
      %add3A_308 = arith.addi %mul3A_306, %add3A_307 : i32
      %mul3A_309 = arith.constant 16 : i32
      %mul3A_310 = arith.muli %add3A_308, %mul3A_309 : i32
      %get3A_311 = arith.index_cast %mul3A_310 : i32 to index
      %get3A_312 = tpu.vector_load %arg5[%get3A_311] {strides = array<i32>} : memref<16384xf32, #tpu.memory_space<vmem>>, vector<16xf32>,
      %get3A_313 = vector.shape_cast %get3A_312 : vector<16xf32> to vector<16xf32>
      %swap3A_314 = arith.index_cast %mul3A_310 : i32 to index
      %swap3A_315 = tpu.vector_load %arg9[%swap3A_314] {strides = array<i32>} : memref<16384xf32, #tpu.memory_space<vmem>>, vector<16xf32>,
      %swap3A_316 = vector.shape_cast %swap3A_315 : vector<16xf32> to vector<16xf32>
      %swap3A_317 = vector.shape_cast %get3A_313 : vector<16xf32> to vector<16xf32>
      tpu.vector_store %arg9[%swap3A_314], %swap3A_317 {add = true, strides = array<i32>} : memref<16384xf32, #tpu.memory_space<vmem>>, vector<16xf32>,
      %mul3A_318 = arith.constant 8 : i32
      %mul3A_319 = arith.muli %scan3A_254, %mul3A_318 : i32
      %add3A_320 = arith.constant 5 : i32
      %add3A_321 = arith.addi %mul3A_319, %add3A_320 : i32
      %mul3A_322 = arith.constant 16 : i32
      %mul3A_323 = arith.muli %add3A_321, %mul3A_322 : i32
      %get3A_324 = arith.index_cast %mul3A_323 : i32 to index
      %get3A_325 = tpu.vector_load %arg5[%get3A_324] {strides = array<i32>} : memref<16384xf32, #tpu.memory_space<vmem>>, vector<16xf32>,
      %get3A_326 = vector.shape_cast %get3A_325 : vector<16xf32> to vector<16xf32>
      %swap3A_327 = arith.index_cast %mul3A_323 : i32 to index
      %swap3A_328 = tpu.vector_load %arg9[%swap3A_327] {strides = array<i32>} : memref<16384xf32, #tpu.memory_space<vmem>>, vector<16xf32>,
      %swap3A_329 = vector.shape_cast %swap3A_328 : vector<16xf32> to vector<16xf32>
      %swap3A_330 = vector.shape_cast %get3A_326 : vector<16xf32> to vector<16xf32>
      tpu.vector_store %arg9[%swap3A_327], %swap3A_330 {add = true, strides = array<i32>} : memref<16384xf32, #tpu.memory_space<vmem>>, vector<16xf32>,
      %mul3A_331 = arith.constant 8 : i32
      %mul3A_332 = arith.muli %scan3A_254, %mul3A_331 : i32
      %add3A_333 = arith.constant 6 : i32
      %add3A_334 = arith.addi %mul3A_332, %add3A_333 : i32
      %mul3A_335 = arith.constant 16 : i32
      %mul3A_336 = arith.muli %add3A_334, %mul3A_335 : i32
      %get3A_337 = arith.index_cast %mul3A_336 : i32 to index
      %get3A_338 = tpu.vector_load %arg5[%get3A_337] {strides = array<i32>} : memref<16384xf32, #tpu.memory_space<vmem>>, vector<16xf32>,
      %get3A_339 = vector.shape_cast %get3A_338 : vector<16xf32> to vector<16xf32>
      %swap3A_340 = arith.index_cast %mul3A_336 : i32 to index
      %swap3A_341 = tpu.vector_load %arg9[%swap3A_340] {strides = array<i32>} : memref<16384xf32, #tpu.memory_space<vmem>>, vector<16xf32>,
      %swap3A_342 = vector.shape_cast %swap3A_341 : vector<16xf32> to vector<16xf32>
      %swap3A_343 = vector.shape_cast %get3A_339 : vector<16xf32> to vector<16xf32>
      tpu.vector_store %arg9[%swap3A_340], %swap3A_343 {add = true, strides = array<i32>} : memref<16384xf32, #tpu.memory_space<vmem>>, vector<16xf32>,
      %mul3A_344 = arith.constant 8 : i32
      %mul3A_345 = arith.muli %scan3A_254, %mul3A_344 : i32
      %add3A_346 = arith.constant 7 : i32
      %add3A_347 = arith.addi %mul3A_345, %add3A_346 : i32
      %mul3A_348 = arith.constant 16 : i32
      %mul3A_349 = arith.muli %add3A_347, %mul3A_348 : i32
      %get3A_350 = arith.index_cast %mul3A_349 : i32 to index
      %get3A_351 = tpu.vector_load %arg5[%get3A_350] {strides = array<i32>} : memref<16384xf32, #tpu.memory_space<vmem>>, vector<16xf32>,
      %get3A_352 = vector.shape_cast %get3A_351 : vector<16xf32> to vector<16xf32>
      %swap3A_353 = arith.index_cast %mul3A_349 : i32 to index
      %swap3A_354 = tpu.vector_load %arg9[%swap3A_353] {strides = array<i32>} : memref<16384xf32, #tpu.memory_space<vmem>>, vector<16xf32>,
      %swap3A_355 = vector.shape_cast %swap3A_354 : vector<16xf32> to vector<16xf32>
      %swap3A_356 = vector.shape_cast %get3A_352 : vector<16xf32> to vector<16xf32>
      tpu.vector_store %arg9[%swap3A_353], %swap3A_356 {add = true, strides = array<i32>} : memref<16384xf32, #tpu.memory_space<vmem>>, vector<16xf32>,
    }
    %scan3A_237 = arith.constant 128 : i32
    %add3A_238 = arith.constant 240 : i32
    %add3A_239 = arith.addi %mul3A_2, %add3A_238 : i32
    %mul3A_240 = arith.constant 1024 : i32
    %mul3A_241 = arith.muli %add3A_239, %mul3A_240 : i32
    %add3A_242 = arith.constant 25165824 : i32
    %add3A_243 = arith.addi %add3A_242, %mul3A_241 : i32
    %dma_start3A_244 = tpu.memref_slice %arg4[%add3A_243] : memref<33554432xf32, #tpu.memory_space<hbm>> -> memref<16384xf32, #tpu.memory_space<hbm>>
    %dma_start3A_245 = tpu.memref_slice %arg4[%add3A_243] : memref<33554432xf32, #tpu.memory_space<hbm>> -> memref<16384xf32, #tpu.memory_space<hbm>>
    tpu.enqueue_dma source(%arg9 : memref<16384xf32, #tpu.memory_space<vmem>>) target(%dma_start3A_245 : memref<16384xf32, #tpu.memory_space<hbm>>) target_semaphore(%arg17 : memref<!tpu.dma_semaphore, #tpu.memory_space<semaphore_mem>>)
    %dma_wait3A_246 = arith.constant 0 : i32
    %dma_wait3A_247 = tpu.memref_slice %arg4[%dma_wait3A_246] : memref<33554432xf32, #tpu.memory_space<hbm>> -> memref<16384xf32, #tpu.memory_space<hbm>>
    %dma_wait3A_248 = arith.constant 0 : i32
    %dma_wait3A_249 = tpu.memref_slice %arg4[%dma_wait3A_248] : memref<33554432xf32, #tpu.memory_space<hbm>> -> memref<16384xf32, #tpu.memory_space<hbm>>
    tpu.wait_dma2 semaphore(%arg16 : memref<!tpu.dma_semaphore, #tpu.memory_space<semaphore_mem>>) src(%arg8 : memref<16384xf32, #tpu.memory_space<vmem>>) dst(%dma_wait3A_249 : memref<16384xf32, #tpu.memory_space<hbm>>)
    %dma_wait3A_250 = arith.constant 0 : i32
    %dma_wait3A_251 = tpu.memref_slice %arg4[%dma_wait3A_250] : memref<33554432xf32, #tpu.memory_space<hbm>> -> memref<16384xf32, #tpu.memory_space<hbm>>
    %dma_wait3A_252 = arith.constant 0 : i32
    %dma_wait3A_253 = tpu.memref_slice %arg4[%dma_wait3A_252] : memref<33554432xf32, #tpu.memory_space<hbm>> -> memref<16384xf32, #tpu.memory_space<hbm>>
    tpu.wait_dma2 semaphore(%arg17 : memref<!tpu.dma_semaphore, #tpu.memory_space<semaphore_mem>>) src(%arg9 : memref<16384xf32, #tpu.memory_space<vmem>>) dst(%dma_wait3A_253 : memref<16384xf32, #tpu.memory_space<hbm>>)
    return
  }
}

</mosaic_0001>

<sc_bundles>
// kernel: kernel.3.cloned.1.call-start
scs
__scs_entry_jumppad:
0x0: {  	(pc) =	sbr.rel $0x88, $3  }
0x1: {  	(tag) =	ssettag $0x0;
	lr =	simm.s32 $0x1  }
0x2: {  	[smem:$0x3F9F] =	sst lr;
	_ =	strace $0xD0000000  }
0x3: {  	_ = 	snop  }
0x4: {  	_ = 	snop  }
0x5: {  	_ = 	snop  }
0x6: {  	_ = 	snop  }
0x7: {  	_ = 	snop  }
__scs_overlays_trampoline_lowered:
0x8: {  	[smem:$0x3FAE] =	sst s0  }
0x9: {  	[smem:$0x3FAF] =	sst s1  }
0xa: {  	[smem:$0x3FB0] =	sst s2  }
0xb: {  	[smem:$0x3FB1] =	sst s3  }
0xc: {  	[smem:$0x3FB2] =	sst s4  }
0xd: {  	[smem:$0x3FB3] =	sst s5  }
0xe: {  	[smem:$0x3FB4] =	sst s6  }
0xf: {  	[smem:$0x3FB5] =	sst s7  }
0x10: {  	[smem:$0x3FB6] =	sst s8  }
0x11: {  	[smem:$0x3FB7] =	sst s9;
	s0 =	simm.s32 @!p0 $0x0  }
0x12: {  	s1 =	sld [smem:$0x3F9D];
	s0 =	simm.s32 @p0 $0x1  }
0x13: {  	[smem:$0x3FB8] =	sst s0;
	s0 =	simm.s32 @!p1 $0x0  }
0x14: {  	s2 =	sld [smem:$0x3F9C];
	s0 =	simm.s32 @p1 $0x1  }
0x15: {  	[smem:$0x3FB9] =	sst s0;
	s0 =	simm.s32 @!p2 $0x0  }
0x16: {  	s3 =	sld [smem:$0x3FDB];
	s0 =	simm.s32 @p2 $0x1  }
0x17: {  	s4 =	simm.s32 $0x1BF5;
	[smem:$0x3FBB] =	sst s0  }
0x18: {  	s0 =	sld [smem:$0x3F9E];
	_ =	swait.ge [sflag:s4], $0x0  }
0x19: {  	s7 =	sld [smem:$0x3F9F]  }
0x1a: {  	s8 =	sadd.s32 $0xFFFFE003, lr  }
0x1b: {  	s9 =	sadd.s32 $0xFFFFFEF7, lr;
	s5 =	simm.s32 $0xFFFFFFFF;
	p2 =	slt.u32 s8, $0xFFFFF086  }
0x1c: {  	p1 =	slt.u32 s9, $0xF7A;
	s5 =	simm.s32 @!p2 $0x0  }
0x1d: {  	s5 =	simm.s32 @p1 $0x1;
	p0 =	seq.s32 s7, s2  }
0x1e: {  	s7 =	smul.u32 @!p0 $0xF7A, s2;
	p2 =	seq.s32 @!p0 s5, $0x0  }
0x1f: {  	s9 =	smul.u32 $0xF7A, s1;
	s8 =	simm.s32 @!p0 $0x1BF5;
	p2 =	por !p2, p0  }
0x20: {  	[sflag:s8] =	ssyncset.s32 @!p0 $0xFFFFF086;
	s6 =	sadd.s32 @!p0 s3, s7;
	s7 =	simm.s32 @!p0 $0x108  }
0x21: {  	s3 =	sadd.s32 s3, s9;
	s6 =	sadd.s32 @!p0 $0x88, s6;
	s7 =	simm.s32 @p2 $0x1082  }
0x22: {  	[simem:s7], [sflag:s8] =	dma.local @!p0 [hbm:s6], $0xF7A  }
0x23: {  	s9 =	sor.u32 $0xD0000000, s2;
	s6 =	simm.s32 $0x108;
	_ =	swait.ge @!p0 [sflag:s8], $0x0  }
0x24: {  	s3 =	sadd.s32 $0x88, s3;
	s6 =	simm.s32 @!p1 $0x1082;
	[sflag:s4] =	ssyncset.s32 $0xFFFFF086  }
0x25: {  	[simem:s6], [sflag:s4] =	dma.local [hbm:s3], $0xF7A  }
0x26: {  	[smem:$0x3F9F] =	sst s1;
	(tag) =	ssettag s2;
	_ =	strace s9  }
0x27: {  	s1 =	sld [smem:$0x3FAF]  }
0x28: {  	s2 =	sld [smem:$0x3FB0]  }
0x29: {  	s4 =	sld [smem:$0x3FB2]  }
0x2a: {  	p0 =	seq.s32 s5, $0x0;
	s5 =	sld [smem:$0x3FB3]  }
0x2b: {  	s6 =	sld [smem:$0x3FB4]  }
0x2c: {  	s7 =	sld [smem:$0x3FB5]  }
0x2d: {  	s3 =	simm.s32 $0x108;
	s8 =	sld [smem:$0x3FB6]  }
0x2e: {  	s3 =	simm.s32 @!p0 $0x1082;
	s9 =	sld [smem:$0x3FB7]  }
0x2f: {  	lr =	sadd.s32 s0, s3;
	s0 =	sld [smem:$0x3FAE]  }
0x30: {  	s3 =	sld [smem:$0x3FB1]  }
0x31: {  	[smem:$0x3FBA] =	sst s10  }
0x32: {  	s10 =	sld [smem:$0x3FB8];
	_ =	sdelay $0x3  }
0x33: {  	p0 =	seq.s32 s10, $0x1;
	s10 =	sld [smem:$0x3FBA];
	_ =	sdelay $0x3  }
0x34: {  	[smem:$0x3FBA] =	sst s10  }
0x35: {  	s10 =	sld [smem:$0x3FB9];
	_ =	sdelay $0x3  }
0x36: {  	p1 =	seq.s32 s10, $0x1;
	s10 =	sld [smem:$0x3FBA];
	_ =	sdelay $0x3  }
0x37: {  	[smem:$0x3FBA] =	sst s10  }
0x38: {  	s10 =	sld [smem:$0x3FBB]  }
0x39: {  	_ = 	snop;
	(pc) =	sbr.ind lr, $3  }
0x3a: {  	_ = 	snop  }
0x3b: {  	_ = 	snop  }
0x3c: {  	p2 =	seq.s32 s10, $0x1;
	s10 =	sld [smem:$0x3FBA]  }
0x3d: {  	_ =	shalt  }
0x3e: {  	_ =	shalt  }
0x3f: {  	_ =	shalt  }
0x40: {  	_ =	shalt  }
0x41: {  	_ =	shalt  }
0x42: {  	_ =	shalt  }
0x43: {  	_ =	shalt  }
0x44: {  	_ =	shalt  }
0x45: {  	_ =	shalt  }
0x46: {  	_ =	shalt  }
0x47: {  	_ =	shalt  }
0x48: {  	_ =	shalt  }
0x49: {  	_ =	shalt  }
0x4a: {  	_ =	shalt  }
0x4b: {  	_ =	shalt  }
0x4c: {  	_ =	shalt  }
0x4d: {  	_ =	shalt  }
0x4e: {  	_ =	shalt  }
0x4f: {  	_ =	shalt  }
0x50: {  	_ =	shalt  }
0x51: {  	_ =	shalt  }
0x52: {  	_ =	shalt  }
0x53: {  	_ =	shalt  }
0x54: {  	_ =	shalt  }
0x55: {  	_ =	shalt  }
0x56: {  	_ =	shalt  }
0x57: {  	_ =	shalt  }
0x58: {  	_ =	shalt  }
0x59: {  	_ =	shalt  }
0x5a: {  	_ =	shalt  }
0x5b: {  	_ =	shalt  }
0x5c: {  	_ =	shalt  }
0x5d: {  	_ =	shalt  }
0x5e: {  	_ =	shalt  }
0x5f: {  	_ =	shalt  }
0x60: {  	_ =	shalt  }
0x61: {  	_ =	shalt  }
0x62: {  	_ =	shalt  }
0x63: {  	_ =	shalt  }
0x64: {  	_ =	shalt  }
0x65: {  	_ =	shalt  }
0x66: {  	_ =	shalt  }
0x67: {  	_ =	shalt  }
0x68: {  	_ =	shalt  }
0x69: {  	_ =	shalt  }
0x6a: {  	_ =	shalt  }
0x6b: {  	_ =	shalt  }
0x6c: {  	_ =	shalt  }
0x6d: {  	_ =	shalt  }
0x6e: {  	_ =	shalt  }
0x6f: {  	_ =	shalt  }
0x70: {  	_ =	shalt  }
0x71: {  	_ =	shalt  }
0x72: {  	_ =	shalt  }
0x73: {  	_ =	shalt  }
0x74: {  	_ =	shalt  }
0x75: {  	_ =	shalt  }
0x76: {  	_ =	shalt  }
0x77: {  	_ =	shalt  }
0x78: {  	_ =	shalt  }
0x79: {  	_ =	shalt  }
0x7a: {  	_ =	shalt  }
0x7b: {  	_ =	shalt  }
0x7c: {  	_ =	shalt  }
0x7d: {  	_ =	shalt  }
0x7e: {  	_ =	shalt  }
0x7f: {  	_ =	shalt  }
0x80: {  	_ =	shalt  }
0x81: {  	_ =	shalt  }
0x82: {  	_ =	shalt  }
0x83: {  	_ =	shalt  }
0x84: {  	_ =	shalt  }
0x85: {  	_ =	shalt  }
0x86: {  	_ =	shalt  }
0x87: {  	_ =	shalt  }
.Lfunc_end0:
.L_simem_size_0:
called_computation.2_lowered:
.L_overlay_start_0:
0x88: {  	s2 =	sld [smem:$0x3FD9]  }
0x89: {  	s3 =	sld [smem:$0x3FFE];
	_ =	sdelay $0x1  }
0x8a: {  	s1 =	srdreg.scid  }
0x8b: {  	s0 =	sand.u32 $0x1, s1  }
0x8c: {  	s17 =	sshll.u32 s0, $0xA;
	s2 =	sadd.s32 s3, s2  }
0x8d: {  	s2 =	sadd.s32 s2, s17  }
0x8e: {  	[smem:$0x3FC6] =	sst s2  }
0x8f: {  	_ = 	snop  }
0x90: {  	s2 =	sld [smem:$0x3FD0];
	(tm) =	ssettm $0x1  }
0x91: {  	s18 =	sld [smem:$0x3FFB];
	_ =	sdelay $0x3  }
0x92: {  	_ =	strace s18  }
0x93: {  	s3 =	sld [smem:$0x3FFC];
	_ =	sdelay $0x3  }
0x94: {  	_ =	strace s3  }
0x95: {  	s3 =	sld [smem:$0x3FFD];
	_ =	sdelay $0x3  }
0x96: {  	_ =	strace s3  }
0x97: {  	_ =	strace $0x8FFFFFFF  }
0x98: {  	s19 =	sld [smem:$0x3FDB];
	_ =	sdelay $0x1  }
0x99: {  	s4 =	simm.s32 $_scs_section_size  }
0x9a: {  	s5 =	simm.s32 $_size__tile_overlayer_lowered;
	s6 =	simm.s32 $_tile_overlayer_lowered  }
0x9b: {  	s22 =	simm.s32 $0x1BFF;
	s21 =	sshll.u32 s6, $0x1;
	s3 =	sadd.s32 s4, s19  }
0x9c: {  	s7 =	simm.s32 $0x0;
	s20 =	sshll.u32 s5, $0x1;
	s5 =	sadd.s32 s21, s3  }
0x9d: {  	[timem:s7], [sflag:s22] =	dma.local [hbm:s5], s20  }
0x9e: {  	_ =	swait.ge [sflag:s22], s20  }
0x9f: {  	s4 =	ssub.s32 $0x0, s20;
	[sflag:s22] =	ssyncset.done $0x0  }
0xa0: {  	[sflag:s22] =	ssyncadd.s32 s4;
	_ =	sdelay $0x1  }
0xa1: {  	s23 =	simm.s32 $0x1B8B  }
0xa2: {  	_ =	swait.ge [sflag:s23], $0x1  }
0xa3: {  	[sflag:s23] =	ssyncset.done $0x0  }
0xa4: {  	s25 =	simm.s32 $0x1B8E;
	s24 =	sld [smem:$0x3FFE];
	[sflag:s23] =	ssyncadd.s32 $0xFFFFFFFF  }
0xa5: {  	s26 =	simm.s32 $execute0_lowered;
	[smem:$0x3FD2] =	sst s25  }
0xa6: {  	s5 =	sshll.u32 s26, $0x1;
	_ =	strace $0x8000004C;
	[dreg:$0x1] =	wrdreg $0xFFFFFFFF  }
0xa7: {  	s28 =	simm.s32 $_size_execute0_lowered;
	s3 =	sadd.s32 s3, s5;
	[dreg:$0x0] =	wrdreg $0x0  }
0xa8: {  	s5 =	sshll.u32 s28, $0x1;
	[dreg:$0x2] =	wrdreg s3  }
0xa9: {  	[dreg:$0x3] =	wrdreg s5  }
0xaa: {  	[dreg:$0x4] =	wrdreg $0xC0  }
0xab: {  	_ =	task [dreg:s7], $0x5FFFF  }
0xac: {  	[dreg:$0x1] =	wrdreg $0xFFFFFFFF  }
0xad: {  	[dreg:$0x0] =	wrdreg $0x60  }
0xae: {  	[dreg:$0x2] =	wrdreg s2  }
0xaf: {  	[dreg:$0x3] =	wrdreg s24  }
0xb0: {  	[dreg:$0x4] =	wrdreg $0x9  }
0xb1: {  	_ =	task.clear_ibuf [dreg:s7], $0x5FFFF;
	_ =	strace $0x9000004C  }
0xb2: {  	s29 =	simm.s32 $0x9;
	_ =	strace $0x8000004E  }
0xb3: {  	_ =	swait.ge [sflag:s29], $0x1  }
0xb4: {  	[sflag:s29] =	ssyncadd.s32 $0xFFFFFFFF  }
0xb5: {  	_ =	strace $0x9000004E  }
0xb6: {  	_ =	sfence  }
0xb7: {  	s30 =	sld [smem:$0x0];
	_ =	sdelay $0x2  }
0xb8: {  	s31 =	sshll.u32 s1, $0xD;
	s1 =	sshrl.u32 s1, $0x2  }
0xb9: {  	s3 =	sand.u32 $0x4000, s31;
	s1 =	sadd.s32 s1, s30  }
0xba: {  	s0 =	sor.u32 s3, s0;
	s1 =	sshll.u32 s1, $0x11  }
0xbb: {  	s0 =	sor.u32 s1, s0  }
0xbc: {  	s0 =	sadd.s32 $0x8F2B, s0  }
0xbd: {  	[sflag:s0] =	ssyncadd.remote.s32 $0x1  }
0xbe: {  	_ =	sfence.sel $0xFFFF  }
0xbf: {  	[dreg:$0x0] =	wrdreg $0xFFFFFFFF;
	(pc) =	sbr.abs _section_cstart, $3  }
0xc0: {  	[dreg:$0x1] =	wrdreg $0xFFFFFFFF  }
0xc1: {  	_ =	task.clear_ibuf [dreg:s7], $0x2FFFF;
	_ =	strace $0x9FFFFFFF  }
0xc2: {  	(tm) =	ssettm $0x7FFFFFFF  }
0xc3: {  	_ =	shalt  }
tec
execute0_lowered:
.L_overlay_start_1:
0x0: {  	(tag) =	ssettag $0x1  }
0x1: {  	s1 =	rddreg [dreg:$0x0]  }
0x2: {  	s0 =	rddreg [dreg:$0x1];
	s3 =	simm.s32 $0x0  }
0x3: {  	s2 =	srdreg.scid;
	s4 =	stileid.u32;
	s28 =	simm.s32 $0x8000  }
0x4: {  	s29 =	simm.s32 $0x9;
	s30 =	simm.s32 $0x1;
	s31 =	simm.s32 $0xC000  }
0x5: {  	s13 =	simm.s32 $0x7;
	s14 =	simm.s32 $0x8;
	[smem:$0x7FF] =	sst s3  }
0x6: {  	s2 =	sand.u32 $0x1, s2;
	s4 =	sshll.u32 s4, $0x1;
	s5 =	sadd.s32 $0x100C00, s0  }
0x7: {  	_ =	strace $0x8000004D;
	s6 =	ssub.s32 $0x2, s2;
	s2 =	sor.u32 s2, s4  }
0x8: {  	s4 =	sadd.s32 $0xC00, s0;
	s0 =	simm.s32 $0x2;
	s8 =	sshll.u32 s2, $0xF  }
0x9: {  	s7 =	sshrl.u32 s6, $0x1;
	s9 =	sor.u32 $0x100000, s8;
	s17 =	sadd.s32 s4, s8  }
0xa: {  	s18 =	sor.u32 $0x200000, s8;
	s16 =	sadd.s32 s1, s9;
	[dreg:$0x4] =	wrdreg s17  }
0xb: {  	s10 =	sor.u32 $0x300000, s8;
	s11 =	sadd.s32 s1, s18;
	[dreg:$0x3] =	wrdreg s16  }
0xc: {  	s15 =	ssub.s32 s6, s7;
	s12 =	sadd.s32 s1, s10;
	[dreg:$0x5] =	wrdreg s11  }
0xd: {  	s7 =	sadd.s32 s1, s8;
	s9 =	sadd.s32 s5, s9;
	[dreg:$0x6] =	wrdreg s12  }
0xe: {  	s6 =	sshll.u32 s2, $0x12;
	s19 =	sadd.s32 $0x800, s7;
	[dreg:$0x7] =	wrdreg s9  }
0xf: {  	s22 =	sor.u32 $0x7800, s8;
	s2 =	sadd.s32 s5, s18;
	[dreg:$0x8] =	wrdreg s19  }
0x10: {  	s24 =	sor.u32 $0x207800, s8;
	s20 =	sadd.s32 $0x100800, s7;
	[dreg:$0x9] =	wrdreg s2  }
0x11: {  	s21 =	sadd.s32 s5, s10;
	s23 =	sadd.s32 s4, s22;
	[dreg:$0xa] =	wrdreg s20  }
0x12: {  	s25 =	sadd.s32 s1, s24;
	s10 =	simm.s32 $0x4;
	[dreg:$0xb] =	wrdreg s21  }
0x13: {  	s11 =	sadd.s32 s5, s8;
	[dreg:$0xc] =	wrdreg s23;
	s8 =	sor.u32 $0x307800, s8  }
0x14: {  	[dreg:$0xd] =	wrdreg s25;
	s2 =	sadd.s32 s5, s22;
	s23 =	sadd.s32 s5, s24  }
0x15: {  	s25 =	smax.u32 s15, $0x1;
	s9 =	simm.s32 $0x5;
	s12 =	simm.s32 $0x6  }
0x16: {  	s15 =	simm.s32 $0x0;
	[dreg:$0xe] =	wrdreg s2;
	s26 =	sadd.s32 s1, s8  }
0x17: {  	s22 =	sadd.s32 $0x107800, s11;
	s24 =	sadd.s32 s5, s8;
	s2 =	simm.s32 $0x10000  }
0x18: {  	s8 =	simm.s32 $0x3;
	[dreg:$0xf] =	wrdreg s26;
	s26 =	simm.s32 $0x4000  }
.LBB2_1:
0x19: {  	[tilespmem:s26], [sflag:$0x1] =	stream.linear.gather [hbm4b:s7+s3], $0x4000, $0x38;
	[tilespmem:$0x14000] =	vst v63  }
0x1a: {  	s16 =	rddreg [dreg:$0x3]  }
0x1b: {  	[tilespmem:s28], [sflag:$0x2] =	stream.linear.gather [hbm4b:s16+s3], $0x4000, $0x38;
	[tilespmem:$0x14000] =	vst v63  }
0x1c: {  	s20 =	rddreg [dreg:$0x4]  }
0x1d: {  	[tilespmem:s3], [sflag:$0x9] =	stream.linear.gather [hbm4b:s20+s3], $0x4000, $0x38;
	[tilespmem:$0x14000] =	vst v63  }
0x1e: {  	_ =	swait.ge [sflag:s29], $0x4000  }
0x1f: {  	[sflag:s29] =	ssyncset.done $0x0  }
0x20: {  	[sflag:s29] =	ssyncadd.s32 $0xFFFFC000  }
0x21: {  	_ =	swait.ge [sflag:s30], $0x4000  }
0x22: {  	s17 =	simm.s32 $0x200;
	[sflag:s30] =	ssyncset.done $0x0  }
0x23: {  	s16 =	simm.s32 $0x0;
	s21 =	rddreg [dreg:$0x5];
	[sflag:s30] =	ssyncadd.s32 $0xFFFFC000  }
0x24: {  	[tilespmem:s31], [sflag:$0x3] =	stream.linear.gather [hbm4b:s21+s3], $0x4000, $0x38;
	[tilespmem:$0x14000] =	vst v63  }
.LBB2_2:
0x25: {  	p0 =	sne.s32 s17, $0xFE00;
	v0 =	vld [tilespmem:s16+$0x70]  }
0x26: {  	v1 =	vld [tilespmem:s16+$0x0]  }
0x27: {  	v2 =	vld [tilespmem:s16+$0x10]  }
0x28: {  	v3 =	vld [tilespmem:s16+$0x20]  }
0x29: {  	v4 =	vld [tilespmem:s16+$0x30]  }
0x2a: {  	[tilespmem:s16+$0x4070] =	vst.add.f32.msk $0xffff, v0  }
0x2b: {  	v0 =	vld [tilespmem:s16+$0x40]  }
0x2c: {  	v5 =	vld [tilespmem:s16+$0x50]  }
0x2d: {  	v6 =	vld [tilespmem:s16+$0x60]  }
0x2e: {  	[tilespmem:s16+$0x4000] =	vst.add.f32.msk $0xffff, v1  }
0x2f: {  	[tilespmem:s16+$0x4010] =	vst.add.f32.msk $0xffff, v2  }
.Ltmp0:
0x30: {  	[tilespmem:s16+$0x4020] =	vst.add.f32.msk $0xffff, v3;
	(pc) =	sbr.rel @p0 .LBB2_2-.Ltmp0, $4  }
0x31: {  	[tilespmem:s16+$0x4030] =	vst.add.f32.msk $0xffff, v4  }
0x32: {  	[tilespmem:s16+$0x4040] =	vst.add.f32.msk $0xffff, v0  }
0x33: {  	[tilespmem:s16+$0x4050] =	vst.add.f32.msk $0xffff, v5  }
0x34: {  	[tilespmem:s16+$0x4060] =	vst.add.f32.msk $0xffff, v6;
	s16 =	sshra.s32 s17, $0x2;
	s17 =	sadd.s32 $0x200, s17  }
0x35: {  	v0 =	vld [tilespmem:s16+$0x70]  }
0x36: {  	v1 =	vld [tilespmem:s16+$0x0]  }
0x37: {  	v2 =	vld [tilespmem:s16+$0x10]  }
0x38: {  	v3 =	vld [tilespmem:s16+$0x20]  }
0x39: {  	v4 =	vld [tilespmem:s16+$0x30]  }
0x3a: {  	v63 =	vld [tilespmem:s16+$0x40]  }
0x3b: {  	v5 =	vld [tilespmem:s16+$0x50]  }
0x3c: {  	v6 =	vld [tilespmem:s16+$0x60]  }
0x3d: {  	[tilespmem:s16+$0x4070] =	vst.add.f32.msk $0xffff, v0  }
0x3e: {  	[tilespmem:s16+$0x4000] =	vst.add.f32.msk $0xffff, v1  }
0x3f: {  	[tilespmem:s16+$0x4010] =	vst.add.f32.msk $0xffff, v2  }
0x40: {  	[tilespmem:s16+$0x4020] =	vst.add.f32.msk $0xffff, v3  }
0x41: {  	[tilespmem:s16+$0x4030] =	vst.add.f32.msk $0xffff, v4  }
0x42: {  	[tilespmem:s16+$0x4040] =	vst.add.f32.msk $0xffff, v63  }
0x43: {  	[tilespmem:s16+$0x4050] =	vst.add.f32.msk $0xffff, v5  }
0x44: {  	s21 =	simm.s32 $0x0;
	[tilespmem:s16+$0x4060] =	vst.add.f32.msk $0xffff, v6  }
0x45: {  	[hbm4b:s11+s21] =	stream.linear.scatter [tilespmem:s26], [sflag:$0x5], $0x4000, $0x38;
	[tilespmem:$0x14000] =	vst v63  }
0x46: {  	_ =	swait.ge [sflag:s0], $0x4000  }
0x47: {  	[sflag:s0] =	ssyncset.done $0x0  }
0x48: {  	s17 =	rddreg [dreg:$0x6];
	[sflag:s0] =	ssyncadd.s32 $0xFFFFC000  }
0x49: {  	[tilespmem:s2], [sflag:$0x4] =	stream.linear.gather [hbm4b:s17+s21], $0x4000, $0x38;
	[tilespmem:$0x14000] =	vst v63  }
0x4a: {  	s16 =	simm.s32 $0x0;
	s17 =	simm.s32 $0x200  }
.LBB2_4:
0x4b: {  	p0 =	sne.s32 s17, $0xFE00;
	v0 =	vld [tilespmem:s16+$0x70]  }
0x4c: {  	v1 =	vld [tilespmem:s16+$0x0]  }
0x4d: {  	v2 =	vld [tilespmem:s16+$0x10]  }
0x4e: {  	v3 =	vld [tilespmem:s16+$0x20]  }
0x4f: {  	v4 =	vld [tilespmem:s16+$0x30]  }
0x50: {  	[tilespmem:s16+$0x8070] =	vst.add.f32.msk $0xffff, v0  }
0x51: {  	v0 =	vld [tilespmem:s16+$0x40]  }
0x52: {  	v5 =	vld [tilespmem:s16+$0x50]  }
0x53: {  	v6 =	vld [tilespmem:s16+$0x60]  }
0x54: {  	[tilespmem:s16+$0x8000] =	vst.add.f32.msk $0xffff, v1  }
0x55: {  	[tilespmem:s16+$0x8010] =	vst.add.f32.msk $0xffff, v2  }
.Ltmp1:
0x56: {  	[tilespmem:s16+$0x8020] =	vst.add.f32.msk $0xffff, v3;
	(pc) =	sbr.rel @p0 .LBB2_4-.Ltmp1, $4  }
0x57: {  	[tilespmem:s16+$0x8030] =	vst.add.f32.msk $0xffff, v4  }
0x58: {  	[tilespmem:s16+$0x8040] =	vst.add.f32.msk $0xffff, v0  }
0x59: {  	[tilespmem:s16+$0x8050] =	vst.add.f32.msk $0xffff, v5  }
0x5a: {  	[tilespmem:s16+$0x8060] =	vst.add.f32.msk $0xffff, v6;
	s16 =	sshra.s32 s17, $0x2;
	s17 =	sadd.s32 $0x200, s17  }
0x5b: {  	v0 =	vld [tilespmem:s16+$0x70]  }
0x5c: {  	v1 =	vld [tilespmem:s16+$0x0]  }
0x5d: {  	v2 =	vld [tilespmem:s16+$0x10]  }
0x5e: {  	v3 =	vld [tilespmem:s16+$0x20]  }
0x5f: {  	v4 =	vld [tilespmem:s16+$0x30]  }
0x60: {  	v63 =	vld [tilespmem:s16+$0x40]  }
0x61: {  	v5 =	vld [tilespmem:s16+$0x50]  }
0x62: {  	v6 =	vld [tilespmem:s16+$0x60]  }
0x63: {  	[tilespmem:s16+$0x8070] =	vst.add.f32.msk $0xffff, v0  }
0x64: {  	[tilespmem:s16+$0x8000] =	vst.add.f32.msk $0xffff, v1  }
0x65: {  	[tilespmem:s16+$0x8010] =	vst.add.f32.msk $0xffff, v2  }
0x66: {  	[tilespmem:s16+$0x8020] =	vst.add.f32.msk $0xffff, v3  }
0x67: {  	[tilespmem:s16+$0x8030] =	vst.add.f32.msk $0xffff, v4  }
0x68: {  	[tilespmem:s16+$0x8040] =	vst.add.f32.msk $0xffff, v63  }
0x69: {  	[tilespmem:s16+$0x8050] =	vst.add.f32.msk $0xffff, v5  }
0x6a: {  	s20 =	simm.s32 $0x0;
	s17 =	rddreg [dreg:$0x7];
	[tilespmem:s16+$0x8060] =	vst.add.f32.msk $0xffff, v6  }
0x6b: {  	[hbm4b:s17+s20] =	stream.linear.scatter [tilespmem:s28], [sflag:$0x6], $0x4000, $0x38;
	[tilespmem:$0x14000] =	vst v63  }
0x6c: {  	_ =	swait.ge [sflag:s8], $0x4000  }
0x6d: {  	[sflag:s8] =	ssyncset.done $0x0  }
0x6e: {  	[sflag:s8] =	ssyncadd.s32 $0xFFFFC000  }
0x6f: {  	_ =	swait.ge [sflag:s9], $0x4000  }
0x70: {  	s16 =	simm.s32 $0x0;
	[sflag:s9] =	ssyncset.done $0x0  }
0x71: {  	s17 =	simm.s32 $0x200;
	s21 =	rddreg [dreg:$0x8];
	[sflag:s9] =	ssyncadd.s32 $0xFFFFC000  }
0x72: {  	[tilespmem:s26], [sflag:$0x1] =	stream.linear.gather [hbm4b:s21+s20], $0x4000, $0x38;
	[tilespmem:$0x14000] =	vst v63  }
.LBB2_6:
0x73: {  	p0 =	sne.s32 s17, $0xFE00;
	v0 =	vld [tilespmem:s16+$0x70]  }
0x74: {  	v1 =	vld [tilespmem:s16+$0x0]  }
0x75: {  	v2 =	vld [tilespmem:s16+$0x10]  }
0x76: {  	v3 =	vld [tilespmem:s16+$0x20]  }
0x77: {  	v4 =	vld [tilespmem:s16+$0x30]  }
0x78: {  	[tilespmem:s16+$0xC070] =	vst.add.f32.msk $0xffff, v0  }
0x79: {  	v0 =	vld [tilespmem:s16+$0x40]  }
0x7a: {  	v5 =	vld [tilespmem:s16+$0x50]  }
0x7b: {  	v6 =	vld [tilespmem:s16+$0x60]  }
0x7c: {  	[tilespmem:s16+$0xC000] =	vst.add.f32.msk $0xffff, v1  }
0x7d: {  	[tilespmem:s16+$0xC010] =	vst.add.f32.msk $0xffff, v2  }
.Ltmp2:
0x7e: {  	[tilespmem:s16+$0xC020] =	vst.add.f32.msk $0xffff, v3;
	(pc) =	sbr.rel @p0 .LBB2_6-.Ltmp2, $4  }
0x7f: {  	[tilespmem:s16+$0xC030] =	vst.add.f32.msk $0xffff, v4  }
0x80: {  	[tilespmem:s16+$0xC040] =	vst.add.f32.msk $0xffff, v0  }
0x81: {  	[tilespmem:s16+$0xC050] =	vst.add.f32.msk $0xffff, v5  }
0x82: {  	[tilespmem:s16+$0xC060] =	vst.add.f32.msk $0xffff, v6;
	s16 =	sshra.s32 s17, $0x2;
	s17 =	sadd.s32 $0x200, s17  }
0x83: {  	v0 =	vld [tilespmem:s16+$0x70]  }
0x84: {  	v1 =	vld [tilespmem:s16+$0x0]  }
0x85: {  	v2 =	vld [tilespmem:s16+$0x10]  }
0x86: {  	v3 =	vld [tilespmem:s16+$0x20]  }
0x87: {  	v4 =	vld [tilespmem:s16+$0x30]  }
0x88: {  	v63 =	vld [tilespmem:s16+$0x40]  }
0x89: {  	v5 =	vld [tilespmem:s16+$0x50]  }
0x8a: {  	v6 =	vld [tilespmem:s16+$0x60]  }
0x8b: {  	[tilespmem:s16+$0xC070] =	vst.add.f32.msk $0xffff, v0  }
0x8c: {  	[tilespmem:s16+$0xC000] =	vst.add.f32.msk $0xffff, v1  }
0x8d: {  	[tilespmem:s16+$0xC010] =	vst.add.f32.msk $0xffff, v2  }
0x8e: {  	[tilespmem:s16+$0xC020] =	vst.add.f32.msk $0xffff, v3  }
0x8f: {  	[tilespmem:s16+$0xC030] =	vst.add.f32.msk $0xffff, v4  }
0x90: {  	[tilespmem:s16+$0xC040] =	vst.add.f32.msk $0xffff, v63  }
0x91: {  	[tilespmem:s16+$0xC050] =	vst.add.f32.msk $0xffff, v5  }
0x92: {  	s20 =	simm.s32 $0x0;
	s17 =	rddreg [dreg:$0x9];
	[tilespmem:s16+$0xC060] =	vst.add.f32.msk $0xffff, v6  }
0x93: {  	[hbm4b:s17+s20] =	stream.linear.scatter [tilespmem:s31], [sflag:$0x7], $0x4000, $0x38;
	[tilespmem:$0x14000] =	vst v63  }
0x94: {  	_ =	swait.ge [sflag:s10], $0x4000  }
0x95: {  	[sflag:s10] =	ssyncset.done $0x0  }
0x96: {  	[sflag:s10] =	ssyncadd.s32 $0xFFFFC000  }
0x97: {  	_ =	swait.ge [sflag:s12], $0x4000  }
0x98: {  	s16 =	simm.s32 $0x0;
	[sflag:s12] =	ssyncset.done $0x0  }
0x99: {  	s17 =	simm.s32 $0x200;
	s21 =	rddreg [dreg:$0xa];
	[sflag:s12] =	ssyncadd.s32 $0xFFFFC000  }
0x9a: {  	[tilespmem:s28], [sflag:$0x2] =	stream.linear.gather [hbm4b:s21+s20], $0x4000, $0x38;
	[tilespmem:$0x14000] =	vst v63  }
.LBB2_8:
0x9b: {  	p0 =	sne.s32 s17, $0xFE00;
	v0 =	vld [tilespmem:s16+$0x70]  }
0x9c: {  	v1 =	vld [tilespmem:s16+$0x0]  }
0x9d: {  	v2 =	vld [tilespmem:s16+$0x10]  }
0x9e: {  	v3 =	vld [tilespmem:s16+$0x20]  }
0x9f: {  	v4 =	vld [tilespmem:s16+$0x30]  }
0xa0: {  	[tilespmem:s16+$0x10070] =	vst.add.f32.msk $0xffff, v0  }
0xa1: {  	v0 =	vld [tilespmem:s16+$0x40]  }
0xa2: {  	v5 =	vld [tilespmem:s16+$0x50]  }
0xa3: {  	v6 =	vld [tilespmem:s16+$0x60]  }
0xa4: {  	[tilespmem:s16+$0x10000] =	vst.add.f32.msk $0xffff, v1  }
0xa5: {  	[tilespmem:s16+$0x10010] =	vst.add.f32.msk $0xffff, v2  }
.Ltmp3:
0xa6: {  	[tilespmem:s16+$0x10020] =	vst.add.f32.msk $0xffff, v3;
	(pc) =	sbr.rel @p0 .LBB2_8-.Ltmp3, $4  }
0xa7: {  	[tilespmem:s16+$0x10030] =	vst.add.f32.msk $0xffff, v4  }
0xa8: {  	[tilespmem:s16+$0x10040] =	vst.add.f32.msk $0xffff, v0  }
0xa9: {  	[tilespmem:s16+$0x10050] =	vst.add.f32.msk $0xffff, v5  }
0xaa: {  	[tilespmem:s16+$0x10060] =	vst.add.f32.msk $0xffff, v6;
	s16 =	sshra.s32 s17, $0x2;
	s17 =	sadd.s32 $0x200, s17  }
0xab: {  	v0 =	vld [tilespmem:s16+$0x70]  }
0xac: {  	v1 =	vld [tilespmem:s16+$0x0]  }
0xad: {  	v2 =	vld [tilespmem:s16+$0x10]  }
0xae: {  	v3 =	vld [tilespmem:s16+$0x20]  }
0xaf: {  	v4 =	vld [tilespmem:s16+$0x30]  }
0xb0: {  	v63 =	vld [tilespmem:s16+$0x40]  }
0xb1: {  	v5 =	vld [tilespmem:s16+$0x50]  }
0xb2: {  	v6 =	vld [tilespmem:s16+$0x60]  }
0xb3: {  	[tilespmem:s16+$0x10070] =	vst.add.f32.msk $0xffff, v0  }
0xb4: {  	[tilespmem:s16+$0x10000] =	vst.add.f32.msk $0xffff, v1  }
0xb5: {  	[tilespmem:s16+$0x10010] =	vst.add.f32.msk $0xffff, v2  }
0xb6: {  	[tilespmem:s16+$0x10020] =	vst.add.f32.msk $0xffff, v3  }
0xb7: {  	[tilespmem:s16+$0x10030] =	vst.add.f32.msk $0xffff, v4  }
0xb8: {  	[tilespmem:s16+$0x10040] =	vst.add.f32.msk $0xffff, v63  }
0xb9: {  	[tilespmem:s16+$0x10050] =	vst.add.f32.msk $0xffff, v5  }
0xba: {  	s21 =	rddreg [dreg:$0xb];
	[tilespmem:s16+$0x10060] =	vst.add.f32.msk $0xffff, v6;
	s16 =	simm.s32 $0x1  }
0xbb: {  	[hbm4b:s21+s3] =	stream.linear.scatter [tilespmem:s2], [sflag:$0x8], $0x4000, $0x38;
	[tilespmem:$0x14000] =	vst v63  }
.LBB2_10:
0xbc: {  	s17 =	sshll.u32 s16, $0xE  }
0xbd: {  	s17 =	sadd.s32 s6, s17  }
0xbe: {  	s19 =	sshrl.u32 s17, $0x3  }
0xbf: {  	s18 =	simm.s32 $0x0;
	s17 =	sadd.s32 s4, s19  }
0xc0: {  	[tilespmem:s18], [sflag:$0x9] =	stream.linear.gather [hbm4b:s17+s18], $0x4000, $0x38;
	[tilespmem:$0x14000] =	vst v63  }
0xc1: {  	_ =	swait.ge [sflag:s29], $0x4000  }
0xc2: {  	[sflag:s29] =	ssyncset.done $0x0  }
0xc3: {  	[sflag:s29] =	ssyncadd.s32 $0xFFFFC000  }
0xc4: {  	_ =	swait.ge [sflag:s30], $0x4000  }
0xc5: {  	[sflag:s30] =	ssyncset.done $0x0  }
0xc6: {  	[sflag:s30] =	ssyncadd.s32 $0xFFFFC000  }
0xc7: {  	_ =	swait.ge [sflag:s13], $0x4000  }
0xc8: {  	s17 =	sor.u32 $0x200000, s19;
	[sflag:s13] =	ssyncset.done $0x0  }
0xc9: {  	s20 =	sadd.s32 s1, s17;
	[sflag:s13] =	ssyncadd.s32 $0xFFFFC000  }
0xca: {  	[tilespmem:s31], [sflag:$0x3] =	stream.linear.gather [hbm4b:s20+s18], $0x4000, $0x38;
	[tilespmem:$0x14000] =	vst v63  }
0xcb: {  	s18 =	simm.s32 $0x0;
	s20 =	simm.s32 $0x200  }
.LBB2_11:
0xcc: {  	p0 =	sne.s32 s20, $0xFE00;
	v0 =	vld [tilespmem:s18+$0x70]  }
0xcd: {  	v1 =	vld [tilespmem:s18+$0x0]  }
0xce: {  	v2 =	vld [tilespmem:s18+$0x10]  }
0xcf: {  	v3 =	vld [tilespmem:s18+$0x20]  }
0xd0: {  	v4 =	vld [tilespmem:s18+$0x30]  }
0xd1: {  	[tilespmem:s18+$0x4070] =	vst.add.f32.msk $0xffff, v0  }
0xd2: {  	v0 =	vld [tilespmem:s18+$0x40]  }
0xd3: {  	v5 =	vld [tilespmem:s18+$0x50]  }
0xd4: {  	v6 =	vld [tilespmem:s18+$0x60]  }
0xd5: {  	[tilespmem:s18+$0x4000] =	vst.add.f32.msk $0xffff, v1  }
0xd6: {  	[tilespmem:s18+$0x4010] =	vst.add.f32.msk $0xffff, v2  }
.Ltmp4:
0xd7: {  	[tilespmem:s18+$0x4020] =	vst.add.f32.msk $0xffff, v3;
	(pc) =	sbr.rel @p0 .LBB2_11-.Ltmp4, $4  }
0xd8: {  	[tilespmem:s18+$0x4030] =	vst.add.f32.msk $0xffff, v4  }
0xd9: {  	[tilespmem:s18+$0x4040] =	vst.add.f32.msk $0xffff, v0  }
0xda: {  	[tilespmem:s18+$0x4050] =	vst.add.f32.msk $0xffff, v5  }
0xdb: {  	[tilespmem:s18+$0x4060] =	vst.add.f32.msk $0xffff, v6;
	s18 =	sshra.s32 s20, $0x2;
	s20 =	sadd.s32 $0x200, s20  }
0xdc: {  	v0 =	vld [tilespmem:s18+$0x70]  }
0xdd: {  	v1 =	vld [tilespmem:s18+$0x0]  }
0xde: {  	v2 =	vld [tilespmem:s18+$0x10]  }
0xdf: {  	v3 =	vld [tilespmem:s18+$0x20]  }
0xe0: {  	v4 =	vld [tilespmem:s18+$0x30]  }
0xe1: {  	v63 =	vld [tilespmem:s18+$0x40]  }
0xe2: {  	v5 =	vld [tilespmem:s18+$0x50]  }
0xe3: {  	v6 =	vld [tilespmem:s18+$0x60]  }
0xe4: {  	[tilespmem:s18+$0x4070] =	vst.add.f32.msk $0xffff, v0  }
0xe5: {  	[tilespmem:s18+$0x4000] =	vst.add.f32.msk $0xffff, v1  }
0xe6: {  	[tilespmem:s18+$0x4010] =	vst.add.f32.msk $0xffff, v2  }
0xe7: {  	[tilespmem:s18+$0x4020] =	vst.add.f32.msk $0xffff, v3  }
0xe8: {  	[tilespmem:s18+$0x4030] =	vst.add.f32.msk $0xffff, v4  }
0xe9: {  	[tilespmem:s18+$0x4040] =	vst.add.f32.msk $0xffff, v63  }
0xea: {  	[tilespmem:s18+$0x4050] =	vst.add.f32.msk $0xffff, v5  }
0xeb: {  	s21 =	sadd.s32 s5, s19;
	s20 =	simm.s32 $0x0;
	[tilespmem:s18+$0x4060] =	vst.add.f32.msk $0xffff, v6  }
0xec: {  	[hbm4b:s21+s20] =	stream.linear.scatter [tilespmem:s26], [sflag:$0x5], $0x4000, $0x38;
	[tilespmem:$0x14000] =	vst v63  }
0xed: {  	_ =	swait.ge [sflag:s0], $0x4000  }
0xee: {  	[sflag:s0] =	ssyncset.done $0x0  }
0xef: {  	[sflag:s0] =	ssyncadd.s32 $0xFFFFC000  }
0xf0: {  	_ =	swait.ge [sflag:s14], $0x4000  }
0xf1: {  	s18 =	sor.u32 $0x300000, s19;
	[sflag:s14] =	ssyncset.done $0x0  }
0xf2: {  	s21 =	sadd.s32 s1, s18;
	[sflag:s14] =	ssyncadd.s32 $0xFFFFC000  }
0xf3: {  	[tilespmem:s2], [sflag:$0x4] =	stream.linear.gather [hbm4b:s21+s20], $0x4000, $0x38;
	[tilespmem:$0x14000] =	vst v63  }
0xf4: {  	s20 =	simm.s32 $0x0;
	s21 =	simm.s32 $0x200  }
.LBB2_13:
0xf5: {  	p0 =	sne.s32 s21, $0xFE00;
	v0 =	vld [tilespmem:s20+$0x70]  }
0xf6: {  	v1 =	vld [tilespmem:s20+$0x0]  }
0xf7: {  	v2 =	vld [tilespmem:s20+$0x10]  }
0xf8: {  	v3 =	vld [tilespmem:s20+$0x20]  }
0xf9: {  	v4 =	vld [tilespmem:s20+$0x30]  }
0xfa: {  	[tilespmem:s20+$0x8070] =	vst.add.f32.msk $0xffff, v0  }
0xfb: {  	v0 =	vld [tilespmem:s20+$0x40]  }
0xfc: {  	v5 =	vld [tilespmem:s20+$0x50]  }
0xfd: {  	v6 =	vld [tilespmem:s20+$0x60]  }
0xfe: {  	[tilespmem:s20+$0x8000] =	vst.add.f32.msk $0xffff, v1  }
0xff: {  	[tilespmem:s20+$0x8010] =	vst.add.f32.msk $0xffff, v2  }
.Ltmp5:
0x100: {  	[tilespmem:s20+$0x8020] =	vst.add.f32.msk $0xffff, v3;
	(pc) =	sbr.rel @p0 .LBB2_13-.Ltmp5, $4  }
0x101: {  	[tilespmem:s20+$0x8030] =	vst.add.f32.msk $0xffff, v4  }
0x102: {  	[tilespmem:s20+$0x8040] =	vst.add.f32.msk $0xffff, v0  }
0x103: {  	[tilespmem:s20+$0x8050] =	vst.add.f32.msk $0xffff, v5  }
0x104: {  	[tilespmem:s20+$0x8060] =	vst.add.f32.msk $0xffff, v6;
	s20 =	sshra.s32 s21, $0x2;
	s21 =	sadd.s32 $0x200, s21  }
0x105: {  	v0 =	vld [tilespmem:s20+$0x70]  }
0x106: {  	v1 =	vld [tilespmem:s20+$0x0]  }
0x107: {  	v2 =	vld [tilespmem:s20+$0x10]  }
0x108: {  	v3 =	vld [tilespmem:s20+$0x20]  }
0x109: {  	v4 =	vld [tilespmem:s20+$0x30]  }
0x10a: {  	v63 =	vld [tilespmem:s20+$0x40]  }
0x10b: {  	v5 =	vld [tilespmem:s20+$0x50]  }
0x10c: {  	v6 =	vld [tilespmem:s20+$0x60]  }
0x10d: {  	[tilespmem:s20+$0x8070] =	vst.add.f32.msk $0xffff, v0  }
0x10e: {  	[tilespmem:s20+$0x8000] =	vst.add.f32.msk $0xffff, v1  }
0x10f: {  	[tilespmem:s20+$0x8010] =	vst.add.f32.msk $0xffff, v2  }
0x110: {  	[tilespmem:s20+$0x8020] =	vst.add.f32.msk $0xffff, v3  }
0x111: {  	[tilespmem:s20+$0x8030] =	vst.add.f32.msk $0xffff, v4  }
0x112: {  	[tilespmem:s20+$0x8040] =	vst.add.f32.msk $0xffff, v63  }
0x113: {  	s19 =	sor.u32 $0x100000, s19;
	[tilespmem:s20+$0x8050] =	vst.add.f32.msk $0xffff, v5  }
0x114: {  	s19 =	sadd.s32 s5, s19;
	[tilespmem:s20+$0x8060] =	vst.add.f32.msk $0xffff, v6;
	s20 =	simm.s32 $0x0  }
0x115: {  	[hbm4b:s19+s20] =	stream.linear.scatter [tilespmem:s28], [sflag:$0x6], $0x4000, $0x38;
	[tilespmem:$0x14000] =	vst v63  }
0x116: {  	_ =	swait.ge [sflag:s8], $0x4000  }
0x117: {  	s16 =	sadd.s32 $0x1, s16;
	[sflag:s8] =	ssyncset.done $0x0  }
0x118: {  	s21 =	sshll.u32 s16, $0xE;
	[sflag:s8] =	ssyncadd.s32 $0xFFFFC000  }
0x119: {  	s19 =	sadd.s32 s6, s21;
	_ =	swait.ge [sflag:s9], $0x4000  }
0x11a: {  	s19 =	sshrl.u32 s19, $0x3;
	[sflag:s9] =	ssyncset.done $0x0  }
0x11b: {  	s19 =	sadd.s32 s1, s19;
	[sflag:s9] =	ssyncadd.s32 $0xFFFFC000  }
0x11c: {  	[tilespmem:s26], [sflag:$0x1] =	stream.linear.gather [hbm4b:s19+s20], $0x4000, $0x38;
	[tilespmem:$0x14000] =	vst v63  }
0x11d: {  	s21 =	simm.s32 $0x200;
	s20 =	simm.s32 $0x0  }
.LBB2_15:
0x11e: {  	p0 =	sne.s32 s21, $0xFE00;
	v0 =	vld [tilespmem:s20+$0x70]  }
0x11f: {  	v1 =	vld [tilespmem:s20+$0x0]  }
0x120: {  	v2 =	vld [tilespmem:s20+$0x10]  }
0x121: {  	v3 =	vld [tilespmem:s20+$0x20]  }
0x122: {  	v4 =	vld [tilespmem:s20+$0x30]  }
0x123: {  	[tilespmem:s20+$0xC070] =	vst.add.f32.msk $0xffff, v0  }
0x124: {  	v0 =	vld [tilespmem:s20+$0x40]  }
0x125: {  	v5 =	vld [tilespmem:s20+$0x50]  }
0x126: {  	v6 =	vld [tilespmem:s20+$0x60]  }
0x127: {  	[tilespmem:s20+$0xC000] =	vst.add.f32.msk $0xffff, v1  }
0x128: {  	[tilespmem:s20+$0xC010] =	vst.add.f32.msk $0xffff, v2  }
.Ltmp6:
0x129: {  	[tilespmem:s20+$0xC020] =	vst.add.f32.msk $0xffff, v3;
	(pc) =	sbr.rel @p0 .LBB2_15-.Ltmp6, $4  }
0x12a: {  	[tilespmem:s20+$0xC030] =	vst.add.f32.msk $0xffff, v4  }
0x12b: {  	[tilespmem:s20+$0xC040] =	vst.add.f32.msk $0xffff, v0  }
0x12c: {  	[tilespmem:s20+$0xC050] =	vst.add.f32.msk $0xffff, v5  }
0x12d: {  	[tilespmem:s20+$0xC060] =	vst.add.f32.msk $0xffff, v6;
	s20 =	sshra.s32 s21, $0x2;
	s21 =	sadd.s32 $0x200, s21  }
0x12e: {  	v0 =	vld [tilespmem:s20+$0x70]  }
0x12f: {  	v1 =	vld [tilespmem:s20+$0x0]  }
0x130: {  	v2 =	vld [tilespmem:s20+$0x10]  }
0x131: {  	v3 =	vld [tilespmem:s20+$0x20]  }
0x132: {  	v4 =	vld [tilespmem:s20+$0x30]  }
0x133: {  	v63 =	vld [tilespmem:s20+$0x40]  }
0x134: {  	v5 =	vld [tilespmem:s20+$0x50]  }
0x135: {  	v6 =	vld [tilespmem:s20+$0x60]  }
0x136: {  	[tilespmem:s20+$0xC070] =	vst.add.f32.msk $0xffff, v0  }
0x137: {  	[tilespmem:s20+$0xC000] =	vst.add.f32.msk $0xffff, v1  }
0x138: {  	[tilespmem:s20+$0xC010] =	vst.add.f32.msk $0xffff, v2  }
0x139: {  	[tilespmem:s20+$0xC020] =	vst.add.f32.msk $0xffff, v3  }
0x13a: {  	[tilespmem:s20+$0xC030] =	vst.add.f32.msk $0xffff, v4  }
0x13b: {  	[tilespmem:s20+$0xC040] =	vst.add.f32.msk $0xffff, v63  }
0x13c: {  	[tilespmem:s20+$0xC050] =	vst.add.f32.msk $0xffff, v5  }
0x13d: {  	s17 =	sadd.s32 s5, s17;
	[tilespmem:s20+$0xC060] =	vst.add.f32.msk $0xffff, v6;
	s20 =	simm.s32 $0x0  }
0x13e: {  	[hbm4b:s17+s20] =	stream.linear.scatter [tilespmem:s31], [sflag:$0x7], $0x4000, $0x38;
	[tilespmem:$0x14000] =	vst v63  }
0x13f: {  	_ =	swait.ge [sflag:s10], $0x4000  }
0x140: {  	[sflag:s10] =	ssyncset.done $0x0  }
0x141: {  	[sflag:s10] =	ssyncadd.s32 $0xFFFFC000  }
0x142: {  	_ =	swait.ge [sflag:s12], $0x4000  }
0x143: {  	s21 =	sadd.s32 $0x100000, s19;
	[sflag:s12] =	ssyncset.done $0x0  }
0x144: {  	s19 =	simm.s32 $0x200;
	s17 =	simm.s32 $0x0;
	[sflag:s12] =	ssyncadd.s32 $0xFFFFC000  }
0x145: {  	[tilespmem:s28], [sflag:$0x2] =	stream.linear.gather [hbm4b:s21+s20], $0x4000, $0x38;
	[tilespmem:$0x14000] =	vst v63  }
.LBB2_17:
0x146: {  	p0 =	sne.s32 s19, $0xFE00;
	v0 =	vld [tilespmem:s17+$0x70]  }
0x147: {  	v1 =	vld [tilespmem:s17+$0x0]  }
0x148: {  	v2 =	vld [tilespmem:s17+$0x10]  }
0x149: {  	v3 =	vld [tilespmem:s17+$0x20]  }
0x14a: {  	v4 =	vld [tilespmem:s17+$0x30]  }
0x14b: {  	[tilespmem:s17+$0x10070] =	vst.add.f32.msk $0xffff, v0  }
0x14c: {  	v0 =	vld [tilespmem:s17+$0x40]  }
0x14d: {  	v5 =	vld [tilespmem:s17+$0x50]  }
0x14e: {  	v6 =	vld [tilespmem:s17+$0x60]  }
0x14f: {  	[tilespmem:s17+$0x10000] =	vst.add.f32.msk $0xffff, v1  }
0x150: {  	[tilespmem:s17+$0x10010] =	vst.add.f32.msk $0xffff, v2  }
.Ltmp7:
0x151: {  	[tilespmem:s17+$0x10020] =	vst.add.f32.msk $0xffff, v3;
	(pc) =	sbr.rel @p0 .LBB2_17-.Ltmp7, $4  }
0x152: {  	[tilespmem:s17+$0x10030] =	vst.add.f32.msk $0xffff, v4  }
0x153: {  	[tilespmem:s17+$0x10040] =	vst.add.f32.msk $0xffff, v0  }
0x154: {  	[tilespmem:s17+$0x10050] =	vst.add.f32.msk $0xffff, v5  }
0x155: {  	[tilespmem:s17+$0x10060] =	vst.add.f32.msk $0xffff, v6;
	s17 =	sshra.s32 s19, $0x2;
	s19 =	sadd.s32 $0x200, s19  }
0x156: {  	v0 =	vld [tilespmem:s17+$0x70]  }
0x157: {  	v1 =	vld [tilespmem:s17+$0x0]  }
0x158: {  	v2 =	vld [tilespmem:s17+$0x10]  }
0x159: {  	v3 =	vld [tilespmem:s17+$0x20]  }
0x15a: {  	v4 =	vld [tilespmem:s17+$0x30]  }
0x15b: {  	v63 =	vld [tilespmem:s17+$0x40]  }
0x15c: {  	v5 =	vld [tilespmem:s17+$0x50]  }
0x15d: {  	v6 =	vld [tilespmem:s17+$0x60]  }
0x15e: {  	[tilespmem:s17+$0x10070] =	vst.add.f32.msk $0xffff, v0  }
0x15f: {  	[tilespmem:s17+$0x10000] =	vst.add.f32.msk $0xffff, v1  }
0x160: {  	[tilespmem:s17+$0x10010] =	vst.add.f32.msk $0xffff, v2  }
0x161: {  	p0 =	sne.s32 s16, $0xF;
	[tilespmem:s17+$0x10020] =	vst.add.f32.msk $0xffff, v3  }
.Ltmp8:
0x162: {  	[tilespmem:s17+$0x10030] =	vst.add.f32.msk $0xffff, v4;
	(pc) =	sbr.rel @p0 .LBB2_10-.Ltmp8, $4  }
0x163: {  	[tilespmem:s17+$0x10040] =	vst.add.f32.msk $0xffff, v63  }
0x164: {  	[tilespmem:s17+$0x10050] =	vst.add.f32.msk $0xffff, v5  }
0x165: {  	s21 =	sadd.s32 s5, s18;
	[tilespmem:s17+$0x10060] =	vst.add.f32.msk $0xffff, v6  }
0x166: {  	[hbm4b:s21+s3] =	stream.linear.scatter [tilespmem:s2], [sflag:$0x8], $0x4000, $0x38;
	[tilespmem:$0x14000] =	vst v63  }
0x167: {  	s16 =	simm.s32 $0x0;
	s17 =	rddreg [dreg:$0xc]  }
0x168: {  	[tilespmem:s16], [sflag:$0x9] =	stream.linear.gather [hbm4b:s17+s16], $0x4000, $0x38;
	[tilespmem:$0x14000] =	vst v63  }
0x169: {  	_ =	swait.ge [sflag:s29], $0x4000  }
0x16a: {  	[sflag:s29] =	ssyncset.done $0x0  }
0x16b: {  	[sflag:s29] =	ssyncadd.s32 $0xFFFFC000  }
0x16c: {  	_ =	swait.ge [sflag:s30], $0x4000  }
0x16d: {  	[sflag:s30] =	ssyncset.done $0x0  }
0x16e: {  	[sflag:s30] =	ssyncadd.s32 $0xFFFFC000  }
0x16f: {  	_ =	swait.ge [sflag:s13], $0x4000  }
0x170: {  	[sflag:s13] =	ssyncset.done $0x0  }
0x171: {  	s21 =	rddreg [dreg:$0xd];
	[sflag:s13] =	ssyncadd.s32 $0xFFFFC000  }
0x172: {  	[tilespmem:s31], [sflag:$0x3] =	stream.linear.gather [hbm4b:s21+s16], $0x4000, $0x38;
	[tilespmem:$0x14000] =	vst v63  }
0x173: {  	s17 =	simm.s32 $0x200;
	s16 =	simm.s32 $0x0  }
.LBB2_20:
0x174: {  	p0 =	sne.s32 s17, $0xFE00;
	v0 =	vld [tilespmem:s16+$0x70]  }
0x175: {  	v1 =	vld [tilespmem:s16+$0x0]  }
0x176: {  	v2 =	vld [tilespmem:s16+$0x10]  }
0x177: {  	v3 =	vld [tilespmem:s16+$0x20]  }
0x178: {  	v4 =	vld [tilespmem:s16+$0x30]  }
0x179: {  	[tilespmem:s16+$0x4070] =	vst.add.f32.msk $0xffff, v0  }
0x17a: {  	v0 =	vld [tilespmem:s16+$0x40]  }
0x17b: {  	v5 =	vld [tilespmem:s16+$0x50]  }
0x17c: {  	v6 =	vld [tilespmem:s16+$0x60]  }
0x17d: {  	[tilespmem:s16+$0x4000] =	vst.add.f32.msk $0xffff, v1  }
0x17e: {  	[tilespmem:s16+$0x4010] =	vst.add.f32.msk $0xffff, v2  }
.Ltmp9:
0x17f: {  	[tilespmem:s16+$0x4020] =	vst.add.f32.msk $0xffff, v3;
	(pc) =	sbr.rel @p0 .LBB2_20-.Ltmp9, $4  }
0x180: {  	[tilespmem:s16+$0x4030] =	vst.add.f32.msk $0xffff, v4  }
0x181: {  	[tilespmem:s16+$0x4040] =	vst.add.f32.msk $0xffff, v0  }
0x182: {  	[tilespmem:s16+$0x4050] =	vst.add.f32.msk $0xffff, v5  }
0x183: {  	[tilespmem:s16+$0x4060] =	vst.add.f32.msk $0xffff, v6;
	s16 =	sshra.s32 s17, $0x2;
	s17 =	sadd.s32 $0x200, s17  }
0x184: {  	v0 =	vld [tilespmem:s16+$0x70]  }
0x185: {  	v1 =	vld [tilespmem:s16+$0x0]  }
0x186: {  	v2 =	vld [tilespmem:s16+$0x10]  }
0x187: {  	v3 =	vld [tilespmem:s16+$0x20]  }
0x188: {  	v4 =	vld [tilespmem:s16+$0x30]  }
0x189: {  	v63 =	vld [tilespmem:s16+$0x40]  }
0x18a: {  	v5 =	vld [tilespmem:s16+$0x50]  }
0x18b: {  	v6 =	vld [tilespmem:s16+$0x60]  }
0x18c: {  	[tilespmem:s16+$0x4070] =	vst.add.f32.msk $0xffff, v0  }
0x18d: {  	[tilespmem:s16+$0x4000] =	vst.add.f32.msk $0xffff, v1  }
0x18e: {  	[tilespmem:s16+$0x4010] =	vst.add.f32.msk $0xffff, v2  }
0x18f: {  	[tilespmem:s16+$0x4020] =	vst.add.f32.msk $0xffff, v3  }
0x190: {  	[tilespmem:s16+$0x4030] =	vst.add.f32.msk $0xffff, v4  }
0x191: {  	[tilespmem:s16+$0x4040] =	vst.add.f32.msk $0xffff, v63  }
0x192: {  	[tilespmem:s16+$0x4050] =	vst.add.f32.msk $0xffff, v5  }
0x193: {  	s20 =	simm.s32 $0x0;
	s17 =	rddreg [dreg:$0xe];
	[tilespmem:s16+$0x4060] =	vst.add.f32.msk $0xffff, v6  }
0x194: {  	[hbm4b:s17+s20] =	stream.linear.scatter [tilespmem:s26], [sflag:$0x5], $0x4000, $0x38;
	[tilespmem:$0x14000] =	vst v63  }
0x195: {  	_ =	swait.ge [sflag:s0], $0x4000  }
0x196: {  	[sflag:s0] =	ssyncset.done $0x0  }
0x197: {  	[sflag:s0] =	ssyncadd.s32 $0xFFFFC000  }
0x198: {  	_ =	swait.ge [sflag:s14], $0x4000  }
0x199: {  	s16 =	simm.s32 $0x0;
	[sflag:s14] =	ssyncset.done $0x0  }
0x19a: {  	s17 =	simm.s32 $0x200;
	s21 =	rddreg [dreg:$0xf];
	[sflag:s14] =	ssyncadd.s32 $0xFFFFC000  }
0x19b: {  	[tilespmem:s2], [sflag:$0x4] =	stream.linear.gather [hbm4b:s21+s20], $0x4000, $0x38;
	[tilespmem:$0x14000] =	vst v63  }
.LBB2_22:
0x19c: {  	p0 =	sne.s32 s17, $0xFE00;
	v0 =	vld [tilespmem:s16+$0x70]  }
0x19d: {  	v1 =	vld [tilespmem:s16+$0x0]  }
0x19e: {  	v2 =	vld [tilespmem:s16+$0x10]  }
0x19f: {  	v3 =	vld [tilespmem:s16+$0x20]  }
0x1a0: {  	v4 =	vld [tilespmem:s16+$0x30]  }
0x1a1: {  	[tilespmem:s16+$0x8070] =	vst.add.f32.msk $0xffff, v0  }
0x1a2: {  	v0 =	vld [tilespmem:s16+$0x40]  }
0x1a3: {  	v5 =	vld [tilespmem:s16+$0x50]  }
0x1a4: {  	v6 =	vld [tilespmem:s16+$0x60]  }
0x1a5: {  	[tilespmem:s16+$0x8000] =	vst.add.f32.msk $0xffff, v1  }
0x1a6: {  	[tilespmem:s16+$0x8010] =	vst.add.f32.msk $0xffff, v2  }
.Ltmp10:
0x1a7: {  	[tilespmem:s16+$0x8020] =	vst.add.f32.msk $0xffff, v3;
	(pc) =	sbr.rel @p0 .LBB2_22-.Ltmp10, $4  }
0x1a8: {  	[tilespmem:s16+$0x8030] =	vst.add.f32.msk $0xffff, v4  }
0x1a9: {  	[tilespmem:s16+$0x8040] =	vst.add.f32.msk $0xffff, v0  }
0x1aa: {  	[tilespmem:s16+$0x8050] =	vst.add.f32.msk $0xffff, v5  }
0x1ab: {  	[tilespmem:s16+$0x8060] =	vst.add.f32.msk $0xffff, v6;
	s16 =	sshra.s32 s17, $0x2;
	s17 =	sadd.s32 $0x200, s17  }
0x1ac: {  	v0 =	vld [tilespmem:s16+$0x70]  }
0x1ad: {  	v1 =	vld [tilespmem:s16+$0x0]  }
0x1ae: {  	v2 =	vld [tilespmem:s16+$0x10]  }
0x1af: {  	v3 =	vld [tilespmem:s16+$0x20]  }
0x1b0: {  	v4 =	vld [tilespmem:s16+$0x30]  }
0x1b1: {  	v63 =	vld [tilespmem:s16+$0x40]  }
0x1b2: {  	v5 =	vld [tilespmem:s16+$0x50]  }
0x1b3: {  	v6 =	vld [tilespmem:s16+$0x60]  }
0x1b4: {  	[tilespmem:s16+$0x8070] =	vst.add.f32.msk $0xffff, v0  }
0x1b5: {  	[tilespmem:s16+$0x8000] =	vst.add.f32.msk $0xffff, v1  }
0x1b6: {  	[tilespmem:s16+$0x8010] =	vst.add.f32.msk $0xffff, v2  }
0x1b7: {  	[tilespmem:s16+$0x8020] =	vst.add.f32.msk $0xffff, v3  }
0x1b8: {  	[tilespmem:s16+$0x8030] =	vst.add.f32.msk $0xffff, v4  }
0x1b9: {  	[tilespmem:s16+$0x8040] =	vst.add.f32.msk $0xffff, v63  }
0x1ba: {  	[tilespmem:s16+$0x8050] =	vst.add.f32.msk $0xffff, v5  }
0x1bb: {  	s21 =	simm.s32 $0x0;
	[tilespmem:s16+$0x8060] =	vst.add.f32.msk $0xffff, v6  }
0x1bc: {  	[hbm4b:s22+s21] =	stream.linear.scatter [tilespmem:s28], [sflag:$0x6], $0x4000, $0x38;
	[tilespmem:$0x14000] =	vst v63  }
0x1bd: {  	_ =	swait.ge [sflag:s8], $0x4000  }
0x1be: {  	[sflag:s8] =	ssyncset.done $0x0  }
0x1bf: {  	[sflag:s8] =	ssyncadd.s32 $0xFFFFC000  }
0x1c0: {  	_ =	swait.ge [sflag:s9], $0x4000  }
0x1c1: {  	[sflag:s9] =	ssyncset.done $0x0  }
0x1c2: {  	s17 =	simm.s32 $0x200;
	s16 =	simm.s32 $0x0;
	[sflag:s9] =	ssyncadd.s32 $0xFFFFC000  }
.LBB2_24:
0x1c3: {  	p0 =	sne.s32 s17, $0xFE00;
	v0 =	vld [tilespmem:s16+$0x70]  }
0x1c4: {  	v1 =	vld [tilespmem:s16+$0x0]  }
0x1c5: {  	v2 =	vld [tilespmem:s16+$0x10]  }
0x1c6: {  	v3 =	vld [tilespmem:s16+$0x20]  }
0x1c7: {  	v4 =	vld [tilespmem:s16+$0x30]  }
0x1c8: {  	[tilespmem:s16+$0xC070] =	vst.add.f32.msk $0xffff, v0  }
0x1c9: {  	v0 =	vld [tilespmem:s16+$0x40]  }
0x1ca: {  	v5 =	vld [tilespmem:s16+$0x50]  }
0x1cb: {  	v6 =	vld [tilespmem:s16+$0x60]  }
0x1cc: {  	[tilespmem:s16+$0xC000] =	vst.add.f32.msk $0xffff, v1  }
0x1cd: {  	[tilespmem:s16+$0xC010] =	vst.add.f32.msk $0xffff, v2  }
.Ltmp11:
0x1ce: {  	[tilespmem:s16+$0xC020] =	vst.add.f32.msk $0xffff, v3;
	(pc) =	sbr.rel @p0 .LBB2_24-.Ltmp11, $4  }
0x1cf: {  	[tilespmem:s16+$0xC030] =	vst.add.f32.msk $0xffff, v4  }
0x1d0: {  	[tilespmem:s16+$0xC040] =	vst.add.f32.msk $0xffff, v0  }
0x1d1: {  	[tilespmem:s16+$0xC050] =	vst.add.f32.msk $0xffff, v5  }
0x1d2: {  	[tilespmem:s16+$0xC060] =	vst.add.f32.msk $0xffff, v6;
	s16 =	sshra.s32 s17, $0x2;
	s17 =	sadd.s32 $0x200, s17  }
0x1d3: {  	v0 =	vld [tilespmem:s16+$0x70]  }
0x1d4: {  	v1 =	vld [tilespmem:s16+$0x0]  }
0x1d5: {  	v2 =	vld [tilespmem:s16+$0x10]  }
0x1d6: {  	v3 =	vld [tilespmem:s16+$0x20]  }
0x1d7: {  	v4 =	vld [tilespmem:s16+$0x30]  }
0x1d8: {  	v63 =	vld [tilespmem:s16+$0x40]  }
0x1d9: {  	v5 =	vld [tilespmem:s16+$0x50]  }
0x1da: {  	v6 =	vld [tilespmem:s16+$0x60]  }
0x1db: {  	[tilespmem:s16+$0xC070] =	vst.add.f32.msk $0xffff, v0  }
0x1dc: {  	[tilespmem:s16+$0xC000] =	vst.add.f32.msk $0xffff, v1  }
0x1dd: {  	[tilespmem:s16+$0xC010] =	vst.add.f32.msk $0xffff, v2  }
0x1de: {  	[tilespmem:s16+$0xC020] =	vst.add.f32.msk $0xffff, v3  }
0x1df: {  	[tilespmem:s16+$0xC030] =	vst.add.f32.msk $0xffff, v4  }
0x1e0: {  	[tilespmem:s16+$0xC040] =	vst.add.f32.msk $0xffff, v63  }
0x1e1: {  	[tilespmem:s16+$0xC050] =	vst.add.f32.msk $0xffff, v5  }
0x1e2: {  	s21 =	simm.s32 $0x0;
	[tilespmem:s16+$0xC060] =	vst.add.f32.msk $0xffff, v6  }
0x1e3: {  	[hbm4b:s23+s21] =	stream.linear.scatter [tilespmem:s31], [sflag:$0x7], $0x4000, $0x38;
	[tilespmem:$0x14000] =	vst v63  }
0x1e4: {  	_ =	swait.ge [sflag:s10], $0x4000  }
0x1e5: {  	[sflag:s10] =	ssyncset.done $0x0  }
0x1e6: {  	[sflag:s10] =	ssyncadd.s32 $0xFFFFC000  }
0x1e7: {  	_ =	swait.ge [sflag:s12], $0x4000  }
0x1e8: {  	[sflag:s12] =	ssyncset.done $0x0  }
0x1e9: {  	s17 =	simm.s32 $0x200;
	s16 =	simm.s32 $0x0;
	[sflag:s12] =	ssyncadd.s32 $0xFFFFC000  }
.LBB2_26:
0x1ea: {  	p0 =	sne.s32 s17, $0xFE00;
	v0 =	vld [tilespmem:s16+$0x70]  }
0x1eb: {  	v1 =	vld [tilespmem:s16+$0x0]  }
0x1ec: {  	v2 =	vld [tilespmem:s16+$0x10]  }
0x1ed: {  	v3 =	vld [tilespmem:s16+$0x20]  }
0x1ee: {  	v4 =	vld [tilespmem:s16+$0x30]  }
0x1ef: {  	[tilespmem:s16+$0x10070] =	vst.add.f32.msk $0xffff, v0  }
0x1f0: {  	v0 =	vld [tilespmem:s16+$0x40]  }
0x1f1: {  	v5 =	vld [tilespmem:s16+$0x50]  }
0x1f2: {  	v6 =	vld [tilespmem:s16+$0x60]  }
0x1f3: {  	[tilespmem:s16+$0x10000] =	vst.add.f32.msk $0xffff, v1  }
0x1f4: {  	[tilespmem:s16+$0x10010] =	vst.add.f32.msk $0xffff, v2  }
.Ltmp12:
0x1f5: {  	[tilespmem:s16+$0x10020] =	vst.add.f32.msk $0xffff, v3;
	(pc) =	sbr.rel @p0 .LBB2_26-.Ltmp12, $4  }
0x1f6: {  	[tilespmem:s16+$0x10030] =	vst.add.f32.msk $0xffff, v4  }
0x1f7: {  	[tilespmem:s16+$0x10040] =	vst.add.f32.msk $0xffff, v0  }
0x1f8: {  	[tilespmem:s16+$0x10050] =	vst.add.f32.msk $0xffff, v5  }
0x1f9: {  	[tilespmem:s16+$0x10060] =	vst.add.f32.msk $0xffff, v6;
	s16 =	sshra.s32 s17, $0x2;
	s17 =	sadd.s32 $0x200, s17  }
0x1fa: {  	v0 =	vld [tilespmem:s16+$0x70]  }
0x1fb: {  	v1 =	vld [tilespmem:s16+$0x0]  }
0x1fc: {  	v2 =	vld [tilespmem:s16+$0x10]  }
0x1fd: {  	v3 =	vld [tilespmem:s16+$0x20]  }
0x1fe: {  	v4 =	vld [tilespmem:s16+$0x30]  }
0x1ff: {  	v63 =	vld [tilespmem:s16+$0x40]  }
0x200: {  	v5 =	vld [tilespmem:s16+$0x50]  }
0x201: {  	v6 =	vld [tilespmem:s16+$0x60]  }
0x202: {  	[tilespmem:s16+$0x10070] =	vst.add.f32.msk $0xffff, v0  }
0x203: {  	[tilespmem:s16+$0x10000] =	vst.add.f32.msk $0xffff, v1  }
0x204: {  	[tilespmem:s16+$0x10010] =	vst.add.f32.msk $0xffff, v2  }
0x205: {  	[tilespmem:s16+$0x10020] =	vst.add.f32.msk $0xffff, v3  }
0x206: {  	[tilespmem:s16+$0x10030] =	vst.add.f32.msk $0xffff, v4  }
0x207: {  	[tilespmem:s16+$0x10040] =	vst.add.f32.msk $0xffff, v63  }
0x208: {  	[tilespmem:s16+$0x10050] =	vst.add.f32.msk $0xffff, v5  }
0x209: {  	s15 =	sadd.s32 $0x1, s15;
	[tilespmem:s16+$0x10060] =	vst.add.f32.msk $0xffff, v6  }
0x20a: {  	[hbm4b:s24+s3] =	stream.linear.scatter [tilespmem:s2], [sflag:$0x8], $0x4000, $0x38;
	[tilespmem:$0x14000] =	vst v63  }
0x20b: {  	p0 =	sne.s32 s15, s25;
	_ =	swait.ge [sflag:s13], $0x4000  }
.Ltmp13:
0x20c: {  	[sflag:s13] =	ssyncset.done $0x0;
	(pc) =	sbr.rel @p0 .LBB2_1-.Ltmp13, $4  }
0x20d: {  	[sflag:s13] =	ssyncadd.s32 $0xFFFFC000  }
0x20e: {  	_ =	swait.ge [sflag:s14], $0x4000  }
0x20f: {  	[sflag:s14] =	ssyncset.done $0x0  }
0x210: {  	[sflag:s14] =	ssyncadd.s32 $0xFFFFC000  }
0x211: {  	_ =	sfence.sel $0x180000  }
0x212: {  	[bflag:$0x0] =	sbarrier.arrive $0xFFFF  }
0x213: {  	_ =	strace $0x9000004D  }
0x214: {  	s0 =	stileid.u32;
	[bflag:$0x2] =	sbarrier.arrive $0xFFFF  }
0x215: {  	p0 =	sne.s32 s0, $0x0;
	s0 =	rddreg [dreg:$0x2]  }
0x216: {  	s0 =	sadd.s32 @!p0 $0x100000, s0  }
0x217: {  	[sflag:s0] =	ssyncadd.tile.s32 @!p0 $0x1;
	_ =	shalt  }
.Lfunc_end2:
_tile_overlayer_lowered:
.L_overlay_start_2:
0x218: {  	(tag) =	ssettag $0x2  }
0x219: {  	s0 =	rddreg [dreg:$0x0];
	s2 =	stileid.u32  }
0x21a: {  	s1 =	rddreg [dreg:$0x1];
	p0 =	sne.s32 s2, $0x0  }
0x21b: {  	s3 =	rddreg [dreg:$0x2];
	[bflag:$0x3] =	sbarrier.arrive $0xFFFF;
	s2 =	simm.s32 @!p0 $0x1C09  }
0x21c: {  	[timem:s3], [sflag:s2] =	dma.local @!p0 [hbm:s0], s1  }
0x21d: {  	s0 =	simm.s32 @!p0 $0x9  }
0x21e: {  	_ =	swait.ge @!p0 [sflag:s0], s1  }
0x21f: {  	s1 =	ssub.s32 @!p0 $0x0, s1;
	[sflag:s0] =	ssyncset.done @!p0 $0x0  }
0x220: {  	[sflag:s0] =	ssyncadd.s32 @!p0 s1  }
0x221: {  	[bflag:$0x3] =	sbarrier.arrive $0xFFFF  }
0x222: {  	_ =	shalt  }

// kernel: sparse-core-data-format-call.1.cloned.1.call-start
scs
called_computation.1_lowered:
.L_overlay_start_0:
0x0: {  	s2 =	sld [smem:$0x3FD9]  }
0x1: {  	s3 =	sld [smem:$0x3FFE];
	_ =	sdelay $0x1  }
0x2: {  	s1 =	srdreg.scid  }
0x3: {  	s0 =	sand.u32 $0x1, s1  }
0x4: {  	s19 =	sshll.u32 s0, $0xA;
	s2 =	sadd.s32 s3, s2  }
0x5: {  	s2 =	sadd.s32 s2, s19  }
0x6: {  	[smem:$0x3FC6] =	sst s2  }
0x7: {  	_ = 	snop  }
0x8: {  	s20 =	sld [smem:$0x3FC9]  }
0x9: {  	s4 =	sld [smem:$0x3FD0];
	(tm) =	ssettm $0x1  }
0xa: {  	s21 =	sld [smem:$0x3FFB];
	_ =	sdelay $0x3  }
0xb: {  	_ =	strace s21  }
0xc: {  	s2 =	sld [smem:$0x3FFC];
	_ =	sdelay $0x3  }
0xd: {  	_ =	strace s2  }
0xe: {  	s2 =	sld [smem:$0x3FFD];
	_ =	sdelay $0x3  }
0xf: {  	_ =	strace s2  }
0x10: {  	_ =	strace $0x8FFFFFFF  }
0x11: {  	s22 =	sld [smem:$0x3FDB];
	_ =	sdelay $0x1  }
0x12: {  	s5 =	simm.s32 $_scs_section_size  }
0x13: {  	s6 =	simm.s32 $_size__tile_overlayer_lowered;
	s7 =	simm.s32 $_tile_overlayer_lowered  }
0x14: {  	s8 =	simm.s32 $0x1BFF;
	s23 =	sshll.u32 s7, $0x1;
	s5 =	sadd.s32 s5, s22  }
0x15: {  	s24 =	simm.s32 $0x0;
	s6 =	sshll.u32 s6, $0x1;
	s7 =	sadd.s32 s23, s5  }
0x16: {  	[timem:s24], [sflag:s8] =	dma.local [hbm:s7], s6  }
0x17: {  	_ =	swait.ge [sflag:s8], s6  }
0x18: {  	s6 =	ssub.s32 $0x0, s6;
	[sflag:s8] =	ssyncset.done $0x0  }
0x19: {  	[sflag:s8] =	ssyncadd.s32 s6;
	_ =	sdelay $0x1  }
0x1a: {  	s25 =	simm.s32 $0x1B8B  }
0x1b: {  	_ =	swait.ge [sflag:s25], $0x1  }
0x1c: {  	[sflag:s25] =	ssyncset.done $0x0  }
0x1d: {  	[sflag:s25] =	ssyncadd.s32 $0xFFFFFFFF  }
0x1e: {  	s6 =	sld [smem:$0x0]  }
0x1f: {  	s7 =	sand.u32 $0xFFFFFFFE, s1  }
0x20: {  	p0 =	sne.s32 s1, s7  }
0x21: {  	s7 =	sshll.u32 @p0 s7, $0xE  }
0x22: {  	s7 =	sadd.s32 @p0 $0x11B8D, s7;
	s8 =	sshll.u32 @p0 s6, $0x11  }
0x23: {  	s7 =	sor.u32 @p0 s8, s7  }
0x24: {  	[sflag:s7] =	ssyncadd.remote.s32 @p0 $0x1;
	_ =	sdelay $0x1  }
0x25: {  	s7 =	simm.s32 @p0 $0x1B8D  }
0x26: {  	_ =	swait.eq @p0 [sflag:s7], $0x1  }
0x27: {  	[sflag:s7] =	ssyncadd.s32 @p0 $0xFFFFFFFF  }
0x28: {  	s8 =	sshll.u32 @!p0 s1, $0xE  }
0x29: {  	s8 =	sor.u32 @!p0 $0x4000, s8;
	s7 =	simm.s32 @!p0 $0x1B8D  }
0x2a: {  	s6 =	sshll.u32 @!p0 s6, $0x11;
	s8 =	sadd.s32 @!p0 $0x11B8D, s8;
	_ =	swait.eq @!p0 [sflag:s7], $0x1  }
0x2b: {  	s6 =	sor.u32 @!p0 s6, s8;
	[sflag:s7] =	ssyncadd.s32 @!p0 $0xFFFFFFFF  }
0x2c: {  	s26 =	simm.s32 $0x1B8E;
	[sflag:s6] =	ssyncadd.remote.s32 @!p0 $0x1  }
0x2d: {  	s27 =	simm.s32 $execute0_lowered;
	[smem:$0x3FD2] =	sst s26  }
0x2e: {  	s6 =	sshll.u32 s27, $0x1;
	_ =	strace $0x80000049;
	[dreg:$0x1] =	wrdreg $0xFFFFFFFF  }
0x2f: {  	s28 =	simm.s32 $_size_execute0_lowered;
	s5 =	sadd.s32 s5, s6;
	[dreg:$0x0] =	wrdreg $0x0  }
0x30: {  	s6 =	sshll.u32 s28, $0x1;
	[dreg:$0x2] =	wrdreg s5  }
0x31: {  	[dreg:$0x3] =	wrdreg s6  }
0x32: {  	[dreg:$0x4] =	wrdreg $0xC0  }
0x33: {  	_ =	task [dreg:s24], $0x5FFFF  }
0x34: {  	[dreg:$0x1] =	wrdreg $0xFFFFFFFF  }
0x35: {  	[dreg:$0x0] =	wrdreg $0x60  }
0x36: {  	[dreg:$0x2] =	wrdreg s20  }
0x37: {  	[dreg:$0x3] =	wrdreg s4  }
0x38: {  	[dreg:$0x4] =	wrdreg $0xA  }
0x39: {  	_ =	task.clear_ibuf [dreg:s24], $0x5FFFF;
	_ =	strace $0x90000049  }
0x3a: {  	s29 =	simm.s32 $0xA;
	_ =	strace $0x8000004B  }
0x3b: {  	_ =	swait.ge [sflag:s29], $0x1  }
0x3c: {  	[sflag:s29] =	ssyncadd.s32 $0xFFFFFFFF  }
0x3d: {  	_ =	strace $0x9000004B  }
0x3e: {  	_ =	sfence  }
0x3f: {  	s30 =	sld [smem:$0x0];
	_ =	sdelay $0x2  }
0x40: {  	s31 =	sshll.u32 s1, $0xD;
	s1 =	sshrl.u32 s1, $0x2  }
0x41: {  	s4 =	sand.u32 $0x4000, s31;
	s1 =	sadd.s32 s1, s30  }
0x42: {  	s0 =	sor.u32 s4, s0;
	s1 =	sshll.u32 s1, $0x11  }
0x43: {  	s0 =	sor.u32 s1, s0  }
0x44: {  	s0 =	sadd.s32 $0x8F2B, s0  }
0x45: {  	[sflag:s0] =	ssyncadd.remote.s32 $0x1  }
0x46: {  	_ =	sfence.sel $0xFFFF  }
0x47: {  	[dreg:$0x0] =	wrdreg $0xFFFFFFFF;
	(pc) =	sbr.abs _section_cstart, $3  }
0x48: {  	[dreg:$0x1] =	wrdreg $0xFFFFFFFF  }
0x49: {  	_ =	task.clear_ibuf [dreg:s24], $0x2FFFF;
	_ =	strace $0x9FFFFFFF  }
0x4a: {  	(tm) =	ssettm $0x7FFFFFFF  }
0x4b: {  	_ =	shalt  }
tec
execute0_lowered:
.L_overlay_start_1:
0x0: {  	(tag) =	ssettag $0x1  }
0x1: {  	s0 =	srdreg.scid  }
0x2: {  	s1 =	sshll.u32 s0, $0x4  }
0x3: {  	s2 =	rddreg [dreg:$0x0];
	s0 =	stileid.u32;
	s1 =	sand.u32 $0x10, s1  }
0x4: {  	s4 =	rddreg [dreg:$0x1];
	s1 =	sor.u32 s0, s1  }
0x5: {  	s7 =	simm.s32 $0x1;
	s8 =	simm.s32 $0x2;
	s3 =	sshll.u32 s1, $0x1  }
0x6: {  	s9 =	simm.s32 $0x0;
	s12 =	simm.s32 $0x0;
	s6 =	ssub.s32 $0x1000, s3  }
.Ltmp0:
0x7: {  	s11 =	simm.s32 $0x0;
	s5 =	sand.u32 $0x3E, s6;
	(pc) =	sbr.rel .LBB1_1-.Ltmp0, $4  }
0x8: {  	s1 =	rddreg [dreg:$0x2];
	_ =	strace $0x8000004A;
	p0 =	sne.s32 s5, $0x0  }
0x9: {  	s6 =	sshrl.u32 s6, $0x6;
	s5 =	simm.s32 $0x1;
	s7 =	simm.s32 @!p0 $0x0  }
0xa: {  	s10 =	smov.u32 s3;
	[sflag:s5] =	ssyncpa.u1 $0x0;
	s6 =	sadd.s32 s7, s6  }
0xb: {  	[sflag:s8] =	ssyncpa.u1 $0x0;
	s8 =	simm.s32 $0x0;
	s7 =	sadd.s32 $0x1, s6  }
.LBB1_9:
0xc: {  	s14 =	sadd.s32 $0x40, s10  }
0xd: {  	p1 =	sgt.s32 s14, $0xFFF  }
0xe: {  	s14 =	smov.u32 @p1 s3;
	p1 =	sne.s32 s11, s7  }
.Ltmp1:
0xf: {  	p0 =	slt.u32 s11, $0x2;
	(pc) =	sbr.rel @!p1 .LBB1_10-.Ltmp1, $4  }
0x10: {  	s13 =	simm.s32 @!p0 $0x2  }
0x11: {  	s15 =	sadd.s32 $0x1, s11;
	_ =	swait.ge @!p0 [sflag:s13], $0x4000  }
0x12: {  	s12 =	smov.u32 s10;
	s9 =	sadd.s32 $0x4000, s9;
	[sflag:s13] =	ssyncset.done @!p0 $0x0  }
0x13: {  	s11 =	smov.u32 s15;
	s10 =	smov.u32 s14;
	[sflag:s13] =	ssyncadd.s32 @!p0 $0xFFFFC000  }
.LBB1_1:
0x14: {  	p0 =	sge.u32 s11, s6  }
0x15: {  	s13 =	sxor.u32 @!p0 $0xFFFFFFFF, s11  }
0x16: {  	s31 =	sadd.s32 $0xFFFFFFFF, s11;
	s14 =	sshll.u32 @!p0 s10, $0xA;
	s13 =	sshll.u32 @!p0 s13, $0xE  }
0x17: {  	s15 =	simm.s32 @!p0 $0x0;
	s14 =	sadd.s32 @!p0 s2, s14;
	s13 =	sand.u32 @!p0 $0x4000, s13  }
0x18: {  	[tilespmem:s13], [sflag:$0x1] =	stream.linear.gather @!p0 [hbm4b:s14+s15], $0x4000, $0x38;
	[tilespmem:$0x10000] =	vst v63  }
0x19: {  	p0 =	sge.u32 s31, s6  }
.Ltmp2:
0x1a: {  	_ = 	snop;
	(pc) =	sbr.rel @p0 .LBB1_9-.Ltmp2, $1  }
0x1b: {  	_ =	sdelay $0x3  }
0x1c: {  	s13 =	sshll.u32 s9, $0x2  }
0x1d: {  	_ =	swait.ge [sflag:s5], $0x4000;
	s14 =	sshll.u32 s11, $0xE;
	s16 =	simm.s32 $0x0  }
0x1e: {  	p1 =	por $0x1, $0x1;
	s13 =	sand.u32 $0x10000, s13;
	[sflag:s5] =	ssyncset.done $0x0  }
0x1f: {  	s14 =	sand.u32 $0x4000, s14;
	s15 =	sshrl.u32 s13, $0x2;
	[sflag:s5] =	ssyncadd.s32 $0xFFFFC000  }
0x20: {  	s13 =	sor.u32 $0x8000, s14;
	s14 =	sadd.s32 $0x8040, s15;
	s15 =	sadd.s32 $0x40, s15  }
.LBB1_3:
0x21: {  	s16 =	sshll.u32 s16, $0x2  }
0x22: {  	p0 =	por p1, p1;
	s17 =	sshra.s32 s16, $0x2  }
0x23: {  	s18 =	simm.s32 $0x0;
	s16 =	sadd.s32 s17, s14;
	s17 =	sadd.s32 s17, s15  }
.LBB1_4:
0x24: {  	v0 =	vmov s17;
	_ =	sdelay $0x3  }
0x25: {  	s20 =	simm.s32 $0x0  }
0x26: {  	v6 =	vld.idx.msk [tilespmem:v0+s20+$0x30 ss:$0x1], $0xffff  }
0x27: {  	v7 =	vld.idx.msk [tilespmem:v0+s20+$0xFFFFFFC0 ss:$0x1], $0xffff  }
0x28: {  	v5 =	vld.idx.msk [tilespmem:v0+s20+$0xFFFFFFD0 ss:$0x1], $0xffff  }
0x29: {  	v4 =	vld.idx.msk [tilespmem:v0+s20+$0xFFFFFFE0 ss:$0x1], $0xffff  }
0x2a: {  	v3 =	vld.idx.msk [tilespmem:v0+s20+$0xFFFFFFF0 ss:$0x1], $0xffff  }
0x2b: {  	v1 =	vld.idx.msk [tilespmem:v0+s20+$0x0 ss:$0x1], $0xffff  }
0x2c: {  	v2 =	vld.idx.msk [tilespmem:v0+s20+$0x10 ss:$0x1], $0xffff;
	[tilespmem:s16+$0x30] =	vst v6  }
0x2d: {  	s19 =	simm.s32 $0x80;
	s21 =	simm.s32 $0x400;
	[tilespmem:s16+$0xFFFFFFC0] =	vst v7;
	v6 =	vld.idx.msk [tilespmem:v0+s20+$0x20 ss:$0x1], $0xffff;
	s20 =	smov.u32 s16  }
.LBB1_5:
0x2e: {  	p1 =	sne.s32 s21, $0xE00;
	v7 =	vld.idx.msk [tilespmem:v0+s19+$0x30 ss:$0x1], $0xffff;
	[tilespmem:s20+$0xFFFFFFD0] =	vst v5  }
0x2f: {  	v8 =	vld.idx.msk [tilespmem:v0+s19+$0xFFFFFFC0 ss:$0x1], $0xffff;
	[tilespmem:s20+$0xFFFFFFE0] =	vst v4  }
0x30: {  	v5 =	vld.idx.msk [tilespmem:v0+s19+$0xFFFFFFD0 ss:$0x1], $0xffff;
	[tilespmem:s20+$0xFFFFFFF0] =	vst v3  }
.Ltmp3:
0x31: {  	v4 =	vld.idx.msk [tilespmem:v0+s19+$0xFFFFFFE0 ss:$0x1], $0xffff;
	[tilespmem:s20+$0x0] =	vst v1;
	(pc) =	sbr.rel @p1 .LBB1_5-.Ltmp3, $4  }
0x32: {  	v3 =	vld.idx.msk [tilespmem:v0+s19+$0xFFFFFFF0 ss:$0x1], $0xffff;
	[tilespmem:s20+$0x10] =	vst v2  }
0x33: {  	v1 =	vld.idx.msk [tilespmem:v0+s19+$0x0 ss:$0x1], $0xffff;
	[tilespmem:s20+$0x20] =	vst v6;
	s20 =	sadd.s32 $0x400, s20  }
0x34: {  	v2 =	vld.idx.msk [tilespmem:v0+s19+$0x10 ss:$0x1], $0xffff;
	[tilespmem:s20+$0x30] =	vst v7  }
0x35: {  	[tilespmem:s20+$0xFFFFFFC0] =	vst v8;
	v6 =	vld.idx.msk [tilespmem:v0+s19+$0x20 ss:$0x1], $0xffff;
	s19 =	sshra.s32 s21, $0x2;
	s21 =	sadd.s32 $0x200, s21  }
0x36: {  	_ =	sdelay $0x2  }
0x37: {  	[tilespmem:s20+$0xFFFFFFD0] =	vst v5  }
0x38: {  	v56 =	vld.idx.msk [tilespmem:v0+s19+$0x30 ss:$0x1], $0xffff;
	[tilespmem:s20+$0xFFFFFFE0] =	vst v4  }
0x39: {  	v57 =	vld.idx.msk [tilespmem:v0+s19+$0xFFFFFFC0 ss:$0x1], $0xffff;
	[tilespmem:s20+$0xFFFFFFF0] =	vst v3  }
0x3a: {  	v58 =	vld.idx.msk [tilespmem:v0+s19+$0xFFFFFFD0 ss:$0x1], $0xffff;
	[tilespmem:s20+$0x0] =	vst v1  }
0x3b: {  	v59 =	vld.idx.msk [tilespmem:v0+s19+$0xFFFFFFE0 ss:$0x1], $0xffff;
	[tilespmem:s20+$0x10] =	vst v2  }
0x3c: {  	v60 =	vld.idx.msk [tilespmem:v0+s19+$0xFFFFFFF0 ss:$0x1], $0xffff;
	s31 =	sadd.s32 $0x400, s20;
	[tilespmem:s20+$0x20] =	vst v6  }
0x3d: {  	v61 =	vld.idx.msk [tilespmem:v0+s19+$0x0 ss:$0x1], $0xffff;
	[tilespmem:s31+$0x30] =	vst v56  }
0x3e: {  	v62 =	vld.idx.msk [tilespmem:v0+s19+$0x10 ss:$0x1], $0xffff;
	s18 =	sadd.s32 $0x1, s18;
	[tilespmem:s31+$0xFFFFFFC0] =	vst v57  }
0x3f: {  	v63 =	vld.idx.msk [tilespmem:v0+s19+$0x20 ss:$0x1], $0xffff;
	p1 =	sne.s32 s18, $0x8;
	[tilespmem:s31+$0xFFFFFFD0] =	vst v58  }
.Ltmp4:
0x40: {  	[tilespmem:s31+$0xFFFFFFE0] =	vst v59;
	(pc) =	sbr.rel @p1 .LBB1_4-.Ltmp4, $4  }
0x41: {  	[tilespmem:s31+$0xFFFFFFF0] =	vst v60  }
0x42: {  	[tilespmem:s31+$0x0] =	vst v61  }
0x43: {  	[tilespmem:s31+$0x10] =	vst v62  }
0x44: {  	s16 =	sadd.s32 $0x80, s16;
	s17 =	sadd.s32 $0x400, s17;
	[tilespmem:s31+$0x20] =	vst v63  }
.Ltmp5:
0x45: {  	(pc) =	sbr.rel @p0 .LBB1_3-.Ltmp5, $2  }
0x46: {  	_ =	sdelay $0x2  }
0x47: {  	s16 =	simm.s32 $0x2000;
	p1 =	por $0x0, $0x0  }
.Ltmp6:
0x48: {  	(pc) =	sbr.rel .LBB1_9-.Ltmp6, $4  }
0x49: {  	_ = 	snop  }
0x4a: {  	s12 =	sshll.u32 s12, $0xA  }
0x4b: {  	s12 =	sadd.s32 s4, s12  }
0x4c: {  	[hbm4b:s12+s8] =	stream.linear.scatter [tilespmem:s13], [sflag:$0x2], $0x4000, $0x38;
	[tilespmem:$0x10000] =	vst v63  }
.LBB1_10:
0x4d: {  	_ =	sfence.sel $0x180000  }
0x4e: {  	s2 =	simm.s32 $0x1;
	[bflag:$0x0] =	sbarrier.arrive $0xFFFF  }
0x4f: {  	s31 =	simm.s32 $0x2;
	[sflag:s2] =	ssyncpa.u1 $0x1  }
0x50: {  	[sflag:s31] =	ssyncpa.u1 $0x1  }
0x51: {  	p0 =	sne.s32 s0, $0x0;
	_ =	strace $0x9000004A  }
0x52: {  	s0 =	sadd.s32 @!p0 $0x100000, s1;
	[bflag:$0x2] =	sbarrier.arrive $0xFFFF  }
0x53: {  	[sflag:s0] =	ssyncadd.tile.s32 @!p0 $0x1;
	_ =	shalt  }
.Lfunc_end1:
_tile_overlayer_lowered:
.L_overlay_start_2:
0x54: {  	(tag) =	ssettag $0x2  }
0x55: {  	s0 =	rddreg [dreg:$0x0];
	s2 =	stileid.u32  }
0x56: {  	s1 =	rddreg [dreg:$0x1];
	p0 =	sne.s32 s2, $0x0  }
0x57: {  	s3 =	rddreg [dreg:$0x2];
	[bflag:$0x3] =	sbarrier.arrive $0xFFFF;
	s2 =	simm.s32 @!p0 $0x1C01  }
0x58: {  	[timem:s3], [sflag:s2] =	dma.local @!p0 [hbm:s0], s1  }
0x59: {  	s0 =	simm.s32 @!p0 $0x1  }
0x5a: {  	_ =	swait.ge @!p0 [sflag:s0], s1  }
0x5b: {  	s1 =	ssub.s32 @!p0 $0x0, s1;
	[sflag:s0] =	ssyncset.done @!p0 $0x0  }
0x5c: {  	[sflag:s0] =	ssyncadd.s32 @!p0 s1  }
0x5d: {  	[bflag:$0x3] =	sbarrier.arrive $0xFFFF  }
0x5e: {  	_ =	shalt  }

// kernel: sparse-core-data-format-call.cloned.1.call-start
scs
called_computation_lowered:
.L_overlay_start_0:
0x0: {  	s2 =	sld [smem:$0x3FD9]  }
0x1: {  	s3 =	sld [smem:$0x3FFE];
	_ =	sdelay $0x1  }
0x2: {  	s1 =	srdreg.scid  }
0x3: {  	s0 =	sand.u32 $0x1, s1  }
0x4: {  	s18 =	sshll.u32 s0, $0xA;
	s2 =	sadd.s32 s3, s2  }
0x5: {  	s2 =	sadd.s32 s2, s18  }
0x6: {  	[smem:$0x3FC6] =	sst s2  }
0x7: {  	_ = 	snop  }
0x8: {  	s2 =	sld [smem:$0x3FC8];
	(tm) =	ssettm $0x1  }
0x9: {  	s19 =	sld [smem:$0x3FFB];
	_ =	sdelay $0x3  }
0xa: {  	_ =	strace s19  }
0xb: {  	s3 =	sld [smem:$0x3FFC];
	_ =	sdelay $0x3  }
0xc: {  	_ =	strace s3  }
0xd: {  	s3 =	sld [smem:$0x3FFD];
	_ =	sdelay $0x3  }
0xe: {  	_ =	strace s3  }
0xf: {  	_ =	strace $0x8FFFFFFF  }
0x10: {  	s20 =	sld [smem:$0x3FDB];
	_ =	sdelay $0x1  }
0x11: {  	s4 =	simm.s32 $_scs_section_size  }
0x12: {  	s5 =	simm.s32 $_size__tile_overlayer_lowered;
	s6 =	simm.s32 $_tile_overlayer_lowered  }
0x13: {  	s23 =	simm.s32 $0x1BFF;
	s22 =	sshll.u32 s6, $0x1;
	s3 =	sadd.s32 s4, s20  }
0x14: {  	s7 =	simm.s32 $0x0;
	s21 =	sshll.u32 s5, $0x1;
	s5 =	sadd.s32 s22, s3  }
0x15: {  	[timem:s7], [sflag:s23] =	dma.local [hbm:s5], s21  }
0x16: {  	_ =	swait.ge [sflag:s23], s21  }
0x17: {  	s4 =	ssub.s32 $0x0, s21;
	[sflag:s23] =	ssyncset.done $0x0  }
0x18: {  	[sflag:s23] =	ssyncadd.s32 s4;
	_ =	sdelay $0x1  }
0x19: {  	s24 =	simm.s32 $0x1B8B  }
0x1a: {  	_ =	swait.ge [sflag:s24], $0x1  }
0x1b: {  	[sflag:s24] =	ssyncset.done $0x0  }
0x1c: {  	s26 =	simm.s32 $0x1B8E;
	s25 =	sld [smem:$0x3FFE];
	[sflag:s24] =	ssyncadd.s32 $0xFFFFFFFF  }
0x1d: {  	s27 =	simm.s32 $execute0_lowered;
	[smem:$0x3FD2] =	sst s26  }
0x1e: {  	s5 =	sshll.u32 s27, $0x1;
	_ =	strace $0x80000046;
	[dreg:$0x1] =	wrdreg $0xFFFFFFFF  }
0x1f: {  	s28 =	simm.s32 $_size_execute0_lowered;
	s3 =	sadd.s32 s3, s5;
	[dreg:$0x0] =	wrdreg $0x0  }
0x20: {  	s5 =	sshll.u32 s28, $0x1;
	[dreg:$0x2] =	wrdreg s3  }
0x21: {  	[dreg:$0x3] =	wrdreg s5  }
0x22: {  	[dreg:$0x4] =	wrdreg $0xC0  }
0x23: {  	_ =	task [dreg:s7], $0x5FFFF  }
0x24: {  	[dreg:$0x1] =	wrdreg $0xFFFFFFFF  }
0x25: {  	[dreg:$0x0] =	wrdreg $0x60  }
0x26: {  	[dreg:$0x2] =	wrdreg s2  }
0x27: {  	[dreg:$0x3] =	wrdreg s25  }
0x28: {  	[dreg:$0x4] =	wrdreg $0x9  }
0x29: {  	_ =	task.clear_ibuf [dreg:s7], $0x5FFFF;
	_ =	strace $0x90000046  }
0x2a: {  	s29 =	simm.s32 $0x9;
	_ =	strace $0x80000048  }
0x2b: {  	_ =	swait.ge [sflag:s29], $0x1  }
0x2c: {  	[sflag:s29] =	ssyncadd.s32 $0xFFFFFFFF  }
0x2d: {  	_ =	strace $0x90000048  }
0x2e: {  	_ =	sfence  }
0x2f: {  	s30 =	sld [smem:$0x0];
	_ =	sdelay $0x2  }
0x30: {  	s31 =	sshll.u32 s1, $0xD;
	s1 =	sshrl.u32 s1, $0x2  }
0x31: {  	s3 =	sand.u32 $0x4000, s31;
	s1 =	sadd.s32 s1, s30  }
0x32: {  	s0 =	sor.u32 s3, s0;
	s1 =	sshll.u32 s1, $0x11  }
0x33: {  	s0 =	sor.u32 s1, s0  }
0x34: {  	s0 =	sadd.s32 $0x8F2B, s0  }
0x35: {  	[sflag:s0] =	ssyncadd.remote.s32 $0x1  }
0x36: {  	_ =	sfence.sel $0xFFFF  }
0x37: {  	[dreg:$0x0] =	wrdreg $0xFFFFFFFF;
	(pc) =	sbr.abs _section_cstart, $3  }
0x38: {  	[dreg:$0x1] =	wrdreg $0xFFFFFFFF  }
0x39: {  	_ =	task.clear_ibuf [dreg:s7], $0x2FFFF;
	_ =	strace $0x9FFFFFFF  }
0x3a: {  	(tm) =	ssettm $0x7FFFFFFF  }
0x3b: {  	_ =	shalt  }
tec
execute0_lowered:
.L_overlay_start_1:
0x0: {  	(tag) =	ssettag $0x1  }
0x1: {  	s0 =	srdreg.scid  }
0x2: {  	s1 =	sshll.u32 s0, $0x4  }
0x3: {  	s2 =	rddreg [dreg:$0x0];
	s0 =	stileid.u32;
	s1 =	sand.u32 $0x10, s1  }
0x4: {  	s4 =	rddreg [dreg:$0x1];
	s7 =	simm.s32 $0x1;
	s1 =	sor.u32 s0, s1  }
0x5: {  	s8 =	simm.s32 $0x2;
	s9 =	simm.s32 $0x0;
	s3 =	sshll.u32 s1, $0x1  }
0x6: {  	s12 =	simm.s32 $0x0;
	s11 =	simm.s32 $0x0;
	s6 =	ssub.s32 $0x400, s3  }
.Ltmp0:
0x7: {  	s4 =	sadd.s32 $0xC00, s4;
	s5 =	sand.u32 $0x3E, s6;
	(pc) =	sbr.rel .LBB1_1-.Ltmp0, $4  }
0x8: {  	s1 =	rddreg [dreg:$0x2];
	_ =	strace $0x80000047;
	p0 =	sne.s32 s5, $0x0  }
0x9: {  	s6 =	sshrl.u32 s6, $0x6;
	s5 =	simm.s32 $0x1;
	s7 =	simm.s32 @!p0 $0x0  }
0xa: {  	s10 =	smov.u32 s3;
	[sflag:s5] =	ssyncpa.u1 $0x0;
	s6 =	sadd.s32 s7, s6  }
0xb: {  	[sflag:s8] =	ssyncpa.u1 $0x0;
	s8 =	simm.s32 $0x0;
	s7 =	sadd.s32 $0x1, s6  }
.LBB1_9:
0xc: {  	s14 =	sadd.s32 $0x40, s10  }
0xd: {  	p1 =	sgt.s32 s14, $0x3FF  }
0xe: {  	s14 =	smov.u32 @p1 s3;
	p1 =	sne.s32 s11, s7  }
.Ltmp1:
0xf: {  	p0 =	slt.u32 s11, $0x2;
	(pc) =	sbr.rel @!p1 .LBB1_10-.Ltmp1, $4  }
0x10: {  	s13 =	simm.s32 @!p0 $0x2  }
0x11: {  	s15 =	sadd.s32 $0x1, s11;
	_ =	swait.ge @!p0 [sflag:s13], $0x4000  }
0x12: {  	s12 =	smov.u32 s10;
	s9 =	sadd.s32 $0x4000, s9;
	[sflag:s13] =	ssyncset.done @!p0 $0x0  }
0x13: {  	s11 =	smov.u32 s15;
	s10 =	smov.u32 s14;
	[sflag:s13] =	ssyncadd.s32 @!p0 $0xFFFFC000  }
.LBB1_1:
0x14: {  	p0 =	sge.u32 s11, s6  }
0x15: {  	s13 =	sxor.u32 @!p0 $0xFFFFFFFF, s11  }
0x16: {  	s31 =	sadd.s32 $0xFFFFFFFF, s11;
	s14 =	sshll.u32 @!p0 s10, $0xA;
	s13 =	sshll.u32 @!p0 s13, $0xE  }
0x17: {  	s15 =	simm.s32 @!p0 $0x0;
	s14 =	sadd.s32 @!p0 s2, s14;
	s13 =	sand.u32 @!p0 $0x4000, s13  }
0x18: {  	[tilespmem:s13], [sflag:$0x1] =	stream.linear.gather @!p0 [hbm4b:s14+s15], $0x4000, $0x38;
	[tilespmem:$0x10000] =	vst v63  }
0x19: {  	p0 =	sge.u32 s31, s6  }
.Ltmp2:
0x1a: {  	_ = 	snop;
	(pc) =	sbr.rel @p0 .LBB1_9-.Ltmp2, $1  }
0x1b: {  	_ =	sdelay $0x3  }
0x1c: {  	s13 =	sshll.u32 s9, $0x2  }
0x1d: {  	_ =	swait.ge [sflag:s5], $0x4000;
	s14 =	sshll.u32 s11, $0xE;
	s16 =	simm.s32 $0x0  }
0x1e: {  	p1 =	por $0x1, $0x1;
	s13 =	sand.u32 $0x10000, s13;
	[sflag:s5] =	ssyncset.done $0x0  }
0x1f: {  	s14 =	sand.u32 $0x4000, s14;
	s15 =	sshrl.u32 s13, $0x2;
	[sflag:s5] =	ssyncadd.s32 $0xFFFFC000  }
0x20: {  	s13 =	sor.u32 $0x8000, s14;
	s14 =	sadd.s32 $0x8040, s15;
	s15 =	sadd.s32 $0x40, s15  }
.LBB1_3:
0x21: {  	s16 =	sshll.u32 s16, $0x2  }
0x22: {  	p0 =	por p1, p1;
	s17 =	sshra.s32 s16, $0x2  }
0x23: {  	s18 =	simm.s32 $0x0;
	s16 =	sadd.s32 s17, s14;
	s17 =	sadd.s32 s17, s15  }
.LBB1_4:
0x24: {  	v0 =	vmov s17;
	_ =	sdelay $0x3  }
0x25: {  	s20 =	simm.s32 $0x0  }
0x26: {  	v6 =	vld.idx.msk [tilespmem:v0+s20+$0x30 ss:$0x1], $0xffff  }
0x27: {  	v7 =	vld.idx.msk [tilespmem:v0+s20+$0xFFFFFFC0 ss:$0x1], $0xffff  }
0x28: {  	v5 =	vld.idx.msk [tilespmem:v0+s20+$0xFFFFFFD0 ss:$0x1], $0xffff  }
0x29: {  	v4 =	vld.idx.msk [tilespmem:v0+s20+$0xFFFFFFE0 ss:$0x1], $0xffff  }
0x2a: {  	v3 =	vld.idx.msk [tilespmem:v0+s20+$0xFFFFFFF0 ss:$0x1], $0xffff  }
0x2b: {  	v1 =	vld.idx.msk [tilespmem:v0+s20+$0x0 ss:$0x1], $0xffff  }
0x2c: {  	v2 =	vld.idx.msk [tilespmem:v0+s20+$0x10 ss:$0x1], $0xffff;
	[tilespmem:s16+$0x30] =	vst v6  }
0x2d: {  	s19 =	simm.s32 $0x80;
	s21 =	simm.s32 $0x400;
	[tilespmem:s16+$0xFFFFFFC0] =	vst v7;
	v6 =	vld.idx.msk [tilespmem:v0+s20+$0x20 ss:$0x1], $0xffff;
	s20 =	smov.u32 s16  }
.LBB1_5:
0x2e: {  	p1 =	sne.s32 s21, $0xE00;
	v7 =	vld.idx.msk [tilespmem:v0+s19+$0x30 ss:$0x1], $0xffff;
	[tilespmem:s20+$0xFFFFFFD0] =	vst v5  }
0x2f: {  	v8 =	vld.idx.msk [tilespmem:v0+s19+$0xFFFFFFC0 ss:$0x1], $0xffff;
	[tilespmem:s20+$0xFFFFFFE0] =	vst v4  }
0x30: {  	v5 =	vld.idx.msk [tilespmem:v0+s19+$0xFFFFFFD0 ss:$0x1], $0xffff;
	[tilespmem:s20+$0xFFFFFFF0] =	vst v3  }
.Ltmp3:
0x31: {  	v4 =	vld.idx.msk [tilespmem:v0+s19+$0xFFFFFFE0 ss:$0x1], $0xffff;
	[tilespmem:s20+$0x0] =	vst v1;
	(pc) =	sbr.rel @p1 .LBB1_5-.Ltmp3, $4  }
0x32: {  	v3 =	vld.idx.msk [tilespmem:v0+s19+$0xFFFFFFF0 ss:$0x1], $0xffff;
	[tilespmem:s20+$0x10] =	vst v2  }
0x33: {  	v1 =	vld.idx.msk [tilespmem:v0+s19+$0x0 ss:$0x1], $0xffff;
	[tilespmem:s20+$0x20] =	vst v6;
	s20 =	sadd.s32 $0x400, s20  }
0x34: {  	v2 =	vld.idx.msk [tilespmem:v0+s19+$0x10 ss:$0x1], $0xffff;
	[tilespmem:s20+$0x30] =	vst v7  }
0x35: {  	[tilespmem:s20+$0xFFFFFFC0] =	vst v8;
	v6 =	vld.idx.msk [tilespmem:v0+s19+$0x20 ss:$0x1], $0xffff;
	s19 =	sshra.s32 s21, $0x2;
	s21 =	sadd.s32 $0x200, s21  }
0x36: {  	_ =	sdelay $0x2  }
0x37: {  	[tilespmem:s20+$0xFFFFFFD0] =	vst v5  }
0x38: {  	v56 =	vld.idx.msk [tilespmem:v0+s19+$0x30 ss:$0x1], $0xffff;
	[tilespmem:s20+$0xFFFFFFE0] =	vst v4  }
0x39: {  	v57 =	vld.idx.msk [tilespmem:v0+s19+$0xFFFFFFC0 ss:$0x1], $0xffff;
	[tilespmem:s20+$0xFFFFFFF0] =	vst v3  }
0x3a: {  	v58 =	vld.idx.msk [tilespmem:v0+s19+$0xFFFFFFD0 ss:$0x1], $0xffff;
	[tilespmem:s20+$0x0] =	vst v1  }
0x3b: {  	v59 =	vld.idx.msk [tilespmem:v0+s19+$0xFFFFFFE0 ss:$0x1], $0xffff;
	[tilespmem:s20+$0x10] =	vst v2  }
0x3c: {  	v60 =	vld.idx.msk [tilespmem:v0+s19+$0xFFFFFFF0 ss:$0x1], $0xffff;
	s31 =	sadd.s32 $0x400, s20;
	[tilespmem:s20+$0x20] =	vst v6  }
0x3d: {  	v61 =	vld.idx.msk [tilespmem:v0+s19+$0x0 ss:$0x1], $0xffff;
	[tilespmem:s31+$0x30] =	vst v56  }
0x3e: {  	v62 =	vld.idx.msk [tilespmem:v0+s19+$0x10 ss:$0x1], $0xffff;
	s18 =	sadd.s32 $0x1, s18;
	[tilespmem:s31+$0xFFFFFFC0] =	vst v57  }
0x3f: {  	v63 =	vld.idx.msk [tilespmem:v0+s19+$0x20 ss:$0x1], $0xffff;
	p1 =	sne.s32 s18, $0x8;
	[tilespmem:s31+$0xFFFFFFD0] =	vst v58  }
.Ltmp4:
0x40: {  	[tilespmem:s31+$0xFFFFFFE0] =	vst v59;
	(pc) =	sbr.rel @p1 .LBB1_4-.Ltmp4, $4  }
0x41: {  	[tilespmem:s31+$0xFFFFFFF0] =	vst v60  }
0x42: {  	[tilespmem:s31+$0x0] =	vst v61  }
0x43: {  	[tilespmem:s31+$0x10] =	vst v62  }
0x44: {  	s16 =	sadd.s32 $0x80, s16;
	s17 =	sadd.s32 $0x400, s17;
	[tilespmem:s31+$0x20] =	vst v63  }
.Ltmp5:
0x45: {  	(pc) =	sbr.rel @p0 .LBB1_3-.Ltmp5, $2  }
0x46: {  	_ =	sdelay $0x2  }
0x47: {  	s16 =	simm.s32 $0x2000;
	p1 =	por $0x0, $0x0  }
.Ltmp6:
0x48: {  	(pc) =	sbr.rel .LBB1_9-.Ltmp6, $4  }
0x49: {  	_ = 	snop  }
0x4a: {  	s12 =	sshll.u32 s12, $0xA  }
0x4b: {  	s12 =	sadd.s32 s4, s12  }
0x4c: {  	[hbm4b:s12+s8] =	stream.linear.scatter [tilespmem:s13], [sflag:$0x2], $0x4000, $0x38;
	[tilespmem:$0x10000] =	vst v63  }
.LBB1_10:
0x4d: {  	_ =	sfence.sel $0x180000  }
0x4e: {  	s2 =	simm.s32 $0x1;
	[bflag:$0x0] =	sbarrier.arrive $0xFFFF  }
0x4f: {  	s31 =	simm.s32 $0x2;
	[sflag:s2] =	ssyncpa.u1 $0x1  }
0x50: {  	[sflag:s31] =	ssyncpa.u1 $0x1  }
0x51: {  	p0 =	sne.s32 s0, $0x0;
	_ =	strace $0x90000047  }
0x52: {  	s0 =	sadd.s32 @!p0 $0x100000, s1;
	[bflag:$0x2] =	sbarrier.arrive $0xFFFF  }
0x53: {  	[sflag:s0] =	ssyncadd.tile.s32 @!p0 $0x1;
	_ =	shalt  }
.Lfunc_end1:
_tile_overlayer_lowered:
.L_overlay_start_2:
0x54: {  	(tag) =	ssettag $0x2  }
0x55: {  	s0 =	rddreg [dreg:$0x0];
	s2 =	stileid.u32  }
0x56: {  	s1 =	rddreg [dreg:$0x1];
	p0 =	sne.s32 s2, $0x0  }
0x57: {  	s3 =	rddreg [dreg:$0x2];
	[bflag:$0x3] =	sbarrier.arrive $0xFFFF;
	s2 =	simm.s32 @!p0 $0x1C01  }
0x58: {  	[timem:s3], [sflag:s2] =	dma.local @!p0 [hbm:s0], s1  }
0x59: {  	s0 =	simm.s32 @!p0 $0x1  }
0x5a: {  	_ =	swait.ge @!p0 [sflag:s0], s1  }
0x5b: {  	s1 =	ssub.s32 @!p0 $0x0, s1;
	[sflag:s0] =	ssyncset.done @!p0 $0x0  }
0x5c: {  	[sflag:s0] =	ssyncadd.s32 @!p0 s1  }
0x5d: {  	[bflag:$0x3] =	sbarrier.arrive $0xFFFF  }
0x5e: {  	_ =	shalt  }

</sc_bundles>
